<compile_context>
chip_gen: v7x
topology: tpu7x:2x2x1
jax: 0.10.2.dev20260603
libtpu: 0.0.44.dev20260713+nightly
codegen_flags: <defaults>
</compile_context>

<pallas_src>
import functools

import jax
import jax.numpy as jnp
from jax import lax
from jax.experimental import pallas as pl
from jax.experimental.pallas import tpu as pltpu
from jax.experimental.pallas import tpu_sc as plsc

_N = 10000
_E = 320000
_D = 128
_NC = 2
_NS = 16
_K = 80
_CPT = _E // (_NC * _NS * _K)
_RPS = 1000
_RB = 1000

_MESH = dict(core_axis_name="c", subcore_axis_name="s", num_cores=_NC,
             num_subcores=_NS)


def _sc_degrees(sd):
    per_tile = _E // _NS
    n_chunks = per_tile // _K
    n_grp = n_chunks // 2

    @functools.partial(
        pl.kernel,
        out_type=jax.ShapeDtypeStruct((2 * _N,), jnp.float32),
        mesh=plsc.VectorSubcoreMesh(**_MESH),
        scratch_types=[
            pltpu.VMEM((2, _K), jnp.int32),
            pltpu.VMEM((_K,), jnp.float32),
            pltpu.VMEM((_RPS,), jnp.float32),
            pltpu.VMEM_SHARED((_N,), jnp.float32),
            pltpu.SemaphoreType.DMA,
            pltpu.SemaphoreType.DMA,
        ],
    )
    def deg_kernel(sd_hbm, out_hbm, idx_v, ones_v, zero_v, acc_sh, si0, si1):
        ci = lax.axis_index("c")
        si = lax.axis_index("s")
        sem = (si0, si1)

        @pl.loop(0, _K, step=16)
        def _(i):
            ones_v[pl.ds(i, 16)] = jnp.full((16,), 1.0, jnp.float32)

        @pl.when(si < 10)
        def _():
            @pl.loop(0, _RPS, step=16)
            def _(i):
                zero_v[pl.ds(i, 16)] = jnp.full((16,), 0.0, jnp.float32)

            pltpu.sync_copy(zero_v, acc_sh.at[pl.ds(si * _RPS, _RPS)])

        plsc.subcore_barrier()
        base = ci * _E + si * per_tile

        def idx_src(q):
            return sd_hbm.at[pl.ds(base + q * _K, _K)]

        pltpu.sync_copy(idx_src(0), idx_v.at[0])

        @pl.loop(0, n_grp)
        def _(grp):
            for b in (0, 1):
                nb = 1 - b
                q = 2 * grp + b
                if b == 0:
                    pltpu.async_copy(idx_src(q + 1), idx_v.at[nb], sem[nb])
                else:
                    @pl.when(grp < n_grp - 1)
                    def _():
                        pltpu.async_copy(idx_src(q + 1), idx_v.at[nb],
                                         sem[nb])

                if b == 0:
                    @pl.when(grp > 0)
                    def _():
                        pltpu.make_async_copy(idx_src(q), idx_v.at[b],
                                              sem[b]).wait()
                else:
                    pltpu.make_async_copy(idx_src(q), idx_v.at[b],
                                          sem[b]).wait()

                pltpu.sync_copy(ones_v, acc_sh.at[idx_v.at[b]], add=True)

        plsc.subcore_barrier()

        @pl.when(si < 10)
        def _():
            pltpu.sync_copy(acc_sh.at[pl.ds(si * _RPS, _RPS)], zero_v)
            pltpu.sync_copy(zero_v,
                            out_hbm.at[pl.ds(ci * _N + si * _RPS, _RPS)])

    return deg_kernel(sd)


def _sc_agg(g, src, dst, zeros_blk):
    per_tile = _E // (_NC * _NS)

    @functools.partial(
        pl.kernel,
        out_type=jax.ShapeDtypeStruct((2 * _N, _D), jnp.float32),
        mesh=plsc.VectorSubcoreMesh(**_MESH),
        scratch_types=[
            pltpu.VMEM((4, _K), jnp.int32),
            pltpu.VMEM((4, _K), jnp.int32),
            pltpu.VMEM((4, _K, _D), jnp.float32),
            pltpu.VMEM_SHARED((_N, _D), jnp.float32),
            [pltpu.SemaphoreType.DMA] * 4,
            [pltpu.SemaphoreType.DMA] * 4,
            [pltpu.SemaphoreType.DMA] * 4,
        ],
    )
    def agg_kernel(g_hbm, src_hbm, dst_hbm, zeros_hbm, out_hbm, sidx_v,
                   didx_v, rows_v, acc_sh, isem, gsem, ssem):
        ci = lax.axis_index("c")
        si = lax.axis_index("s")

        @pl.when(si < 10)
        def _():
            pltpu.sync_copy(zeros_hbm, acc_sh.at[pl.ds(si * _RPS, _RPS)])

        plsc.subcore_barrier()
        base = (ci * _NS + si) * per_tile

        def idx_fetch(q, s):
            off = base + q * _K
            pltpu.async_copy(src_hbm.at[pl.ds(off, _K)], sidx_v.at[s],
                             isem[s])
            pltpu.async_copy(dst_hbm.at[pl.ds(off, _K)], didx_v.at[s],
                             isem[s])

        def wait_idx(s):
            pltpu.make_async_copy(src_hbm.at[pl.ds(base, _K)],
                                  sidx_v.at[s], isem[s]).wait()
            pltpu.make_async_copy(dst_hbm.at[pl.ds(base, _K)],
                                  didx_v.at[s], isem[s]).wait()

        def gather(s):
            pltpu.async_copy(g_hbm.at[sidx_v.at[s]], rows_v.at[s], gsem[s])

        def wait_gather(s):
            pltpu.make_async_copy(g_hbm.at[sidx_v.at[s]], rows_v.at[s],
                                  gsem[s]).wait()

        def scatter(s):
            pltpu.async_copy(rows_v.at[s], acc_sh.at[didx_v.at[s]],
                             ssem[s], add=True)

        def wait_scatter(s):
            pltpu.make_async_copy(rows_v.at[s], acc_sh.at[didx_v.at[s]],
                                  ssem[s]).wait()

        idx_fetch(0, 0)
        idx_fetch(1, 1)
        wait_idx(0)
        gather(0)

        @pl.loop(0, (_CPT - 1) // 4)
        def _(grp):
            for b in range(4):
                s0 = b
                s1 = (b + 1) % 4
                s2 = (b + 2) % 4

                if b < 2:
                    @pl.when(grp > 0)
                    def _():
                        wait_scatter(s2)
                else:
                    wait_scatter(s2)

                if b == 3:
                    @pl.when(grp < (_CPT - 1) // 4 - 1)
                    def _():
                        idx_fetch(4 * grp + b + 2, s2)
                else:
                    idx_fetch(4 * grp + b + 2, s2)

                wait_gather(s0)
                scatter(s0)
                wait_idx(s1)
                gather(s1)

        wait_scatter(2)
        wait_gather(0)
        scatter(0)
        wait_scatter(3)
        wait_scatter(0)
        plsc.subcore_barrier()

        @pl.when(si < 10)
        def _():
            pltpu.sync_copy(acc_sh.at[pl.ds(si * _RPS, _RPS)],
                            out_hbm.at[pl.ds(ci * _N + si * _RPS, _RPS)])

    return agg_kernel(g, src, dst, zeros_blk)


def _norm(deg):
    return jnp.where(deg > 0, lax.rsqrt(jnp.maximum(deg, 1.0)), 0.0)


def _mm(a, b):
    return lax.dot_general(a, b, (((1,), (0,)), ((), ())),
                           precision=lax.Precision.HIGHEST,
                           preferred_element_type=jnp.float32)


def _tc_mm(x, W):
    def body(x_ref, w_ref, o_ref):
        o_ref[...] = _mm(x_ref[...], w_ref[...])

    return pl.pallas_call(
        body,
        grid=(_N // _RB,),
        in_specs=[pl.BlockSpec((_RB, _D), lambda i: (i, 0)),
                  pl.BlockSpec((_D, _D), lambda i: (0, 0))],
        out_specs=pl.BlockSpec((_RB, _D), lambda i: (i, 0)),
        out_shape=jax.ShapeDtypeStruct((_N, _D), jnp.float32),
    )(x, W)


def _tc_scale(p, degout):
    def body(p_ref, d_ref, o_ref):
        o_ref[...] = p_ref[...] * _norm(d_ref[...])

    return pl.pallas_call(
        body,
        grid=(_N // _RB,),
        in_specs=[pl.BlockSpec((_RB, _D), lambda i: (i, 0)),
                  pl.BlockSpec((_RB, 1), lambda i: (i, 0))],
        out_specs=pl.BlockSpec((_RB, _D), lambda i: (i, 0)),
        out_shape=jax.ShapeDtypeStruct((_N, _D), jnp.float32),
    )(p, degout)


def _tc_mid(agg, degin, b1, W2, degout):
    def body(a_ref, di_ref, b_ref, w_ref, do_ref, o_ref):
        s = a_ref[0] + a_ref[1]
        h = jnp.maximum(s * _norm(di_ref[...]) + b_ref[...], 0.0)
        o_ref[...] = _mm(h, w_ref[...]) * _norm(do_ref[...])

    return pl.pallas_call(
        body,
        grid=(_N // _RB,),
        in_specs=[pl.BlockSpec((_NC, _RB, _D), lambda i: (0, i, 0)),
                  pl.BlockSpec((_RB, 1), lambda i: (i, 0)),
                  pl.BlockSpec((1, _D), lambda i: (0, 0)),
                  pl.BlockSpec((_D, _D), lambda i: (0, 0)),
                  pl.BlockSpec((_RB, 1), lambda i: (i, 0))],
        out_specs=pl.BlockSpec((_RB, _D), lambda i: (i, 0)),
        out_shape=jax.ShapeDtypeStruct((_N, _D), jnp.float32),
    )(agg, degin, b1, W2, degout)


def _tc_fin(agg, degin, b2):
    def body(a_ref, di_ref, b_ref, o_ref):
        o_ref[...] = (a_ref[0] + a_ref[1]) * _norm(di_ref[...]) + b_ref[...]

    return pl.pallas_call(
        body,
        grid=(_N // _RB,),
        in_specs=[pl.BlockSpec((_NC, _RB, _D), lambda i: (0, i, 0)),
                  pl.BlockSpec((_RB, 1), lambda i: (i, 0)),
                  pl.BlockSpec((1, _D), lambda i: (0, 0))],
        out_specs=pl.BlockSpec((_RB, _D), lambda i: (i, 0)),
        out_shape=jax.ShapeDtypeStruct((_N, _D), jnp.float32),
    )(agg, degin, b2)


def kernel(x, edge_index, W1, b1, W2, b2):
    src = edge_index[0]
    dst = edge_index[1]
    sd = jnp.concatenate([src, dst])
    zeros_blk = jnp.zeros((_RPS, _D), jnp.float32)

    deg = _sc_degrees(sd).reshape(_NC, _N, 1)
    degout = deg[0]
    degin = deg[1]

    p1 = _tc_mm(x, W1)
    g1 = _tc_scale(p1, degout)
    agg1 = _sc_agg(g1, src, dst, zeros_blk).reshape(_NC, _N, _D)
    g2 = _tc_mid(agg1, degin, b1.reshape(1, _D), W2, degout)
    agg2 = _sc_agg(g2, src, dst, zeros_blk).reshape(_NC, _N, _D)
    return _tc_fin(agg2, degin, b2.reshape(1, _D))

# --- scband reference (transcript-rebuilt; emitter-appended) ---
"""Pipeline reference for scband-gnn-30064771072959 (READ-ONLY COPY).

The authoritative reference and input builder live on the scoring server;
editing this copy changes nothing except your own understanding.
"""

import jax, jax.numpy as jnp
import numpy as np

N = 10000
E = 320000
F = 128
D = 128


def setup_inputs(seed: int = 0) -> dict:
    key = jax.random.key(seed)
    k1, k2, k3, k4, k5, k6 = jax.random.split(key, 6)
    x = jax.random.normal(k1, (N, F), dtype=jnp.float32)
    edge_index = jax.random.randint(k2, (2, E), 0, N, dtype=jnp.int32)
    W1 = jax.random.normal(k3, (F, D), dtype=jnp.float32) * (1.0 / np.sqrt(F))
    b1 = jnp.zeros((D,), dtype=jnp.float32)
    W2 = jax.random.normal(k4, (D, D), dtype=jnp.float32) * (1.0 / np.sqrt(D))
    b2 = jnp.zeros((D,), dtype=jnp.float32)
    return {"x": x, "edge_index": edge_index, "W1": W1, "b1": b1, "W2": W2, "b2": b2}


def _gcn_layer(h, src, dst, W, b, activation):
    # DGL GraphConv with norm='both': h' = D_in^{-1/2} A D_out^{-1/2} h W + b
    ones = jnp.ones((E,), dtype=h.dtype)
    deg_out = jax.ops.segment_sum(ones, src, num_segments=N)
    deg_in = jax.ops.segment_sum(ones, dst, num_segments=N)
    norm_src = jnp.where(deg_out > 0, jax.lax.rsqrt(jnp.maximum(deg_out, 1.0)), 0.0)
    norm_dst = jnp.where(deg_in > 0, jax.lax.rsqrt(jnp.maximum(deg_in, 1.0)), 0.0)
    h = h * norm_src[:, None]
    h = h @ W
    msgs = jnp.take(h, src, axis=0)  # gather source features per edge
    agg = jax.ops.segment_sum(msgs, dst, num_segments=N)  # scatter-add to dst
    out = agg * norm_dst[:, None] + b
    if activation is not None:
        out = activation(out)
    return out


def reference(x, edge_index, W1, b1, W2, b2):
    src = edge_index[0]
    dst = edge_index[1]
    h = _gcn_layer(x, src, dst, W1, b1, jax.nn.relu)   # layer 0: relu (not last)
    h = _gcn_layer(h, src, dst, W2, b2, None)          # layer 1: last, no activation
    return h

if __name__ == "__main__":
    import jax
    _d = setup_inputs()
    print(jax.jit(kernel)(*tuple(_d.values())))

</pallas_src>

<mosaic_0001>
#map = affine_map<(d0, d1) -> (0)>
module attributes {stable_mosaic.version = 14 : i64} {
  func.func @deg_kernel(%arg0: i32, %arg1: i32, %arg2: memref<640000xi32, #tpu.memory_space<hbm>>, %arg3: memref<20000xf32, #tpu.memory_space<hbm>>, %arg4: memref<2x80xi32, #tpu.memory_space<vmem>>, %arg5: memref<80xf32, #tpu.memory_space<vmem>>, %arg6: memref<1000xf32, #tpu.memory_space<vmem>>, %arg7: memref<10000xf32, #tpu.memory_space<vmem_shared>>, %arg8: memref<!tpu.dma_semaphore, #tpu.memory_space<semaphore_mem>>, %arg9: memref<!tpu.dma_semaphore, #tpu.memory_space<semaphore_mem>>) attributes {dimension_semantics = [#tpu.dimension_semantics<core_parallel>, #tpu.dimension_semantics<subcore_parallel>], iteration_bounds = array<i64: 2, 16>, scalar_prefetch = 0 : i64, scratch_operands = 6 : i64, tpu.core_type = #tpu.core_type<sc_vector_subcore>, window_params = [{transform_indices = #map}, {transform_indices = #map}]} {
    %scan3A = arith.constant 0 : i32
    %scan3A_0 = arith.constant 5 : i32
    %scan3A_1 = arith.addi %scan3A, %scan3A_0 : i32
    %scan3A_2 = arith.constant 1 : i32
    scf.for %scan3A_22 = %scan3A to %scan3A_1 step %scan3A_2  : i32 {
      %mul3A_23 = arith.constant 16 : i32
      %mul3A_24 = arith.muli %scan3A_22, %mul3A_23 : i32
      %add3A_25 = arith.constant 0 : i32
      %add3A_26 = arith.addi %add3A_25, %mul3A_24 : i32
      %broadcast_in_dim3A = arith.constant 1.000000e+00 : f32
      %broadcast_in_dim3A_27 = vector.broadcast %broadcast_in_dim3A : f32 to vector<16xf32>
      %swap3A = arith.index_cast %add3A_26 : i32 to index
      %swap3A_28 = tpu.vector_load %arg5[%swap3A] {strides = array<i32>} : memref<80xf32, #tpu.memory_space<vmem>>, vector<16xf32>,
      %swap3A_29 = vector.shape_cast %swap3A_28 : vector<16xf32> to vector<16xf32>
      %swap3A_30 = vector.shape_cast %broadcast_in_dim3A_27 : vector<16xf32> to vector<16xf32>
      tpu.vector_store %arg5[%swap3A], %swap3A_30 {strides = array<i32>} : memref<80xf32, #tpu.memory_space<vmem>>, vector<16xf32>,
    }
    %scan3A_3 = arith.constant 5 : i32
    %lt3A = arith.constant 10 : i32
    %lt3A_4 = arith.cmpi slt, %arg1, %lt3A : i32
    %convert_element_type3A = arith.extui %lt3A_4 : i1 to i32
    %cond3A = arith.constant 0 : i32
    %cond3A_5 = arith.cmpi ne, %convert_element_type3A, %cond3A : i32
    scf.if %cond3A_5 {
      %scan3A_22 = arith.constant 0 : i32
      %scan3A_23 = arith.constant 63 : i32
      %scan3A_24 = arith.addi %scan3A_22, %scan3A_23 : i32
      %scan3A_25 = arith.constant 1 : i32
      scf.for %scan3A_29 = %scan3A_22 to %scan3A_24 step %scan3A_25  : i32 {
        %mul3A_30 = arith.constant 16 : i32
        %mul3A_31 = arith.muli %scan3A_29, %mul3A_30 : i32
        %add3A_32 = arith.constant 0 : i32
        %add3A_33 = arith.addi %add3A_32, %mul3A_31 : i32
        %broadcast_in_dim3A = arith.constant 0.000000e+00 : f32
        %broadcast_in_dim3A_34 = vector.broadcast %broadcast_in_dim3A : f32 to vector<16xf32>
        %swap3A = arith.index_cast %add3A_33 : i32 to index
        %swap3A_35 = tpu.vector_load %arg6[%swap3A] {strides = array<i32>} : memref<1000xf32, #tpu.memory_space<vmem>>, vector<16xf32>,
        %swap3A_36 = vector.shape_cast %swap3A_35 : vector<16xf32> to vector<16xf32>
        %swap3A_37 = vector.shape_cast %broadcast_in_dim3A_34 : vector<16xf32> to vector<16xf32>
        tpu.vector_store %arg6[%swap3A], %swap3A_37 {strides = array<i32>} : memref<1000xf32, #tpu.memory_space<vmem>>, vector<16xf32>,
      }
      %scan3A_26 = arith.constant 63 : i32
      %mul3A_27 = arith.constant 1000 : i32
      %mul3A_28 = arith.muli %arg1, %mul3A_27 : i32
      "tpu.region"() ({
        %run_scoped3A_29 = tpu.sem_alloc : memref<!tpu.dma_semaphore, #tpu.memory_space<semaphore_mem>>
        %dma_start3A = tpu.memref_slice %arg7[%mul3A_28] : memref<10000xf32, #tpu.memory_space<vmem_shared>> -> memref<1000xf32, #tpu.memory_space<vmem_shared>>
        %dma_start3A_30 = tpu.memref_slice %arg7[%mul3A_28] : memref<10000xf32, #tpu.memory_space<vmem_shared>> -> memref<1000xf32, #tpu.memory_space<vmem_shared>>
        tpu.enqueue_dma source(%arg6 : memref<1000xf32, #tpu.memory_space<vmem>>) target(%dma_start3A_30 : memref<1000xf32, #tpu.memory_space<vmem_shared>>) target_semaphore(%run_scoped3A_29 : memref<!tpu.dma_semaphore, #tpu.memory_space<semaphore_mem>>)
        %dma_wait3A = tpu.memref_slice %arg7[%mul3A_28] : memref<10000xf32, #tpu.memory_space<vmem_shared>> -> memref<1000xf32, #tpu.memory_space<vmem_shared>>
        %dma_wait3A_31 = tpu.memref_slice %arg7[%mul3A_28] : memref<10000xf32, #tpu.memory_space<vmem_shared>> -> memref<1000xf32, #tpu.memory_space<vmem_shared>>
        tpu.wait_dma2 semaphore(%run_scoped3A_29 : memref<!tpu.dma_semaphore, #tpu.memory_space<semaphore_mem>>) src(%arg6 : memref<1000xf32, #tpu.memory_space<vmem>>) dst(%dma_wait3A_31 : memref<1000xf32, #tpu.memory_space<vmem_shared>>)
        tpu.yield
      }) : () -> ()
    } else {
    }
    %barrier3A = arith.constant 0 : index
    tpu.barrier barrier_id(%barrier3A)
    %mul3A = arith.constant 320000 : i32
    %mul3A_6 = arith.muli %arg0, %mul3A : i32
    %mul3A_7 = arith.constant 20000 : i32
    %mul3A_8 = arith.muli %arg1, %mul3A_7 : i32
    %add3A = arith.addi %mul3A_6, %mul3A_8 : i32
    %add3A_9 = arith.constant 0 : i32
    %add3A_10 = arith.addi %add3A, %add3A_9 : i32
    %run_scoped3A = arith.constant 0 : i32
    "tpu.region"() ({
      %run_scoped3A_22 = tpu.sem_alloc : memref<!tpu.dma_semaphore, #tpu.memory_space<semaphore_mem>>
      %dma_start3A = arith.constant 0 : i32
      %dma_start3A_23 = tpu.memref_slice %arg4[%run_scoped3A, %dma_start3A] : memref<2x80xi32, #tpu.memory_space<vmem>> -> memref<1x80xi32, #tpu.memory_space<vmem>>
      %dma_start3A_24 = tpu.memref_squeeze %dma_start3A_23 : memref<1x80xi32, #tpu.memory_space<vmem>> -> memref<80xi32, #tpu.memory_space<vmem>>
      %dma_start3A_25 = tpu.memref_slice %arg2[%add3A_10] : memref<640000xi32, #tpu.memory_space<hbm>> -> memref<80xi32, #tpu.memory_space<hbm>>
      %dma_start3A_26 = arith.constant 0 : i32
      %dma_start3A_27 = tpu.memref_slice %arg4[%run_scoped3A, %dma_start3A_26] : memref<2x80xi32, #tpu.memory_space<vmem>> -> memref<1x80xi32, #tpu.memory_space<vmem>>
      %dma_start3A_28 = tpu.memref_squeeze %dma_start3A_27 : memref<1x80xi32, #tpu.memory_space<vmem>> -> memref<80xi32, #tpu.memory_space<vmem>>
      %dma_start3A_29 = tpu.memref_slice %arg2[%add3A_10] : memref<640000xi32, #tpu.memory_space<hbm>> -> memref<80xi32, #tpu.memory_space<hbm>>
      tpu.enqueue_dma source(%dma_start3A_29 : memref<80xi32, #tpu.memory_space<hbm>>) target(%dma_start3A_28 : memref<80xi32, #tpu.memory_space<vmem>>) target_semaphore(%run_scoped3A_22 : memref<!tpu.dma_semaphore, #tpu.memory_space<semaphore_mem>>)
      %dma_wait3A = arith.constant 0 : i32
      %dma_wait3A_30 = tpu.memref_slice %arg4[%run_scoped3A, %dma_wait3A] : memref<2x80xi32, #tpu.memory_space<vmem>> -> memref<1x80xi32, #tpu.memory_space<vmem>>
      %dma_wait3A_31 = tpu.memref_squeeze %dma_wait3A_30 : memref<1x80xi32, #tpu.memory_space<vmem>> -> memref<80xi32, #tpu.memory_space<vmem>>
      %dma_wait3A_32 = tpu.memref_slice %arg2[%add3A_10] : memref<640000xi32, #tpu.memory_space<hbm>> -> memref<80xi32, #tpu.memory_space<hbm>>
      %dma_wait3A_33 = arith.constant 0 : i32
      %dma_wait3A_34 = tpu.memref_slice %arg4[%run_scoped3A, %dma_wait3A_33] : memref<2x80xi32, #tpu.memory_space<vmem>> -> memref<1x80xi32, #tpu.memory_space<vmem>>
      %dma_wait3A_35 = tpu.memref_squeeze %dma_wait3A_34 : memref<1x80xi32, #tpu.memory_space<vmem>> -> memref<80xi32, #tpu.memory_space<vmem>>
      %dma_wait3A_36 = tpu.memref_slice %arg2[%add3A_10] : memref<640000xi32, #tpu.memory_space<hbm>> -> memref<80xi32, #tpu.memory_space<hbm>>
      tpu.wait_dma2 semaphore(%run_scoped3A_22 : memref<!tpu.dma_semaphore, #tpu.memory_space<semaphore_mem>>) src(%dma_wait3A_36 : memref<80xi32, #tpu.memory_space<hbm>>) dst(%dma_wait3A_35 : memref<80xi32, #tpu.memory_space<vmem>>)
      tpu.yield
    }) : () -> ()
    %scan3A_11 = arith.constant 0 : i32
    %scan3A_12 = arith.constant 125 : i32
    %scan3A_13 = arith.addi %scan3A_11, %scan3A_12 : i32
    %scan3A_14 = arith.constant 1 : i32
    scf.for %scan3A_22 = %scan3A_11 to %scan3A_13 step %scan3A_14  : i32 {
      %mul3A_23 = arith.constant 1 : i32
      %mul3A_24 = arith.muli %scan3A_22, %mul3A_23 : i32
      %add3A_25 = arith.constant 0 : i32
      %add3A_26 = arith.addi %add3A_25, %mul3A_24 : i32
      %mul3A_27 = arith.constant 2 : i32
      %mul3A_28 = arith.muli %mul3A_27, %add3A_26 : i32
      %add3A_29 = arith.constant 0 : i32
      %add3A_30 = arith.addi %mul3A_28, %add3A_29 : i32
      %add3A_31 = arith.constant 1 : i32
      %add3A_32 = arith.addi %add3A_30, %add3A_31 : i32
      %mul3A_33 = arith.constant 80 : i32
      %mul3A_34 = arith.muli %add3A_32, %mul3A_33 : i32
      %add3A_35 = arith.addi %add3A, %mul3A_34 : i32
      %dma_start3A = arith.constant 1 : i32
      %dma_start3A_36 = arith.constant 0 : i32
      %dma_start3A_37 = tpu.memref_slice %arg4[%dma_start3A, %dma_start3A_36] : memref<2x80xi32, #tpu.memory_space<vmem>> -> memref<1x80xi32, #tpu.memory_space<vmem>>
      %dma_start3A_38 = tpu.memref_squeeze %dma_start3A_37 : memref<1x80xi32, #tpu.memory_space<vmem>> -> memref<80xi32, #tpu.memory_space<vmem>>
      %dma_start3A_39 = tpu.memref_slice %arg2[%add3A_35] : memref<640000xi32, #tpu.memory_space<hbm>> -> memref<80xi32, #tpu.memory_space<hbm>>
      %dma_start3A_40 = arith.constant 0 : i32
      %dma_start3A_41 = tpu.memref_slice %arg4[%dma_start3A, %dma_start3A_40] : memref<2x80xi32, #tpu.memory_space<vmem>> -> memref<1x80xi32, #tpu.memory_space<vmem>>
      %dma_start3A_42 = tpu.memref_squeeze %dma_start3A_41 : memref<1x80xi32, #tpu.memory_space<vmem>> -> memref<80xi32, #tpu.memory_space<vmem>>
      %dma_start3A_43 = tpu.memref_slice %arg2[%add3A_35] : memref<640000xi32, #tpu.memory_space<hbm>> -> memref<80xi32, #tpu.memory_space<hbm>>
      tpu.enqueue_dma source(%dma_start3A_43 : memref<80xi32, #tpu.memory_space<hbm>>) target(%dma_start3A_42 : memref<80xi32, #tpu.memory_space<vmem>>) target_semaphore(%arg9 : memref<!tpu.dma_semaphore, #tpu.memory_space<semaphore_mem>>)
      %gt3A = arith.constant 0 : i32
      %gt3A_44 = arith.cmpi sgt, %add3A_26, %gt3A : i32
      %convert_element_type3A_45 = arith.extui %gt3A_44 : i1 to i32
      %cond3A_46 = arith.constant 0 : i32
      %cond3A_47 = arith.cmpi ne, %convert_element_type3A_45, %cond3A_46 : i32
      scf.if %cond3A_47 {
        %mul3A_70 = arith.constant 80 : i32
        %mul3A_71 = arith.muli %add3A_30, %mul3A_70 : i32
        %add3A_72 = arith.addi %add3A, %mul3A_71 : i32
        %dma_wait3A_73 = arith.constant 0 : i32
        %dma_wait3A_74 = arith.constant 0 : i32
        %dma_wait3A_75 = tpu.memref_slice %arg4[%dma_wait3A_73, %dma_wait3A_74] : memref<2x80xi32, #tpu.memory_space<vmem>> -> memref<1x80xi32, #tpu.memory_space<vmem>>
        %dma_wait3A_76 = tpu.memref_squeeze %dma_wait3A_75 : memref<1x80xi32, #tpu.memory_space<vmem>> -> memref<80xi32, #tpu.memory_space<vmem>>
        %dma_wait3A_77 = tpu.memref_slice %arg2[%add3A_72] : memref<640000xi32, #tpu.memory_space<hbm>> -> memref<80xi32, #tpu.memory_space<hbm>>
        %dma_wait3A_78 = arith.constant 0 : i32
        %dma_wait3A_79 = tpu.memref_slice %arg4[%dma_wait3A_73, %dma_wait3A_78] : memref<2x80xi32, #tpu.memory_space<vmem>> -> memref<1x80xi32, #tpu.memory_space<vmem>>
        %dma_wait3A_80 = tpu.memref_squeeze %dma_wait3A_79 : memref<1x80xi32, #tpu.memory_space<vmem>> -> memref<80xi32, #tpu.memory_space<vmem>>
        %dma_wait3A_81 = tpu.memref_slice %arg2[%add3A_72] : memref<640000xi32, #tpu.memory_space<hbm>> -> memref<80xi32, #tpu.memory_space<hbm>>
        tpu.wait_dma2 semaphore(%arg8 : memref<!tpu.dma_semaphore, #tpu.memory_space<semaphore_mem>>) src(%dma_wait3A_81 : memref<80xi32, #tpu.memory_space<hbm>>) dst(%dma_wait3A_80 : memref<80xi32, #tpu.memory_space<vmem>>)
      } else {
      }
      %run_scoped3A_48 = arith.constant 0 : i32
      "tpu.region"() ({
        %run_scoped3A_70 = tpu.sem_alloc : memref<!tpu.dma_semaphore, #tpu.memory_space<semaphore_mem>>
        %dma_start3A_71 = arith.constant 0 : i32
        %dma_start3A_72 = tpu.memref_slice %arg4[%run_scoped3A_48, %dma_start3A_71] : memref<2x80xi32, #tpu.memory_space<vmem>> -> memref<1x80xi32, #tpu.memory_space<vmem>>
        %dma_start3A_73 = tpu.memref_squeeze %dma_start3A_72 : memref<1x80xi32, #tpu.memory_space<vmem>> -> memref<80xi32, #tpu.memory_space<vmem>>
        %dma_start3A_74 = arith.constant 0 : i32
        %dma_start3A_75 = tpu.memref_slice %arg7[%dma_start3A_74] : memref<10000xf32, #tpu.memory_space<vmem_shared>> -> memref<10000xf32, #tpu.memory_space<vmem_shared>>
        tpu.enqueue_indirect_dma source(%arg5 : memref<80xf32, #tpu.memory_space<vmem>>) target(%dma_start3A_75 : memref<10000xf32, #tpu.memory_space<vmem_shared>>) offsets(%dma_start3A_73 : memref<80xi32, #tpu.memory_space<vmem>>) semaphore(%run_scoped3A_70 : memref<!tpu.dma_semaphore, #tpu.memory_space<semaphore_mem>>) {add = true}
        %dma_wait3A_76 = arith.constant 0 : i32
        %dma_wait3A_77 = tpu.memref_slice %arg4[%run_scoped3A_48, %dma_wait3A_76] : memref<2x80xi32, #tpu.memory_space<vmem>> -> memref<1x80xi32, #tpu.memory_space<vmem>>
        %dma_wait3A_78 = tpu.memref_squeeze %dma_wait3A_77 : memref<1x80xi32, #tpu.memory_space<vmem>> -> memref<80xi32, #tpu.memory_space<vmem>>
        %dma_wait3A_79 = arith.constant 0 : i32
        %dma_wait3A_80 = tpu.memref_slice %arg7[%dma_wait3A_79] : memref<10000xf32, #tpu.memory_space<vmem_shared>> -> memref<10000xf32, #tpu.memory_space<vmem_shared>>
        tpu.wait_indirect_dma semaphore(%run_scoped3A_70 : memref<!tpu.dma_semaphore, #tpu.memory_space<semaphore_mem>>) src(%arg5 : memref<80xf32, #tpu.memory_space<vmem>>) dst(%dma_wait3A_80 : memref<10000xf32, #tpu.memory_space<vmem_shared>>)
        tpu.yield
      }) : () -> ()
      %mul3A_49 = arith.constant 2 : i32
      %mul3A_50 = arith.muli %mul3A_49, %add3A_26 : i32
      %add3A_51 = arith.constant 1 : i32
      %add3A_52 = arith.addi %mul3A_50, %add3A_51 : i32
      %lt3A_53 = arith.constant 124 : i32
      %lt3A_54 = arith.cmpi slt, %add3A_26, %lt3A_53 : i32
      %convert_element_type3A_55 = arith.extui %lt3A_54 : i1 to i32
      %cond3A_56 = arith.constant 0 : i32
      %cond3A_57 = arith.cmpi ne, %convert_element_type3A_55, %cond3A_56 : i32
      scf.if %cond3A_57 {
        %add3A_70 = arith.constant 1 : i32
        %add3A_71 = arith.addi %add3A_52, %add3A_70 : i32
        %mul3A_72 = arith.constant 80 : i32
        %mul3A_73 = arith.muli %add3A_71, %mul3A_72 : i32
        %add3A_74 = arith.addi %add3A, %mul3A_73 : i32
        %dma_start3A_75 = arith.constant 0 : i32
        %dma_start3A_76 = arith.constant 0 : i32
        %dma_start3A_77 = tpu.memref_slice %arg4[%dma_start3A_75, %dma_start3A_76] : memref<2x80xi32, #tpu.memory_space<vmem>> -> memref<1x80xi32, #tpu.memory_space<vmem>>
        %dma_start3A_78 = tpu.memref_squeeze %dma_start3A_77 : memref<1x80xi32, #tpu.memory_space<vmem>> -> memref<80xi32, #tpu.memory_space<vmem>>
        %dma_start3A_79 = tpu.memref_slice %arg2[%add3A_74] : memref<640000xi32, #tpu.memory_space<hbm>> -> memref<80xi32, #tpu.memory_space<hbm>>
        %dma_start3A_80 = arith.constant 0 : i32
        %dma_start3A_81 = tpu.memref_slice %arg4[%dma_start3A_75, %dma_start3A_80] : memref<2x80xi32, #tpu.memory_space<vmem>> -> memref<1x80xi32, #tpu.memory_space<vmem>>
        %dma_start3A_82 = tpu.memref_squeeze %dma_start3A_81 : memref<1x80xi32, #tpu.memory_space<vmem>> -> memref<80xi32, #tpu.memory_space<vmem>>
        %dma_start3A_83 = tpu.memref_slice %arg2[%add3A_74] : memref<640000xi32, #tpu.memory_space<hbm>> -> memref<80xi32, #tpu.memory_space<hbm>>
        tpu.enqueue_dma source(%dma_start3A_83 : memref<80xi32, #tpu.memory_space<hbm>>) target(%dma_start3A_82 : memref<80xi32, #tpu.memory_space<vmem>>) target_semaphore(%arg8 : memref<!tpu.dma_semaphore, #tpu.memory_space<semaphore_mem>>)
      } else {
      }
      %mul3A_58 = arith.constant 80 : i32
      %mul3A_59 = arith.muli %add3A_52, %mul3A_58 : i32
      %add3A_60 = arith.addi %add3A, %mul3A_59 : i32
      %dma_wait3A = arith.constant 1 : i32
      %dma_wait3A_61 = arith.constant 0 : i32
      %dma_wait3A_62 = tpu.memref_slice %arg4[%dma_wait3A, %dma_wait3A_61] : memref<2x80xi32, #tpu.memory_space<vmem>> -> memref<1x80xi32, #tpu.memory_space<vmem>>
      %dma_wait3A_63 = tpu.memref_squeeze %dma_wait3A_62 : memref<1x80xi32, #tpu.memory_space<vmem>> -> memref<80xi32, #tpu.memory_space<vmem>>
      %dma_wait3A_64 = tpu.memref_slice %arg2[%add3A_60] : memref<640000xi32, #tpu.memory_space<hbm>> -> memref<80xi32, #tpu.memory_space<hbm>>
      %dma_wait3A_65 = arith.constant 0 : i32
      %dma_wait3A_66 = tpu.memref_slice %arg4[%dma_wait3A, %dma_wait3A_65] : memref<2x80xi32, #tpu.memory_space<vmem>> -> memref<1x80xi32, #tpu.memory_space<vmem>>
      %dma_wait3A_67 = tpu.memref_squeeze %dma_wait3A_66 : memref<1x80xi32, #tpu.memory_space<vmem>> -> memref<80xi32, #tpu.memory_space<vmem>>
      %dma_wait3A_68 = tpu.memref_slice %arg2[%add3A_60] : memref<640000xi32, #tpu.memory_space<hbm>> -> memref<80xi32, #tpu.memory_space<hbm>>
      tpu.wait_dma2 semaphore(%arg9 : memref<!tpu.dma_semaphore, #tpu.memory_space<semaphore_mem>>) src(%dma_wait3A_68 : memref<80xi32, #tpu.memory_space<hbm>>) dst(%dma_wait3A_67 : memref<80xi32, #tpu.memory_space<vmem>>)
      %run_scoped3A_69 = arith.constant 1 : i32
      "tpu.region"() ({
        %run_scoped3A_70 = tpu.sem_alloc : memref<!tpu.dma_semaphore, #tpu.memory_space<semaphore_mem>>
        %dma_start3A_71 = arith.constant 0 : i32
        %dma_start3A_72 = tpu.memref_slice %arg4[%run_scoped3A_69, %dma_start3A_71] : memref<2x80xi32, #tpu.memory_space<vmem>> -> memref<1x80xi32, #tpu.memory_space<vmem>>
        %dma_start3A_73 = tpu.memref_squeeze %dma_start3A_72 : memref<1x80xi32, #tpu.memory_space<vmem>> -> memref<80xi32, #tpu.memory_space<vmem>>
        %dma_start3A_74 = arith.constant 0 : i32
        %dma_start3A_75 = tpu.memref_slice %arg7[%dma_start3A_74] : memref<10000xf32, #tpu.memory_space<vmem_shared>> -> memref<10000xf32, #tpu.memory_space<vmem_shared>>
        tpu.enqueue_indirect_dma source(%arg5 : memref<80xf32, #tpu.memory_space<vmem>>) target(%dma_start3A_75 : memref<10000xf32, #tpu.memory_space<vmem_shared>>) offsets(%dma_start3A_73 : memref<80xi32, #tpu.memory_space<vmem>>) semaphore(%run_scoped3A_70 : memref<!tpu.dma_semaphore, #tpu.memory_space<semaphore_mem>>) {add = true}
        %dma_wait3A_76 = arith.constant 0 : i32
        %dma_wait3A_77 = tpu.memref_slice %arg4[%run_scoped3A_69, %dma_wait3A_76] : memref<2x80xi32, #tpu.memory_space<vmem>> -> memref<1x80xi32, #tpu.memory_space<vmem>>
        %dma_wait3A_78 = tpu.memref_squeeze %dma_wait3A_77 : memref<1x80xi32, #tpu.memory_space<vmem>> -> memref<80xi32, #tpu.memory_space<vmem>>
        %dma_wait3A_79 = arith.constant 0 : i32
        %dma_wait3A_80 = tpu.memref_slice %arg7[%dma_wait3A_79] : memref<10000xf32, #tpu.memory_space<vmem_shared>> -> memref<10000xf32, #tpu.memory_space<vmem_shared>>
        tpu.wait_indirect_dma semaphore(%run_scoped3A_70 : memref<!tpu.dma_semaphore, #tpu.memory_space<semaphore_mem>>) src(%arg5 : memref<80xf32, #tpu.memory_space<vmem>>) dst(%dma_wait3A_80 : memref<10000xf32, #tpu.memory_space<vmem_shared>>)
        tpu.yield
      }) : () -> ()
    }
    %scan3A_15 = arith.constant 125 : i32
    %barrier3A_16 = arith.constant 0 : index
    tpu.barrier barrier_id(%barrier3A_16)
    %lt3A_17 = arith.constant 10 : i32
    %lt3A_18 = arith.cmpi slt, %arg1, %lt3A_17 : i32
    %convert_element_type3A_19 = arith.extui %lt3A_18 : i1 to i32
    %cond3A_20 = arith.constant 0 : i32
    %cond3A_21 = arith.cmpi ne, %convert_element_type3A_19, %cond3A_20 : i32
    scf.if %cond3A_21 {
      %mul3A_22 = arith.constant 1000 : i32
      %mul3A_23 = arith.muli %arg1, %mul3A_22 : i32
      "tpu.region"() ({
        %run_scoped3A_29 = tpu.sem_alloc : memref<!tpu.dma_semaphore, #tpu.memory_space<semaphore_mem>>
        %dma_start3A = tpu.memref_slice %arg7[%mul3A_23] : memref<10000xf32, #tpu.memory_space<vmem_shared>> -> memref<1000xf32, #tpu.memory_space<vmem_shared>>
        %dma_start3A_30 = tpu.memref_slice %arg7[%mul3A_23] : memref<10000xf32, #tpu.memory_space<vmem_shared>> -> memref<1000xf32, #tpu.memory_space<vmem_shared>>
        tpu.enqueue_dma source(%dma_start3A_30 : memref<1000xf32, #tpu.memory_space<vmem_shared>>) target(%arg6 : memref<1000xf32, #tpu.memory_space<vmem>>) target_semaphore(%run_scoped3A_29 : memref<!tpu.dma_semaphore, #tpu.memory_space<semaphore_mem>>)
        %dma_wait3A = tpu.memref_slice %arg7[%mul3A_23] : memref<10000xf32, #tpu.memory_space<vmem_shared>> -> memref<1000xf32, #tpu.memory_space<vmem_shared>>
        %dma_wait3A_31 = tpu.memref_slice %arg7[%mul3A_23] : memref<10000xf32, #tpu.memory_space<vmem_shared>> -> memref<1000xf32, #tpu.memory_space<vmem_shared>>
        tpu.wait_dma2 semaphore(%run_scoped3A_29 : memref<!tpu.dma_semaphore, #tpu.memory_space<semaphore_mem>>) src(%dma_wait3A_31 : memref<1000xf32, #tpu.memory_space<vmem_shared>>) dst(%arg6 : memref<1000xf32, #tpu.memory_space<vmem>>)
        tpu.yield
      }) : () -> ()
      %mul3A_24 = arith.constant 10000 : i32
      %mul3A_25 = arith.muli %arg0, %mul3A_24 : i32
      %mul3A_26 = arith.constant 1000 : i32
      %mul3A_27 = arith.muli %arg1, %mul3A_26 : i32
      %add3A_28 = arith.addi %mul3A_25, %mul3A_27 : i32
      "tpu.region"() ({
        %run_scoped3A_29 = tpu.sem_alloc : memref<!tpu.dma_semaphore, #tpu.memory_space<semaphore_mem>>
        %dma_start3A = tpu.memref_slice %arg3[%add3A_28] : memref<20000xf32, #tpu.memory_space<hbm>> -> memref<1000xf32, #tpu.memory_space<hbm>>
        %dma_start3A_30 = tpu.memref_slice %arg3[%add3A_28] : memref<20000xf32, #tpu.memory_space<hbm>> -> memref<1000xf32, #tpu.memory_space<hbm>>
        tpu.enqueue_dma source(%arg6 : memref<1000xf32, #tpu.memory_space<vmem>>) target(%dma_start3A_30 : memref<1000xf32, #tpu.memory_space<hbm>>) target_semaphore(%run_scoped3A_29 : memref<!tpu.dma_semaphore, #tpu.memory_space<semaphore_mem>>)
        %dma_wait3A = tpu.memref_slice %arg3[%add3A_28] : memref<20000xf32, #tpu.memory_space<hbm>> -> memref<1000xf32, #tpu.memory_space<hbm>>
        %dma_wait3A_31 = tpu.memref_slice %arg3[%add3A_28] : memref<20000xf32, #tpu.memory_space<hbm>> -> memref<1000xf32, #tpu.memory_space<hbm>>
        tpu.wait_dma2 semaphore(%run_scoped3A_29 : memref<!tpu.dma_semaphore, #tpu.memory_space<semaphore_mem>>) src(%arg6 : memref<1000xf32, #tpu.memory_space<vmem>>) dst(%dma_wait3A_31 : memref<1000xf32, #tpu.memory_space<hbm>>)
        tpu.yield
      }) : () -> ()
    } else {
    }
    return
  }
}

#map = affine_map<(d0, d1) -> (0, 0)>
#map1 = affine_map<(d0, d1) -> (0)>
module attributes {stable_mosaic.version = 14 : i64} {
  func.func @agg_kernel(%arg0: i32, %arg1: i32, %arg2: memref<10000x128xf32, #tpu.memory_space<hbm>>, %arg3: memref<320000xi32, #tpu.memory_space<hbm>>, %arg4: memref<320000xi32, #tpu.memory_space<hbm>>, %arg5: memref<1000x128xf32, #tpu.memory_space<hbm>>, %arg6: memref<20000x128xf32, #tpu.memory_space<hbm>>, %arg7: memref<4x80xi32, #tpu.memory_space<vmem>>, %arg8: memref<4x80xi32, #tpu.memory_space<vmem>>, %arg9: memref<4x80x128xf32, #tpu.memory_space<vmem>>, %arg10: memref<10000x128xf32, #tpu.memory_space<vmem_shared>>, %arg11: memref<!tpu.dma_semaphore, #tpu.memory_space<semaphore_mem>>, %arg12: memref<!tpu.dma_semaphore, #tpu.memory_space<semaphore_mem>>, %arg13: memref<!tpu.dma_semaphore, #tpu.memory_space<semaphore_mem>>, %arg14: memref<!tpu.dma_semaphore, #tpu.memory_space<semaphore_mem>>, %arg15: memref<!tpu.dma_semaphore, #tpu.memory_space<semaphore_mem>>, %arg16: memref<!tpu.dma_semaphore, #tpu.memory_space<semaphore_mem>>, %arg17: memref<!tpu.dma_semaphore, #tpu.memory_space<semaphore_mem>>, %arg18: memref<!tpu.dma_semaphore, #tpu.memory_space<semaphore_mem>>, %arg19: memref<!tpu.dma_semaphore, #tpu.memory_space<semaphore_mem>>, %arg20: memref<!tpu.dma_semaphore, #tpu.memory_space<semaphore_mem>>, %arg21: memref<!tpu.dma_semaphore, #tpu.memory_space<semaphore_mem>>, %arg22: memref<!tpu.dma_semaphore, #tpu.memory_space<semaphore_mem>>) attributes {dimension_semantics = [#tpu.dimension_semantics<core_parallel>, #tpu.dimension_semantics<subcore_parallel>], iteration_bounds = array<i64: 2, 16>, scalar_prefetch = 0 : i64, scratch_operands = 16 : i64, tpu.core_type = #tpu.core_type<sc_vector_subcore>, window_params = [{transform_indices = #map}, {transform_indices = #map1}, {transform_indices = #map1}, {transform_indices = #map}, {transform_indices = #map}]} {
    %lt3A = arith.constant 10 : i32
    %lt3A_0 = arith.cmpi slt, %arg1, %lt3A : i32
    %convert_element_type3A = arith.extui %lt3A_0 : i1 to i32
    %cond3A = arith.constant 0 : i32
    %cond3A_1 = arith.cmpi ne, %convert_element_type3A, %cond3A : i32
    scf.if %cond3A_1 {
      %mul3A_143 = arith.constant 1000 : i32
      %mul3A_144 = arith.muli %arg1, %mul3A_143 : i32
      "tpu.region"() ({
        %run_scoped3A = tpu.sem_alloc : memref<!tpu.dma_semaphore, #tpu.memory_space<semaphore_mem>>
        %dma_start3A_145 = arith.constant 0 : i32
        %dma_start3A_146 = tpu.memref_slice %arg10[%mul3A_144, %dma_start3A_145] : memref<10000x128xf32, #tpu.memory_space<vmem_shared>> -> memref<1000x128xf32, #tpu.memory_space<vmem_shared>>
        tpu.enqueue_dma source(%arg5 : memref<1000x128xf32, #tpu.memory_space<hbm>>) target(%dma_start3A_146 : memref<1000x128xf32, #tpu.memory_space<vmem_shared>>) target_semaphore(%run_scoped3A : memref<!tpu.dma_semaphore, #tpu.memory_space<semaphore_mem>>)
        %dma_wait3A_147 = arith.constant 0 : i32
        %dma_wait3A_148 = tpu.memref_slice %arg10[%mul3A_144, %dma_wait3A_147] : memref<10000x128xf32, #tpu.memory_space<vmem_shared>> -> memref<1000x128xf32, #tpu.memory_space<vmem_shared>>
        tpu.wait_dma2 semaphore(%run_scoped3A : memref<!tpu.dma_semaphore, #tpu.memory_space<semaphore_mem>>) src(%arg5 : memref<1000x128xf32, #tpu.memory_space<hbm>>) dst(%dma_wait3A_148 : memref<1000x128xf32, #tpu.memory_space<vmem_shared>>)
        tpu.yield
      }) : () -> ()
    } else {
    }
    %barrier3A = arith.constant 0 : index
    tpu.barrier barrier_id(%barrier3A)
    %mul3A = arith.constant 16 : i32
    %mul3A_2 = arith.muli %arg0, %mul3A : i32
    %add3A = arith.addi %mul3A_2, %arg1 : i32
    %mul3A_3 = arith.constant 10000 : i32
    %mul3A_4 = arith.muli %add3A, %mul3A_3 : i32
    %add3A_5 = arith.constant 0 : i32
    %add3A_6 = arith.addi %mul3A_4, %add3A_5 : i32
    %dma_start3A = arith.constant 0 : i32
    %dma_start3A_7 = arith.constant 0 : i32
    %dma_start3A_8 = tpu.memref_slice %arg7[%dma_start3A, %dma_start3A_7] : memref<4x80xi32, #tpu.memory_space<vmem>> -> memref<1x80xi32, #tpu.memory_space<vmem>>
    %dma_start3A_9 = tpu.memref_squeeze %dma_start3A_8 : memref<1x80xi32, #tpu.memory_space<vmem>> -> memref<80xi32, #tpu.memory_space<vmem>>
    %dma_start3A_10 = tpu.memref_slice %arg3[%add3A_6] : memref<320000xi32, #tpu.memory_space<hbm>> -> memref<80xi32, #tpu.memory_space<hbm>>
    %dma_start3A_11 = arith.constant 0 : i32
    %dma_start3A_12 = tpu.memref_slice %arg7[%dma_start3A, %dma_start3A_11] : memref<4x80xi32, #tpu.memory_space<vmem>> -> memref<1x80xi32, #tpu.memory_space<vmem>>
    %dma_start3A_13 = tpu.memref_squeeze %dma_start3A_12 : memref<1x80xi32, #tpu.memory_space<vmem>> -> memref<80xi32, #tpu.memory_space<vmem>>
    %dma_start3A_14 = tpu.memref_slice %arg3[%add3A_6] : memref<320000xi32, #tpu.memory_space<hbm>> -> memref<80xi32, #tpu.memory_space<hbm>>
    tpu.enqueue_dma source(%dma_start3A_14 : memref<80xi32, #tpu.memory_space<hbm>>) target(%dma_start3A_13 : memref<80xi32, #tpu.memory_space<vmem>>) target_semaphore(%arg11 : memref<!tpu.dma_semaphore, #tpu.memory_space<semaphore_mem>>)
    %dma_start3A_15 = arith.constant 0 : i32
    %dma_start3A_16 = arith.constant 0 : i32
    %dma_start3A_17 = tpu.memref_slice %arg8[%dma_start3A_15, %dma_start3A_16] : memref<4x80xi32, #tpu.memory_space<vmem>> -> memref<1x80xi32, #tpu.memory_space<vmem>>
    %dma_start3A_18 = tpu.memref_squeeze %dma_start3A_17 : memref<1x80xi32, #tpu.memory_space<vmem>> -> memref<80xi32, #tpu.memory_space<vmem>>
    %dma_start3A_19 = tpu.memref_slice %arg4[%add3A_6] : memref<320000xi32, #tpu.memory_space<hbm>> -> memref<80xi32, #tpu.memory_space<hbm>>
    %dma_start3A_20 = arith.constant 0 : i32
    %dma_start3A_21 = tpu.memref_slice %arg8[%dma_start3A_15, %dma_start3A_20] : memref<4x80xi32, #tpu.memory_space<vmem>> -> memref<1x80xi32, #tpu.memory_space<vmem>>
    %dma_start3A_22 = tpu.memref_squeeze %dma_start3A_21 : memref<1x80xi32, #tpu.memory_space<vmem>> -> memref<80xi32, #tpu.memory_space<vmem>>
    %dma_start3A_23 = tpu.memref_slice %arg4[%add3A_6] : memref<320000xi32, #tpu.memory_space<hbm>> -> memref<80xi32, #tpu.memory_space<hbm>>
    tpu.enqueue_dma source(%dma_start3A_23 : memref<80xi32, #tpu.memory_space<hbm>>) target(%dma_start3A_22 : memref<80xi32, #tpu.memory_space<vmem>>) target_semaphore(%arg11 : memref<!tpu.dma_semaphore, #tpu.memory_space<semaphore_mem>>)
    %add3A_24 = arith.constant 80 : i32
    %add3A_25 = arith.addi %mul3A_4, %add3A_24 : i32
    %dma_start3A_26 = arith.constant 1 : i32
    %dma_start3A_27 = arith.constant 0 : i32
    %dma_start3A_28 = tpu.memref_slice %arg7[%dma_start3A_26, %dma_start3A_27] : memref<4x80xi32, #tpu.memory_space<vmem>> -> memref<1x80xi32, #tpu.memory_space<vmem>>
    %dma_start3A_29 = tpu.memref_squeeze %dma_start3A_28 : memref<1x80xi32, #tpu.memory_space<vmem>> -> memref<80xi32, #tpu.memory_space<vmem>>
    %dma_start3A_30 = tpu.memref_slice %arg3[%add3A_25] : memref<320000xi32, #tpu.memory_space<hbm>> -> memref<80xi32, #tpu.memory_space<hbm>>
    %dma_start3A_31 = arith.constant 0 : i32
    %dma_start3A_32 = tpu.memref_slice %arg7[%dma_start3A_26, %dma_start3A_31] : memref<4x80xi32, #tpu.memory_space<vmem>> -> memref<1x80xi32, #tpu.memory_space<vmem>>
    %dma_start3A_33 = tpu.memref_squeeze %dma_start3A_32 : memref<1x80xi32, #tpu.memory_space<vmem>> -> memref<80xi32, #tpu.memory_space<vmem>>
    %dma_start3A_34 = tpu.memref_slice %arg3[%add3A_25] : memref<320000xi32, #tpu.memory_space<hbm>> -> memref<80xi32, #tpu.memory_space<hbm>>
    tpu.enqueue_dma source(%dma_start3A_34 : memref<80xi32, #tpu.memory_space<hbm>>) target(%dma_start3A_33 : memref<80xi32, #tpu.memory_space<vmem>>) target_semaphore(%arg12 : memref<!tpu.dma_semaphore, #tpu.memory_space<semaphore_mem>>)
    %dma_start3A_35 = arith.constant 1 : i32
    %dma_start3A_36 = arith.constant 0 : i32
    %dma_start3A_37 = tpu.memref_slice %arg8[%dma_start3A_35, %dma_start3A_36] : memref<4x80xi32, #tpu.memory_space<vmem>> -> memref<1x80xi32, #tpu.memory_space<vmem>>
    %dma_start3A_38 = tpu.memref_squeeze %dma_start3A_37 : memref<1x80xi32, #tpu.memory_space<vmem>> -> memref<80xi32, #tpu.memory_space<vmem>>
    %dma_start3A_39 = tpu.memref_slice %arg4[%add3A_25] : memref<320000xi32, #tpu.memory_space<hbm>> -> memref<80xi32, #tpu.memory_space<hbm>>
    %dma_start3A_40 = arith.constant 0 : i32
    %dma_start3A_41 = tpu.memref_slice %arg8[%dma_start3A_35, %dma_start3A_40] : memref<4x80xi32, #tpu.memory_space<vmem>> -> memref<1x80xi32, #tpu.memory_space<vmem>>
    %dma_start3A_42 = tpu.memref_squeeze %dma_start3A_41 : memref<1x80xi32, #tpu.memory_space<vmem>> -> memref<80xi32, #tpu.memory_space<vmem>>
    %dma_start3A_43 = tpu.memref_slice %arg4[%add3A_25] : memref<320000xi32, #tpu.memory_space<hbm>> -> memref<80xi32, #tpu.memory_space<hbm>>
    tpu.enqueue_dma source(%dma_start3A_43 : memref<80xi32, #tpu.memory_space<hbm>>) target(%dma_start3A_42 : memref<80xi32, #tpu.memory_space<vmem>>) target_semaphore(%arg12 : memref<!tpu.dma_semaphore, #tpu.memory_space<semaphore_mem>>)
    %dma_wait3A = arith.constant 0 : i32
    %dma_wait3A_44 = arith.constant 0 : i32
    %dma_wait3A_45 = tpu.memref_slice %arg7[%dma_wait3A, %dma_wait3A_44] : memref<4x80xi32, #tpu.memory_space<vmem>> -> memref<1x80xi32, #tpu.memory_space<vmem>>
    %dma_wait3A_46 = tpu.memref_squeeze %dma_wait3A_45 : memref<1x80xi32, #tpu.memory_space<vmem>> -> memref<80xi32, #tpu.memory_space<vmem>>
    %dma_wait3A_47 = tpu.memref_slice %arg3[%mul3A_4] : memref<320000xi32, #tpu.memory_space<hbm>> -> memref<80xi32, #tpu.memory_space<hbm>>
    %dma_wait3A_48 = arith.constant 0 : i32
    %dma_wait3A_49 = tpu.memref_slice %arg7[%dma_wait3A, %dma_wait3A_48] : memref<4x80xi32, #tpu.memory_space<vmem>> -> memref<1x80xi32, #tpu.memory_space<vmem>>
    %dma_wait3A_50 = tpu.memref_squeeze %dma_wait3A_49 : memref<1x80xi32, #tpu.memory_space<vmem>> -> memref<80xi32, #tpu.memory_space<vmem>>
    %dma_wait3A_51 = tpu.memref_slice %arg3[%mul3A_4] : memref<320000xi32, #tpu.memory_space<hbm>> -> memref<80xi32, #tpu.memory_space<hbm>>
    tpu.wait_dma2 semaphore(%arg11 : memref<!tpu.dma_semaphore, #tpu.memory_space<semaphore_mem>>) src(%dma_wait3A_51 : memref<80xi32, #tpu.memory_space<hbm>>) dst(%dma_wait3A_50 : memref<80xi32, #tpu.memory_space<vmem>>)
    %dma_wait3A_52 = arith.constant 0 : i32
    %dma_wait3A_53 = arith.constant 0 : i32
    %dma_wait3A_54 = tpu.memref_slice %arg8[%dma_wait3A_52, %dma_wait3A_53] : memref<4x80xi32, #tpu.memory_space<vmem>> -> memref<1x80xi32, #tpu.memory_space<vmem>>
    %dma_wait3A_55 = tpu.memref_squeeze %dma_wait3A_54 : memref<1x80xi32, #tpu.memory_space<vmem>> -> memref<80xi32, #tpu.memory_space<vmem>>
    %dma_wait3A_56 = tpu.memref_slice %arg4[%mul3A_4] : memref<320000xi32, #tpu.memory_space<hbm>> -> memref<80xi32, #tpu.memory_space<hbm>>
    %dma_wait3A_57 = arith.constant 0 : i32
    %dma_wait3A_58 = tpu.memref_slice %arg8[%dma_wait3A_52, %dma_wait3A_57] : memref<4x80xi32, #tpu.memory_space<vmem>> -> memref<1x80xi32, #tpu.memory_space<vmem>>
    %dma_wait3A_59 = tpu.memref_squeeze %dma_wait3A_58 : memref<1x80xi32, #tpu.memory_space<vmem>> -> memref<80xi32, #tpu.memory_space<vmem>>
    %dma_wait3A_60 = tpu.memref_slice %arg4[%mul3A_4] : memref<320000xi32, #tpu.memory_space<hbm>> -> memref<80xi32, #tpu.memory_space<hbm>>
    tpu.wait_dma2 semaphore(%arg11 : memref<!tpu.dma_semaphore, #tpu.memory_space<semaphore_mem>>) src(%dma_wait3A_60 : memref<80xi32, #tpu.memory_space<hbm>>) dst(%dma_wait3A_59 : memref<80xi32, #tpu.memory_space<vmem>>)
    %dma_start3A_61 = arith.constant 0 : i32
    %dma_start3A_62 = arith.constant 0 : i32
    %dma_start3A_63 = arith.constant 0 : i32
    %dma_start3A_64 = arith.constant 0 : i32
    %dma_start3A_65 = tpu.memref_slice %arg9[%dma_start3A_62, %dma_start3A_63, %dma_start3A_64] : memref<4x80x128xf32, #tpu.memory_space<vmem>> -> memref<1x80x128xf32, #tpu.memory_space<vmem>>
    %dma_start3A_66 = tpu.memref_squeeze %dma_start3A_65 : memref<1x80x128xf32, #tpu.memory_space<vmem>> -> memref<80x128xf32, #tpu.memory_space<vmem>>
    %dma_start3A_67 = arith.constant 0 : i32
    %dma_start3A_68 = tpu.memref_slice %arg7[%dma_start3A_61, %dma_start3A_67] : memref<4x80xi32, #tpu.memory_space<vmem>> -> memref<1x80xi32, #tpu.memory_space<vmem>>
    %dma_start3A_69 = tpu.memref_squeeze %dma_start3A_68 : memref<1x80xi32, #tpu.memory_space<vmem>> -> memref<80xi32, #tpu.memory_space<vmem>>
    %dma_start3A_70 = arith.constant 0 : i32
    %dma_start3A_71 = arith.constant 0 : i32
    %dma_start3A_72 = tpu.memref_slice %arg2[%dma_start3A_70, %dma_start3A_71] : memref<10000x128xf32, #tpu.memory_space<hbm>> -> memref<10000x128xf32, #tpu.memory_space<hbm>>
    tpu.enqueue_indirect_dma source(%dma_start3A_72 : memref<10000x128xf32, #tpu.memory_space<hbm>>) target(%dma_start3A_66 : memref<80x128xf32, #tpu.memory_space<vmem>>) offsets(%dma_start3A_69 : memref<80xi32, #tpu.memory_space<vmem>>) semaphore(%arg15 : memref<!tpu.dma_semaphore, #tpu.memory_space<semaphore_mem>>)
    %scan3A = arith.constant 0 : i32
    %scan3A_73 = arith.constant 31 : i32
    %scan3A_74 = arith.addi %scan3A, %scan3A_73 : i32
    %scan3A_75 = arith.constant 1 : i32
    scf.for %scan3A_143 = %scan3A to %scan3A_74 step %scan3A_75  : i32 {
      %mul3A_144 = arith.constant 1 : i32
      %mul3A_145 = arith.muli %scan3A_143, %mul3A_144 : i32
      %add3A_146 = arith.constant 0 : i32
      %add3A_147 = arith.addi %add3A_146, %mul3A_145 : i32
      %gt3A = arith.constant 0 : i32
      %gt3A_148 = arith.cmpi sgt, %add3A_147, %gt3A : i32
      %convert_element_type3A_149 = arith.extui %gt3A_148 : i1 to i32
      %cond3A_150 = arith.constant 0 : i32
      %cond3A_151 = arith.cmpi ne, %convert_element_type3A_149, %cond3A_150 : i32
      scf.if %cond3A_151 {
        %dma_wait3A_483 = arith.constant 2 : i32
        %dma_wait3A_484 = arith.constant 2 : i32
        %dma_wait3A_485 = arith.constant 0 : i32
        %dma_wait3A_486 = arith.constant 0 : i32
        %dma_wait3A_487 = tpu.memref_slice %arg9[%dma_wait3A_483, %dma_wait3A_485, %dma_wait3A_486] : memref<4x80x128xf32, #tpu.memory_space<vmem>> -> memref<1x80x128xf32, #tpu.memory_space<vmem>>
        %dma_wait3A_488 = tpu.memref_squeeze %dma_wait3A_487 : memref<1x80x128xf32, #tpu.memory_space<vmem>> -> memref<80x128xf32, #tpu.memory_space<vmem>>
        %dma_wait3A_489 = arith.constant 0 : i32
        %dma_wait3A_490 = tpu.memref_slice %arg8[%dma_wait3A_484, %dma_wait3A_489] : memref<4x80xi32, #tpu.memory_space<vmem>> -> memref<1x80xi32, #tpu.memory_space<vmem>>
        %dma_wait3A_491 = tpu.memref_squeeze %dma_wait3A_490 : memref<1x80xi32, #tpu.memory_space<vmem>> -> memref<80xi32, #tpu.memory_space<vmem>>
        %dma_wait3A_492 = arith.constant 0 : i32
        %dma_wait3A_493 = arith.constant 0 : i32
        %dma_wait3A_494 = tpu.memref_slice %arg10[%dma_wait3A_492, %dma_wait3A_493] : memref<10000x128xf32, #tpu.memory_space<vmem_shared>> -> memref<10000x128xf32, #tpu.memory_space<vmem_shared>>
        tpu.wait_indirect_dma semaphore(%arg21 : memref<!tpu.dma_semaphore, #tpu.memory_space<semaphore_mem>>) src(%dma_wait3A_488 : memref<80x128xf32, #tpu.memory_space<vmem>>) dst(%dma_wait3A_494 : memref<10000x128xf32, #tpu.memory_space<vmem_shared>>)
      } else {
      }
      %mul3A_152 = arith.constant 4 : i32
      %mul3A_153 = arith.muli %mul3A_152, %add3A_147 : i32
      %add3A_154 = arith.constant 0 : i32
      %add3A_155 = arith.addi %mul3A_153, %add3A_154 : i32
      %add3A_156 = arith.constant 2 : i32
      %add3A_157 = arith.addi %add3A_155, %add3A_156 : i32
      %mul3A_158 = arith.constant 80 : i32
      %mul3A_159 = arith.muli %add3A_157, %mul3A_158 : i32
      %add3A_160 = arith.addi %mul3A_4, %mul3A_159 : i32
      %dma_start3A_161 = arith.constant 2 : i32
      %dma_start3A_162 = arith.constant 0 : i32
      %dma_start3A_163 = tpu.memref_slice %arg7[%dma_start3A_161, %dma_start3A_162] : memref<4x80xi32, #tpu.memory_space<vmem>> -> memref<1x80xi32, #tpu.memory_space<vmem>>
      %dma_start3A_164 = tpu.memref_squeeze %dma_start3A_163 : memref<1x80xi32, #tpu.memory_space<vmem>> -> memref<80xi32, #tpu.memory_space<vmem>>
      %dma_start3A_165 = tpu.memref_slice %arg3[%add3A_160] : memref<320000xi32, #tpu.memory_space<hbm>> -> memref<80xi32, #tpu.memory_space<hbm>>
      %dma_start3A_166 = arith.constant 0 : i32
      %dma_start3A_167 = tpu.memref_slice %arg7[%dma_start3A_161, %dma_start3A_166] : memref<4x80xi32, #tpu.memory_space<vmem>> -> memref<1x80xi32, #tpu.memory_space<vmem>>
      %dma_start3A_168 = tpu.memref_squeeze %dma_start3A_167 : memref<1x80xi32, #tpu.memory_space<vmem>> -> memref<80xi32, #tpu.memory_space<vmem>>
      %dma_start3A_169 = tpu.memref_slice %arg3[%add3A_160] : memref<320000xi32, #tpu.memory_space<hbm>> -> memref<80xi32, #tpu.memory_space<hbm>>
      tpu.enqueue_dma source(%dma_start3A_169 : memref<80xi32, #tpu.memory_space<hbm>>) target(%dma_start3A_168 : memref<80xi32, #tpu.memory_space<vmem>>) target_semaphore(%arg13 : memref<!tpu.dma_semaphore, #tpu.memory_space<semaphore_mem>>)
      %dma_start3A_170 = arith.constant 2 : i32
      %dma_start3A_171 = arith.constant 0 : i32
      %dma_start3A_172 = tpu.memref_slice %arg8[%dma_start3A_170, %dma_start3A_171] : memref<4x80xi32, #tpu.memory_space<vmem>> -> memref<1x80xi32, #tpu.memory_space<vmem>>
      %dma_start3A_173 = tpu.memref_squeeze %dma_start3A_172 : memref<1x80xi32, #tpu.memory_space<vmem>> -> memref<80xi32, #tpu.memory_space<vmem>>
      %dma_start3A_174 = tpu.memref_slice %arg4[%add3A_160] : memref<320000xi32, #tpu.memory_space<hbm>> -> memref<80xi32, #tpu.memory_space<hbm>>
      %dma_start3A_175 = arith.constant 0 : i32
      %dma_start3A_176 = tpu.memref_slice %arg8[%dma_start3A_170, %dma_start3A_175] : memref<4x80xi32, #tpu.memory_space<vmem>> -> memref<1x80xi32, #tpu.memory_space<vmem>>
      %dma_start3A_177 = tpu.memref_squeeze %dma_start3A_176 : memref<1x80xi32, #tpu.memory_space<vmem>> -> memref<80xi32, #tpu.memory_space<vmem>>
      %dma_start3A_178 = tpu.memref_slice %arg4[%add3A_160] : memref<320000xi32, #tpu.memory_space<hbm>> -> memref<80xi32, #tpu.memory_space<hbm>>
      tpu.enqueue_dma source(%dma_start3A_178 : memref<80xi32, #tpu.memory_space<hbm>>) target(%dma_start3A_177 : memref<80xi32, #tpu.memory_space<vmem>>) target_semaphore(%arg13 : memref<!tpu.dma_semaphore, #tpu.memory_space<semaphore_mem>>)
      %dma_wait3A_179 = arith.constant 0 : i32
      %dma_wait3A_180 = arith.constant 0 : i32
      %dma_wait3A_181 = arith.constant 0 : i32
      %dma_wait3A_182 = arith.constant 0 : i32
      %dma_wait3A_183 = tpu.memref_slice %arg9[%dma_wait3A_180, %dma_wait3A_181, %dma_wait3A_182] : memref<4x80x128xf32, #tpu.memory_space<vmem>> -> memref<1x80x128xf32, #tpu.memory_space<vmem>>
      %dma_wait3A_184 = tpu.memref_squeeze %dma_wait3A_183 : memref<1x80x128xf32, #tpu.memory_space<vmem>> -> memref<80x128xf32, #tpu.memory_space<vmem>>
      %dma_wait3A_185 = arith.constant 0 : i32
      %dma_wait3A_186 = tpu.memref_slice %arg7[%dma_wait3A_179, %dma_wait3A_185] : memref<4x80xi32, #tpu.memory_space<vmem>> -> memref<1x80xi32, #tpu.memory_space<vmem>>
      %dma_wait3A_187 = tpu.memref_squeeze %dma_wait3A_186 : memref<1x80xi32, #tpu.memory_space<vmem>> -> memref<80xi32, #tpu.memory_space<vmem>>
      %dma_wait3A_188 = arith.constant 0 : i32
      %dma_wait3A_189 = arith.constant 0 : i32
      %dma_wait3A_190 = tpu.memref_slice %arg2[%dma_wait3A_188, %dma_wait3A_189] : memref<10000x128xf32, #tpu.memory_space<hbm>> -> memref<10000x128xf32, #tpu.memory_space<hbm>>
      tpu.wait_indirect_dma semaphore(%arg15 : memref<!tpu.dma_semaphore, #tpu.memory_space<semaphore_mem>>) src(%dma_wait3A_190 : memref<10000x128xf32, #tpu.memory_space<hbm>>) dst(%dma_wait3A_184 : memref<80x128xf32, #tpu.memory_space<vmem>>)
      %dma_start3A_191 = arith.constant 0 : i32
      %dma_start3A_192 = arith.constant 0 : i32
      %dma_start3A_193 = arith.constant 0 : i32
      %dma_start3A_194 = arith.constant 0 : i32
      %dma_start3A_195 = tpu.memref_slice %arg9[%dma_start3A_191, %dma_start3A_193, %dma_start3A_194] : memref<4x80x128xf32, #tpu.memory_space<vmem>> -> memref<1x80x128xf32, #tpu.memory_space<vmem>>
      %dma_start3A_196 = tpu.memref_squeeze %dma_start3A_195 : memref<1x80x128xf32, #tpu.memory_space<vmem>> -> memref<80x128xf32, #tpu.memory_space<vmem>>
      %dma_start3A_197 = arith.constant 0 : i32
      %dma_start3A_198 = tpu.memref_slice %arg8[%dma_start3A_192, %dma_start3A_197] : memref<4x80xi32, #tpu.memory_space<vmem>> -> memref<1x80xi32, #tpu.memory_space<vmem>>
      %dma_start3A_199 = tpu.memref_squeeze %dma_start3A_198 : memref<1x80xi32, #tpu.memory_space<vmem>> -> memref<80xi32, #tpu.memory_space<vmem>>
      %dma_start3A_200 = arith.constant 0 : i32
      %dma_start3A_201 = arith.constant 0 : i32
      %dma_start3A_202 = tpu.memref_slice %arg10[%dma_start3A_200, %dma_start3A_201] : memref<10000x128xf32, #tpu.memory_space<vmem_shared>> -> memref<10000x128xf32, #tpu.memory_space<vmem_shared>>
      tpu.enqueue_indirect_dma source(%dma_start3A_196 : memref<80x128xf32, #tpu.memory_space<vmem>>) target(%dma_start3A_202 : memref<10000x128xf32, #tpu.memory_space<vmem_shared>>) offsets(%dma_start3A_199 : memref<80xi32, #tpu.memory_space<vmem>>) semaphore(%arg19 : memref<!tpu.dma_semaphore, #tpu.memory_space<semaphore_mem>>) {add = true}
      %dma_wait3A_203 = arith.constant 1 : i32
      %dma_wait3A_204 = arith.constant 0 : i32
      %dma_wait3A_205 = tpu.memref_slice %arg7[%dma_wait3A_203, %dma_wait3A_204] : memref<4x80xi32, #tpu.memory_space<vmem>> -> memref<1x80xi32, #tpu.memory_space<vmem>>
      %dma_wait3A_206 = tpu.memref_squeeze %dma_wait3A_205 : memref<1x80xi32, #tpu.memory_space<vmem>> -> memref<80xi32, #tpu.memory_space<vmem>>
      %dma_wait3A_207 = tpu.memref_slice %arg3[%mul3A_4] : memref<320000xi32, #tpu.memory_space<hbm>> -> memref<80xi32, #tpu.memory_space<hbm>>
      %dma_wait3A_208 = arith.constant 0 : i32
      %dma_wait3A_209 = tpu.memref_slice %arg7[%dma_wait3A_203, %dma_wait3A_208] : memref<4x80xi32, #tpu.memory_space<vmem>> -> memref<1x80xi32, #tpu.memory_space<vmem>>
      %dma_wait3A_210 = tpu.memref_squeeze %dma_wait3A_209 : memref<1x80xi32, #tpu.memory_space<vmem>> -> memref<80xi32, #tpu.memory_space<vmem>>
      %dma_wait3A_211 = tpu.memref_slice %arg3[%mul3A_4] : memref<320000xi32, #tpu.memory_space<hbm>> -> memref<80xi32, #tpu.memory_space<hbm>>
      tpu.wait_dma2 semaphore(%arg12 : memref<!tpu.dma_semaphore, #tpu.memory_space<semaphore_mem>>) src(%dma_wait3A_211 : memref<80xi32, #tpu.memory_space<hbm>>) dst(%dma_wait3A_210 : memref<80xi32, #tpu.memory_space<vmem>>)
      %dma_wait3A_212 = arith.constant 1 : i32
      %dma_wait3A_213 = arith.constant 0 : i32
      %dma_wait3A_214 = tpu.memref_slice %arg8[%dma_wait3A_212, %dma_wait3A_213] : memref<4x80xi32, #tpu.memory_space<vmem>> -> memref<1x80xi32, #tpu.memory_space<vmem>>
      %dma_wait3A_215 = tpu.memref_squeeze %dma_wait3A_214 : memref<1x80xi32, #tpu.memory_space<vmem>> -> memref<80xi32, #tpu.memory_space<vmem>>
      %dma_wait3A_216 = tpu.memref_slice %arg4[%mul3A_4] : memref<320000xi32, #tpu.memory_space<hbm>> -> memref<80xi32, #tpu.memory_space<hbm>>
      %dma_wait3A_217 = arith.constant 0 : i32
      %dma_wait3A_218 = tpu.memref_slice %arg8[%dma_wait3A_212, %dma_wait3A_217] : memref<4x80xi32, #tpu.memory_space<vmem>> -> memref<1x80xi32, #tpu.memory_space<vmem>>
      %dma_wait3A_219 = tpu.memref_squeeze %dma_wait3A_218 : memref<1x80xi32, #tpu.memory_space<vmem>> -> memref<80xi32, #tpu.memory_space<vmem>>
      %dma_wait3A_220 = tpu.memref_slice %arg4[%mul3A_4] : memref<320000xi32, #tpu.memory_space<hbm>> -> memref<80xi32, #tpu.memory_space<hbm>>
      tpu.wait_dma2 semaphore(%arg12 : memref<!tpu.dma_semaphore, #tpu.memory_space<semaphore_mem>>) src(%dma_wait3A_220 : memref<80xi32, #tpu.memory_space<hbm>>) dst(%dma_wait3A_219 : memref<80xi32, #tpu.memory_space<vmem>>)
      %dma_start3A_221 = arith.constant 1 : i32
      %dma_start3A_222 = arith.constant 1 : i32
      %dma_start3A_223 = arith.constant 0 : i32
      %dma_start3A_224 = arith.constant 0 : i32
      %dma_start3A_225 = tpu.memref_slice %arg9[%dma_start3A_222, %dma_start3A_223, %dma_start3A_224] : memref<4x80x128xf32, #tpu.memory_space<vmem>> -> memref<1x80x128xf32, #tpu.memory_space<vmem>>
      %dma_start3A_226 = tpu.memref_squeeze %dma_start3A_225 : memref<1x80x128xf32, #tpu.memory_space<vmem>> -> memref<80x128xf32, #tpu.memory_space<vmem>>
      %dma_start3A_227 = arith.constant 0 : i32
      %dma_start3A_228 = tpu.memref_slice %arg7[%dma_start3A_221, %dma_start3A_227] : memref<4x80xi32, #tpu.memory_space<vmem>> -> memref<1x80xi32, #tpu.memory_space<vmem>>
      %dma_start3A_229 = tpu.memref_squeeze %dma_start3A_228 : memref<1x80xi32, #tpu.memory_space<vmem>> -> memref<80xi32, #tpu.memory_space<vmem>>
      %dma_start3A_230 = arith.constant 0 : i32
      %dma_start3A_231 = arith.constant 0 : i32
      %dma_start3A_232 = tpu.memref_slice %arg2[%dma_start3A_230, %dma_start3A_231] : memref<10000x128xf32, #tpu.memory_space<hbm>> -> memref<10000x128xf32, #tpu.memory_space<hbm>>
      tpu.enqueue_indirect_dma source(%dma_start3A_232 : memref<10000x128xf32, #tpu.memory_space<hbm>>) target(%dma_start3A_226 : memref<80x128xf32, #tpu.memory_space<vmem>>) offsets(%dma_start3A_229 : memref<80xi32, #tpu.memory_space<vmem>>) semaphore(%arg16 : memref<!tpu.dma_semaphore, #tpu.memory_space<semaphore_mem>>)
      %gt3A_233 = arith.constant 0 : i32
      %gt3A_234 = arith.cmpi sgt, %add3A_147, %gt3A_233 : i32
      %convert_element_type3A_235 = arith.extui %gt3A_234 : i1 to i32
      %cond3A_236 = arith.constant 0 : i32
      %cond3A_237 = arith.cmpi ne, %convert_element_type3A_235, %cond3A_236 : i32
      scf.if %cond3A_237 {
        %dma_wait3A_483 = arith.constant 3 : i32
        %dma_wait3A_484 = arith.constant 3 : i32
        %dma_wait3A_485 = arith.constant 0 : i32
        %dma_wait3A_486 = arith.constant 0 : i32
        %dma_wait3A_487 = tpu.memref_slice %arg9[%dma_wait3A_483, %dma_wait3A_485, %dma_wait3A_486] : memref<4x80x128xf32, #tpu.memory_space<vmem>> -> memref<1x80x128xf32, #tpu.memory_space<vmem>>
        %dma_wait3A_488 = tpu.memref_squeeze %dma_wait3A_487 : memref<1x80x128xf32, #tpu.memory_space<vmem>> -> memref<80x128xf32, #tpu.memory_space<vmem>>
        %dma_wait3A_489 = arith.constant 0 : i32
        %dma_wait3A_490 = tpu.memref_slice %arg8[%dma_wait3A_484, %dma_wait3A_489] : memref<4x80xi32, #tpu.memory_space<vmem>> -> memref<1x80xi32, #tpu.memory_space<vmem>>
        %dma_wait3A_491 = tpu.memref_squeeze %dma_wait3A_490 : memref<1x80xi32, #tpu.memory_space<vmem>> -> memref<80xi32, #tpu.memory_space<vmem>>
        %dma_wait3A_492 = arith.constant 0 : i32
        %dma_wait3A_493 = arith.constant 0 : i32
        %dma_wait3A_494 = tpu.memref_slice %arg10[%dma_wait3A_492, %dma_wait3A_493] : memref<10000x128xf32, #tpu.memory_space<vmem_shared>> -> memref<10000x128xf32, #tpu.memory_space<vmem_shared>>
        tpu.wait_indirect_dma semaphore(%arg22 : memref<!tpu.dma_semaphore, #tpu.memory_space<semaphore_mem>>) src(%dma_wait3A_488 : memref<80x128xf32, #tpu.memory_space<vmem>>) dst(%dma_wait3A_494 : memref<10000x128xf32, #tpu.memory_space<vmem_shared>>)
      } else {
      }
      %mul3A_238 = arith.constant 4 : i32
      %mul3A_239 = arith.muli %mul3A_238, %add3A_147 : i32
      %add3A_240 = arith.constant 1 : i32
      %add3A_241 = arith.addi %mul3A_239, %add3A_240 : i32
      %add3A_242 = arith.constant 2 : i32
      %add3A_243 = arith.addi %add3A_241, %add3A_242 : i32
      %mul3A_244 = arith.constant 80 : i32
      %mul3A_245 = arith.muli %add3A_243, %mul3A_244 : i32
      %add3A_246 = arith.addi %mul3A_4, %mul3A_245 : i32
      %dma_start3A_247 = arith.constant 3 : i32
      %dma_start3A_248 = arith.constant 0 : i32
      %dma_start3A_249 = tpu.memref_slice %arg7[%dma_start3A_247, %dma_start3A_248] : memref<4x80xi32, #tpu.memory_space<vmem>> -> memref<1x80xi32, #tpu.memory_space<vmem>>
      %dma_start3A_250 = tpu.memref_squeeze %dma_start3A_249 : memref<1x80xi32, #tpu.memory_space<vmem>> -> memref<80xi32, #tpu.memory_space<vmem>>
      %dma_start3A_251 = tpu.memref_slice %arg3[%add3A_246] : memref<320000xi32, #tpu.memory_space<hbm>> -> memref<80xi32, #tpu.memory_space<hbm>>
      %dma_start3A_252 = arith.constant 0 : i32
      %dma_start3A_253 = tpu.memref_slice %arg7[%dma_start3A_247, %dma_start3A_252] : memref<4x80xi32, #tpu.memory_space<vmem>> -> memref<1x80xi32, #tpu.memory_space<vmem>>
      %dma_start3A_254 = tpu.memref_squeeze %dma_start3A_253 : memref<1x80xi32, #tpu.memory_space<vmem>> -> memref<80xi32, #tpu.memory_space<vmem>>
      %dma_start3A_255 = tpu.memref_slice %arg3[%add3A_246] : memref<320000xi32, #tpu.memory_space<hbm>> -> memref<80xi32, #tpu.memory_space<hbm>>
      tpu.enqueue_dma source(%dma_start3A_255 : memref<80xi32, #tpu.memory_space<hbm>>) target(%dma_start3A_254 : memref<80xi32, #tpu.memory_space<vmem>>) target_semaphore(%arg14 : memref<!tpu.dma_semaphore, #tpu.memory_space<semaphore_mem>>)
      %dma_start3A_256 = arith.constant 3 : i32
      %dma_start3A_257 = arith.constant 0 : i32
      %dma_start3A_258 = tpu.memref_slice %arg8[%dma_start3A_256, %dma_start3A_257] : memref<4x80xi32, #tpu.memory_space<vmem>> -> memref<1x80xi32, #tpu.memory_space<vmem>>
      %dma_start3A_259 = tpu.memref_squeeze %dma_start3A_258 : memref<1x80xi32, #tpu.memory_space<vmem>> -> memref<80xi32, #tpu.memory_space<vmem>>
      %dma_start3A_260 = tpu.memref_slice %arg4[%add3A_246] : memref<320000xi32, #tpu.memory_space<hbm>> -> memref<80xi32, #tpu.memory_space<hbm>>
      %dma_start3A_261 = arith.constant 0 : i32
      %dma_start3A_262 = tpu.memref_slice %arg8[%dma_start3A_256, %dma_start3A_261] : memref<4x80xi32, #tpu.memory_space<vmem>> -> memref<1x80xi32, #tpu.memory_space<vmem>>
      %dma_start3A_263 = tpu.memref_squeeze %dma_start3A_262 : memref<1x80xi32, #tpu.memory_space<vmem>> -> memref<80xi32, #tpu.memory_space<vmem>>
      %dma_start3A_264 = tpu.memref_slice %arg4[%add3A_246] : memref<320000xi32, #tpu.memory_space<hbm>> -> memref<80xi32, #tpu.memory_space<hbm>>
      tpu.enqueue_dma source(%dma_start3A_264 : memref<80xi32, #tpu.memory_space<hbm>>) target(%dma_start3A_263 : memref<80xi32, #tpu.memory_space<vmem>>) target_semaphore(%arg14 : memref<!tpu.dma_semaphore, #tpu.memory_space<semaphore_mem>>)
      %dma_wait3A_265 = arith.constant 1 : i32
      %dma_wait3A_266 = arith.constant 1 : i32
      %dma_wait3A_267 = arith.constant 0 : i32
      %dma_wait3A_268 = arith.constant 0 : i32
      %dma_wait3A_269 = tpu.memref_slice %arg9[%dma_wait3A_266, %dma_wait3A_267, %dma_wait3A_268] : memref<4x80x128xf32, #tpu.memory_space<vmem>> -> memref<1x80x128xf32, #tpu.memory_space<vmem>>
      %dma_wait3A_270 = tpu.memref_squeeze %dma_wait3A_269 : memref<1x80x128xf32, #tpu.memory_space<vmem>> -> memref<80x128xf32, #tpu.memory_space<vmem>>
      %dma_wait3A_271 = arith.constant 0 : i32
      %dma_wait3A_272 = tpu.memref_slice %arg7[%dma_wait3A_265, %dma_wait3A_271] : memref<4x80xi32, #tpu.memory_space<vmem>> -> memref<1x80xi32, #tpu.memory_space<vmem>>
      %dma_wait3A_273 = tpu.memref_squeeze %dma_wait3A_272 : memref<1x80xi32, #tpu.memory_space<vmem>> -> memref<80xi32, #tpu.memory_space<vmem>>
      %dma_wait3A_274 = arith.constant 0 : i32
      %dma_wait3A_275 = arith.constant 0 : i32
      %dma_wait3A_276 = tpu.memref_slice %arg2[%dma_wait3A_274, %dma_wait3A_275] : memref<10000x128xf32, #tpu.memory_space<hbm>> -> memref<10000x128xf32, #tpu.memory_space<hbm>>
      tpu.wait_indirect_dma semaphore(%arg16 : memref<!tpu.dma_semaphore, #tpu.memory_space<semaphore_mem>>) src(%dma_wait3A_276 : memref<10000x128xf32, #tpu.memory_space<hbm>>) dst(%dma_wait3A_270 : memref<80x128xf32, #tpu.memory_space<vmem>>)
      %dma_start3A_277 = arith.constant 1 : i32
      %dma_start3A_278 = arith.constant 1 : i32
      %dma_start3A_279 = arith.constant 0 : i32
      %dma_start3A_280 = arith.constant 0 : i32
      %dma_start3A_281 = tpu.memref_slice %arg9[%dma_start3A_277, %dma_start3A_279, %dma_start3A_280] : memref<4x80x128xf32, #tpu.memory_space<vmem>> -> memref<1x80x128xf32, #tpu.memory_space<vmem>>
      %dma_start3A_282 = tpu.memref_squeeze %dma_start3A_281 : memref<1x80x128xf32, #tpu.memory_space<vmem>> -> memref<80x128xf32, #tpu.memory_space<vmem>>
      %dma_start3A_283 = arith.constant 0 : i32
      %dma_start3A_284 = tpu.memref_slice %arg8[%dma_start3A_278, %dma_start3A_283] : memref<4x80xi32, #tpu.memory_space<vmem>> -> memref<1x80xi32, #tpu.memory_space<vmem>>
      %dma_start3A_285 = tpu.memref_squeeze %dma_start3A_284 : memref<1x80xi32, #tpu.memory_space<vmem>> -> memref<80xi32, #tpu.memory_space<vmem>>
      %dma_start3A_286 = arith.constant 0 : i32
      %dma_start3A_287 = arith.constant 0 : i32
      %dma_start3A_288 = tpu.memref_slice %arg10[%dma_start3A_286, %dma_start3A_287] : memref<10000x128xf32, #tpu.memory_space<vmem_shared>> -> memref<10000x128xf32, #tpu.memory_space<vmem_shared>>
      tpu.enqueue_indirect_dma source(%dma_start3A_282 : memref<80x128xf32, #tpu.memory_space<vmem>>) target(%dma_start3A_288 : memref<10000x128xf32, #tpu.memory_space<vmem_shared>>) offsets(%dma_start3A_285 : memref<80xi32, #tpu.memory_space<vmem>>) semaphore(%arg20 : memref<!tpu.dma_semaphore, #tpu.memory_space<semaphore_mem>>) {add = true}
      %dma_wait3A_289 = arith.constant 2 : i32
      %dma_wait3A_290 = arith.constant 0 : i32
      %dma_wait3A_291 = tpu.memref_slice %arg7[%dma_wait3A_289, %dma_wait3A_290] : memref<4x80xi32, #tpu.memory_space<vmem>> -> memref<1x80xi32, #tpu.memory_space<vmem>>
      %dma_wait3A_292 = tpu.memref_squeeze %dma_wait3A_291 : memref<1x80xi32, #tpu.memory_space<vmem>> -> memref<80xi32, #tpu.memory_space<vmem>>
      %dma_wait3A_293 = tpu.memref_slice %arg3[%mul3A_4] : memref<320000xi32, #tpu.memory_space<hbm>> -> memref<80xi32, #tpu.memory_space<hbm>>
      %dma_wait3A_294 = arith.constant 0 : i32
      %dma_wait3A_295 = tpu.memref_slice %arg7[%dma_wait3A_289, %dma_wait3A_294] : memref<4x80xi32, #tpu.memory_space<vmem>> -> memref<1x80xi32, #tpu.memory_space<vmem>>
      %dma_wait3A_296 = tpu.memref_squeeze %dma_wait3A_295 : memref<1x80xi32, #tpu.memory_space<vmem>> -> memref<80xi32, #tpu.memory_space<vmem>>
      %dma_wait3A_297 = tpu.memref_slice %arg3[%mul3A_4] : memref<320000xi32, #tpu.memory_space<hbm>> -> memref<80xi32, #tpu.memory_space<hbm>>
      tpu.wait_dma2 semaphore(%arg13 : memref<!tpu.dma_semaphore, #tpu.memory_space<semaphore_mem>>) src(%dma_wait3A_297 : memref<80xi32, #tpu.memory_space<hbm>>) dst(%dma_wait3A_296 : memref<80xi32, #tpu.memory_space<vmem>>)
      %dma_wait3A_298 = arith.constant 2 : i32
      %dma_wait3A_299 = arith.constant 0 : i32
      %dma_wait3A_300 = tpu.memref_slice %arg8[%dma_wait3A_298, %dma_wait3A_299] : memref<4x80xi32, #tpu.memory_space<vmem>> -> memref<1x80xi32, #tpu.memory_space<vmem>>
      %dma_wait3A_301 = tpu.memref_squeeze %dma_wait3A_300 : memref<1x80xi32, #tpu.memory_space<vmem>> -> memref<80xi32, #tpu.memory_space<vmem>>
      %dma_wait3A_302 = tpu.memref_slice %arg4[%mul3A_4] : memref<320000xi32, #tpu.memory_space<hbm>> -> memref<80xi32, #tpu.memory_space<hbm>>
      %dma_wait3A_303 = arith.constant 0 : i32
      %dma_wait3A_304 = tpu.memref_slice %arg8[%dma_wait3A_298, %dma_wait3A_303] : memref<4x80xi32, #tpu.memory_space<vmem>> -> memref<1x80xi32, #tpu.memory_space<vmem>>
      %dma_wait3A_305 = tpu.memref_squeeze %dma_wait3A_304 : memref<1x80xi32, #tpu.memory_space<vmem>> -> memref<80xi32, #tpu.memory_space<vmem>>
      %dma_wait3A_306 = tpu.memref_slice %arg4[%mul3A_4] : memref<320000xi32, #tpu.memory_space<hbm>> -> memref<80xi32, #tpu.memory_space<hbm>>
      tpu.wait_dma2 semaphore(%arg13 : memref<!tpu.dma_semaphore, #tpu.memory_space<semaphore_mem>>) src(%dma_wait3A_306 : memref<80xi32, #tpu.memory_space<hbm>>) dst(%dma_wait3A_305 : memref<80xi32, #tpu.memory_space<vmem>>)
      %dma_start3A_307 = arith.constant 2 : i32
      %dma_start3A_308 = arith.constant 2 : i32
      %dma_start3A_309 = arith.constant 0 : i32
      %dma_start3A_310 = arith.constant 0 : i32
      %dma_start3A_311 = tpu.memref_slice %arg9[%dma_start3A_308, %dma_start3A_309, %dma_start3A_310] : memref<4x80x128xf32, #tpu.memory_space<vmem>> -> memref<1x80x128xf32, #tpu.memory_space<vmem>>
      %dma_start3A_312 = tpu.memref_squeeze %dma_start3A_311 : memref<1x80x128xf32, #tpu.memory_space<vmem>> -> memref<80x128xf32, #tpu.memory_space<vmem>>
      %dma_start3A_313 = arith.constant 0 : i32
      %dma_start3A_314 = tpu.memref_slice %arg7[%dma_start3A_307, %dma_start3A_313] : memref<4x80xi32, #tpu.memory_space<vmem>> -> memref<1x80xi32, #tpu.memory_space<vmem>>
      %dma_start3A_315 = tpu.memref_squeeze %dma_start3A_314 : memref<1x80xi32, #tpu.memory_space<vmem>> -> memref<80xi32, #tpu.memory_space<vmem>>
      %dma_start3A_316 = arith.constant 0 : i32
      %dma_start3A_317 = arith.constant 0 : i32
      %dma_start3A_318 = tpu.memref_slice %arg2[%dma_start3A_316, %dma_start3A_317] : memref<10000x128xf32, #tpu.memory_space<hbm>> -> memref<10000x128xf32, #tpu.memory_space<hbm>>
      tpu.enqueue_indirect_dma source(%dma_start3A_318 : memref<10000x128xf32, #tpu.memory_space<hbm>>) target(%dma_start3A_312 : memref<80x128xf32, #tpu.memory_space<vmem>>) offsets(%dma_start3A_315 : memref<80xi32, #tpu.memory_space<vmem>>) semaphore(%arg17 : memref<!tpu.dma_semaphore, #tpu.memory_space<semaphore_mem>>)
      %dma_wait3A_319 = arith.constant 0 : i32
      %dma_wait3A_320 = arith.constant 0 : i32
      %dma_wait3A_321 = arith.constant 0 : i32
      %dma_wait3A_322 = arith.constant 0 : i32
      %dma_wait3A_323 = tpu.memref_slice %arg9[%dma_wait3A_319, %dma_wait3A_321, %dma_wait3A_322] : memref<4x80x128xf32, #tpu.memory_space<vmem>> -> memref<1x80x128xf32, #tpu.memory_space<vmem>>
      %dma_wait3A_324 = tpu.memref_squeeze %dma_wait3A_323 : memref<1x80x128xf32, #tpu.memory_space<vmem>> -> memref<80x128xf32, #tpu.memory_space<vmem>>
      %dma_wait3A_325 = arith.constant 0 : i32
      %dma_wait3A_326 = tpu.memref_slice %arg8[%dma_wait3A_320, %dma_wait3A_325] : memref<4x80xi32, #tpu.memory_space<vmem>> -> memref<1x80xi32, #tpu.memory_space<vmem>>
      %dma_wait3A_327 = tpu.memref_squeeze %dma_wait3A_326 : memref<1x80xi32, #tpu.memory_space<vmem>> -> memref<80xi32, #tpu.memory_space<vmem>>
      %dma_wait3A_328 = arith.constant 0 : i32
      %dma_wait3A_329 = arith.constant 0 : i32
      %dma_wait3A_330 = tpu.memref_slice %arg10[%dma_wait3A_328, %dma_wait3A_329] : memref<10000x128xf32, #tpu.memory_space<vmem_shared>> -> memref<10000x128xf32, #tpu.memory_space<vmem_shared>>
      tpu.wait_indirect_dma semaphore(%arg19 : memref<!tpu.dma_semaphore, #tpu.memory_space<semaphore_mem>>) src(%dma_wait3A_324 : memref<80x128xf32, #tpu.memory_space<vmem>>) dst(%dma_wait3A_330 : memref<10000x128xf32, #tpu.memory_space<vmem_shared>>)
      %mul3A_331 = arith.constant 4 : i32
      %mul3A_332 = arith.muli %mul3A_331, %add3A_147 : i32
      %add3A_333 = arith.constant 2 : i32
      %add3A_334 = arith.addi %mul3A_332, %add3A_333 : i32
      %add3A_335 = arith.constant 2 : i32
      %add3A_336 = arith.addi %add3A_334, %add3A_335 : i32
      %mul3A_337 = arith.constant 80 : i32
      %mul3A_338 = arith.muli %add3A_336, %mul3A_337 : i32
      %add3A_339 = arith.addi %mul3A_4, %mul3A_338 : i32
      %dma_start3A_340 = arith.constant 0 : i32
      %dma_start3A_341 = arith.constant 0 : i32
      %dma_start3A_342 = tpu.memref_slice %arg7[%dma_start3A_340, %dma_start3A_341] : memref<4x80xi32, #tpu.memory_space<vmem>> -> memref<1x80xi32, #tpu.memory_space<vmem>>
      %dma_start3A_343 = tpu.memref_squeeze %dma_start3A_342 : memref<1x80xi32, #tpu.memory_space<vmem>> -> memref<80xi32, #tpu.memory_space<vmem>>
      %dma_start3A_344 = tpu.memref_slice %arg3[%add3A_339] : memref<320000xi32, #tpu.memory_space<hbm>> -> memref<80xi32, #tpu.memory_space<hbm>>
      %dma_start3A_345 = arith.constant 0 : i32
      %dma_start3A_346 = tpu.memref_slice %arg7[%dma_start3A_340, %dma_start3A_345] : memref<4x80xi32, #tpu.memory_space<vmem>> -> memref<1x80xi32, #tpu.memory_space<vmem>>
      %dma_start3A_347 = tpu.memref_squeeze %dma_start3A_346 : memref<1x80xi32, #tpu.memory_space<vmem>> -> memref<80xi32, #tpu.memory_space<vmem>>
      %dma_start3A_348 = tpu.memref_slice %arg3[%add3A_339] : memref<320000xi32, #tpu.memory_space<hbm>> -> memref<80xi32, #tpu.memory_space<hbm>>
      tpu.enqueue_dma source(%dma_start3A_348 : memref<80xi32, #tpu.memory_space<hbm>>) target(%dma_start3A_347 : memref<80xi32, #tpu.memory_space<vmem>>) target_semaphore(%arg11 : memref<!tpu.dma_semaphore, #tpu.memory_space<semaphore_mem>>)
      %dma_start3A_349 = arith.constant 0 : i32
      %dma_start3A_350 = arith.constant 0 : i32
      %dma_start3A_351 = tpu.memref_slice %arg8[%dma_start3A_349, %dma_start3A_350] : memref<4x80xi32, #tpu.memory_space<vmem>> -> memref<1x80xi32, #tpu.memory_space<vmem>>
      %dma_start3A_352 = tpu.memref_squeeze %dma_start3A_351 : memref<1x80xi32, #tpu.memory_space<vmem>> -> memref<80xi32, #tpu.memory_space<vmem>>
      %dma_start3A_353 = tpu.memref_slice %arg4[%add3A_339] : memref<320000xi32, #tpu.memory_space<hbm>> -> memref<80xi32, #tpu.memory_space<hbm>>
      %dma_start3A_354 = arith.constant 0 : i32
      %dma_start3A_355 = tpu.memref_slice %arg8[%dma_start3A_349, %dma_start3A_354] : memref<4x80xi32, #tpu.memory_space<vmem>> -> memref<1x80xi32, #tpu.memory_space<vmem>>
      %dma_start3A_356 = tpu.memref_squeeze %dma_start3A_355 : memref<1x80xi32, #tpu.memory_space<vmem>> -> memref<80xi32, #tpu.memory_space<vmem>>
      %dma_start3A_357 = tpu.memref_slice %arg4[%add3A_339] : memref<320000xi32, #tpu.memory_space<hbm>> -> memref<80xi32, #tpu.memory_space<hbm>>
      tpu.enqueue_dma source(%dma_start3A_357 : memref<80xi32, #tpu.memory_space<hbm>>) target(%dma_start3A_356 : memref<80xi32, #tpu.memory_space<vmem>>) target_semaphore(%arg11 : memref<!tpu.dma_semaphore, #tpu.memory_space<semaphore_mem>>)
      %dma_wait3A_358 = arith.constant 2 : i32
      %dma_wait3A_359 = arith.constant 2 : i32
      %dma_wait3A_360 = arith.constant 0 : i32
      %dma_wait3A_361 = arith.constant 0 : i32
      %dma_wait3A_362 = tpu.memref_slice %arg9[%dma_wait3A_359, %dma_wait3A_360, %dma_wait3A_361] : memref<4x80x128xf32, #tpu.memory_space<vmem>> -> memref<1x80x128xf32, #tpu.memory_space<vmem>>
      %dma_wait3A_363 = tpu.memref_squeeze %dma_wait3A_362 : memref<1x80x128xf32, #tpu.memory_space<vmem>> -> memref<80x128xf32, #tpu.memory_space<vmem>>
      %dma_wait3A_364 = arith.constant 0 : i32
      %dma_wait3A_365 = tpu.memref_slice %arg7[%dma_wait3A_358, %dma_wait3A_364] : memref<4x80xi32, #tpu.memory_space<vmem>> -> memref<1x80xi32, #tpu.memory_space<vmem>>
      %dma_wait3A_366 = tpu.memref_squeeze %dma_wait3A_365 : memref<1x80xi32, #tpu.memory_space<vmem>> -> memref<80xi32, #tpu.memory_space<vmem>>
      %dma_wait3A_367 = arith.constant 0 : i32
      %dma_wait3A_368 = arith.constant 0 : i32
      %dma_wait3A_369 = tpu.memref_slice %arg2[%dma_wait3A_367, %dma_wait3A_368] : memref<10000x128xf32, #tpu.memory_space<hbm>> -> memref<10000x128xf32, #tpu.memory_space<hbm>>
      tpu.wait_indirect_dma semaphore(%arg17 : memref<!tpu.dma_semaphore, #tpu.memory_space<semaphore_mem>>) src(%dma_wait3A_369 : memref<10000x128xf32, #tpu.memory_space<hbm>>) dst(%dma_wait3A_363 : memref<80x128xf32, #tpu.memory_space<vmem>>)
      %dma_start3A_370 = arith.constant 2 : i32
      %dma_start3A_371 = arith.constant 2 : i32
      %dma_start3A_372 = arith.constant 0 : i32
      %dma_start3A_373 = arith.constant 0 : i32
      %dma_start3A_374 = tpu.memref_slice %arg9[%dma_start3A_370, %dma_start3A_372, %dma_start3A_373] : memref<4x80x128xf32, #tpu.memory_space<vmem>> -> memref<1x80x128xf32, #tpu.memory_space<vmem>>
      %dma_start3A_375 = tpu.memref_squeeze %dma_start3A_374 : memref<1x80x128xf32, #tpu.memory_space<vmem>> -> memref<80x128xf32, #tpu.memory_space<vmem>>
      %dma_start3A_376 = arith.constant 0 : i32
      %dma_start3A_377 = tpu.memref_slice %arg8[%dma_start3A_371, %dma_start3A_376] : memref<4x80xi32, #tpu.memory_space<vmem>> -> memref<1x80xi32, #tpu.memory_space<vmem>>
      %dma_start3A_378 = tpu.memref_squeeze %dma_start3A_377 : memref<1x80xi32, #tpu.memory_space<vmem>> -> memref<80xi32, #tpu.memory_space<vmem>>
      %dma_start3A_379 = arith.constant 0 : i32
      %dma_start3A_380 = arith.constant 0 : i32
      %dma_start3A_381 = tpu.memref_slice %arg10[%dma_start3A_379, %dma_start3A_380] : memref<10000x128xf32, #tpu.memory_space<vmem_shared>> -> memref<10000x128xf32, #tpu.memory_space<vmem_shared>>
      tpu.enqueue_indirect_dma source(%dma_start3A_375 : memref<80x128xf32, #tpu.memory_space<vmem>>) target(%dma_start3A_381 : memref<10000x128xf32, #tpu.memory_space<vmem_shared>>) offsets(%dma_start3A_378 : memref<80xi32, #tpu.memory_space<vmem>>) semaphore(%arg21 : memref<!tpu.dma_semaphore, #tpu.memory_space<semaphore_mem>>) {add = true}
      %dma_wait3A_382 = arith.constant 3 : i32
      %dma_wait3A_383 = arith.constant 0 : i32
      %dma_wait3A_384 = tpu.memref_slice %arg7[%dma_wait3A_382, %dma_wait3A_383] : memref<4x80xi32, #tpu.memory_space<vmem>> -> memref<1x80xi32, #tpu.memory_space<vmem>>
      %dma_wait3A_385 = tpu.memref_squeeze %dma_wait3A_384 : memref<1x80xi32, #tpu.memory_space<vmem>> -> memref<80xi32, #tpu.memory_space<vmem>>
      %dma_wait3A_386 = tpu.memref_slice %arg3[%mul3A_4] : memref<320000xi32, #tpu.memory_space<hbm>> -> memref<80xi32, #tpu.memory_space<hbm>>
      %dma_wait3A_387 = arith.constant 0 : i32
      %dma_wait3A_388 = tpu.memref_slice %arg7[%dma_wait3A_382, %dma_wait3A_387] : memref<4x80xi32, #tpu.memory_space<vmem>> -> memref<1x80xi32, #tpu.memory_space<vmem>>
      %dma_wait3A_389 = tpu.memref_squeeze %dma_wait3A_388 : memref<1x80xi32, #tpu.memory_space<vmem>> -> memref<80xi32, #tpu.memory_space<vmem>>
      %dma_wait3A_390 = tpu.memref_slice %arg3[%mul3A_4] : memref<320000xi32, #tpu.memory_space<hbm>> -> memref<80xi32, #tpu.memory_space<hbm>>
      tpu.wait_dma2 semaphore(%arg14 : memref<!tpu.dma_semaphore, #tpu.memory_space<semaphore_mem>>) src(%dma_wait3A_390 : memref<80xi32, #tpu.memory_space<hbm>>) dst(%dma_wait3A_389 : memref<80xi32, #tpu.memory_space<vmem>>)
      %dma_wait3A_391 = arith.constant 3 : i32
      %dma_wait3A_392 = arith.constant 0 : i32
      %dma_wait3A_393 = tpu.memref_slice %arg8[%dma_wait3A_391, %dma_wait3A_392] : memref<4x80xi32, #tpu.memory_space<vmem>> -> memref<1x80xi32, #tpu.memory_space<vmem>>
      %dma_wait3A_394 = tpu.memref_squeeze %dma_wait3A_393 : memref<1x80xi32, #tpu.memory_space<vmem>> -> memref<80xi32, #tpu.memory_space<vmem>>
      %dma_wait3A_395 = tpu.memref_slice %arg4[%mul3A_4] : memref<320000xi32, #tpu.memory_space<hbm>> -> memref<80xi32, #tpu.memory_space<hbm>>
      %dma_wait3A_396 = arith.constant 0 : i32
      %dma_wait3A_397 = tpu.memref_slice %arg8[%dma_wait3A_391, %dma_wait3A_396] : memref<4x80xi32, #tpu.memory_space<vmem>> -> memref<1x80xi32, #tpu.memory_space<vmem>>
      %dma_wait3A_398 = tpu.memref_squeeze %dma_wait3A_397 : memref<1x80xi32, #tpu.memory_space<vmem>> -> memref<80xi32, #tpu.memory_space<vmem>>
      %dma_wait3A_399 = tpu.memref_slice %arg4[%mul3A_4] : memref<320000xi32, #tpu.memory_space<hbm>> -> memref<80xi32, #tpu.memory_space<hbm>>
      tpu.wait_dma2 semaphore(%arg14 : memref<!tpu.dma_semaphore, #tpu.memory_space<semaphore_mem>>) src(%dma_wait3A_399 : memref<80xi32, #tpu.memory_space<hbm>>) dst(%dma_wait3A_398 : memref<80xi32, #tpu.memory_space<vmem>>)
      %dma_start3A_400 = arith.constant 3 : i32
      %dma_start3A_401 = arith.constant 3 : i32
      %dma_start3A_402 = arith.constant 0 : i32
      %dma_start3A_403 = arith.constant 0 : i32
      %dma_start3A_404 = tpu.memref_slice %arg9[%dma_start3A_401, %dma_start3A_402, %dma_start3A_403] : memref<4x80x128xf32, #tpu.memory_space<vmem>> -> memref<1x80x128xf32, #tpu.memory_space<vmem>>
      %dma_start3A_405 = tpu.memref_squeeze %dma_start3A_404 : memref<1x80x128xf32, #tpu.memory_space<vmem>> -> memref<80x128xf32, #tpu.memory_space<vmem>>
      %dma_start3A_406 = arith.constant 0 : i32
      %dma_start3A_407 = tpu.memref_slice %arg7[%dma_start3A_400, %dma_start3A_406] : memref<4x80xi32, #tpu.memory_space<vmem>> -> memref<1x80xi32, #tpu.memory_space<vmem>>
      %dma_start3A_408 = tpu.memref_squeeze %dma_start3A_407 : memref<1x80xi32, #tpu.memory_space<vmem>> -> memref<80xi32, #tpu.memory_space<vmem>>
      %dma_start3A_409 = arith.constant 0 : i32
      %dma_start3A_410 = arith.constant 0 : i32
      %dma_start3A_411 = tpu.memref_slice %arg2[%dma_start3A_409, %dma_start3A_410] : memref<10000x128xf32, #tpu.memory_space<hbm>> -> memref<10000x128xf32, #tpu.memory_space<hbm>>
      tpu.enqueue_indirect_dma source(%dma_start3A_411 : memref<10000x128xf32, #tpu.memory_space<hbm>>) target(%dma_start3A_405 : memref<80x128xf32, #tpu.memory_space<vmem>>) offsets(%dma_start3A_408 : memref<80xi32, #tpu.memory_space<vmem>>) semaphore(%arg18 : memref<!tpu.dma_semaphore, #tpu.memory_space<semaphore_mem>>)
      %dma_wait3A_412 = arith.constant 1 : i32
      %dma_wait3A_413 = arith.constant 1 : i32
      %dma_wait3A_414 = arith.constant 0 : i32
      %dma_wait3A_415 = arith.constant 0 : i32
      %dma_wait3A_416 = tpu.memref_slice %arg9[%dma_wait3A_412, %dma_wait3A_414, %dma_wait3A_415] : memref<4x80x128xf32, #tpu.memory_space<vmem>> -> memref<1x80x128xf32, #tpu.memory_space<vmem>>
      %dma_wait3A_417 = tpu.memref_squeeze %dma_wait3A_416 : memref<1x80x128xf32, #tpu.memory_space<vmem>> -> memref<80x128xf32, #tpu.memory_space<vmem>>
      %dma_wait3A_418 = arith.constant 0 : i32
      %dma_wait3A_419 = tpu.memref_slice %arg8[%dma_wait3A_413, %dma_wait3A_418] : memref<4x80xi32, #tpu.memory_space<vmem>> -> memref<1x80xi32, #tpu.memory_space<vmem>>
      %dma_wait3A_420 = tpu.memref_squeeze %dma_wait3A_419 : memref<1x80xi32, #tpu.memory_space<vmem>> -> memref<80xi32, #tpu.memory_space<vmem>>
      %dma_wait3A_421 = arith.constant 0 : i32
      %dma_wait3A_422 = arith.constant 0 : i32
      %dma_wait3A_423 = tpu.memref_slice %arg10[%dma_wait3A_421, %dma_wait3A_422] : memref<10000x128xf32, #tpu.memory_space<vmem_shared>> -> memref<10000x128xf32, #tpu.memory_space<vmem_shared>>
      tpu.wait_indirect_dma semaphore(%arg20 : memref<!tpu.dma_semaphore, #tpu.memory_space<semaphore_mem>>) src(%dma_wait3A_417 : memref<80x128xf32, #tpu.memory_space<vmem>>) dst(%dma_wait3A_423 : memref<10000x128xf32, #tpu.memory_space<vmem_shared>>)
      %lt3A_424 = arith.constant 30 : i32
      %lt3A_425 = arith.cmpi slt, %add3A_147, %lt3A_424 : i32
      %convert_element_type3A_426 = arith.extui %lt3A_425 : i1 to i32
      %cond3A_427 = arith.constant 0 : i32
      %cond3A_428 = arith.cmpi ne, %convert_element_type3A_426, %cond3A_427 : i32
      scf.if %cond3A_428 {
        %mul3A_483 = arith.constant 4 : i32
        %mul3A_484 = arith.muli %mul3A_483, %add3A_147 : i32
        %add3A_485 = arith.constant 3 : i32
        %add3A_486 = arith.addi %mul3A_484, %add3A_485 : i32
        %add3A_487 = arith.constant 2 : i32
        %add3A_488 = arith.addi %add3A_486, %add3A_487 : i32
        %mul3A_489 = arith.constant 80 : i32
        %mul3A_490 = arith.muli %add3A_488, %mul3A_489 : i32
        %add3A_491 = arith.addi %mul3A_4, %mul3A_490 : i32
        %dma_start3A_492 = arith.constant 1 : i32
        %dma_start3A_493 = arith.constant 0 : i32
        %dma_start3A_494 = tpu.memref_slice %arg7[%dma_start3A_492, %dma_start3A_493] : memref<4x80xi32, #tpu.memory_space<vmem>> -> memref<1x80xi32, #tpu.memory_space<vmem>>
        %dma_start3A_495 = tpu.memref_squeeze %dma_start3A_494 : memref<1x80xi32, #tpu.memory_space<vmem>> -> memref<80xi32, #tpu.memory_space<vmem>>
        %dma_start3A_496 = tpu.memref_slice %arg3[%add3A_491] : memref<320000xi32, #tpu.memory_space<hbm>> -> memref<80xi32, #tpu.memory_space<hbm>>
        %dma_start3A_497 = arith.constant 0 : i32
        %dma_start3A_498 = tpu.memref_slice %arg7[%dma_start3A_492, %dma_start3A_497] : memref<4x80xi32, #tpu.memory_space<vmem>> -> memref<1x80xi32, #tpu.memory_space<vmem>>
        %dma_start3A_499 = tpu.memref_squeeze %dma_start3A_498 : memref<1x80xi32, #tpu.memory_space<vmem>> -> memref<80xi32, #tpu.memory_space<vmem>>
        %dma_start3A_500 = tpu.memref_slice %arg3[%add3A_491] : memref<320000xi32, #tpu.memory_space<hbm>> -> memref<80xi32, #tpu.memory_space<hbm>>
        tpu.enqueue_dma source(%dma_start3A_500 : memref<80xi32, #tpu.memory_space<hbm>>) target(%dma_start3A_499 : memref<80xi32, #tpu.memory_space<vmem>>) target_semaphore(%arg12 : memref<!tpu.dma_semaphore, #tpu.memory_space<semaphore_mem>>)
        %dma_start3A_501 = arith.constant 1 : i32
        %dma_start3A_502 = arith.constant 0 : i32
        %dma_start3A_503 = tpu.memref_slice %arg8[%dma_start3A_501, %dma_start3A_502] : memref<4x80xi32, #tpu.memory_space<vmem>> -> memref<1x80xi32, #tpu.memory_space<vmem>>
        %dma_start3A_504 = tpu.memref_squeeze %dma_start3A_503 : memref<1x80xi32, #tpu.memory_space<vmem>> -> memref<80xi32, #tpu.memory_space<vmem>>
        %dma_start3A_505 = tpu.memref_slice %arg4[%add3A_491] : memref<320000xi32, #tpu.memory_space<hbm>> -> memref<80xi32, #tpu.memory_space<hbm>>
        %dma_start3A_506 = arith.constant 0 : i32
        %dma_start3A_507 = tpu.memref_slice %arg8[%dma_start3A_501, %dma_start3A_506] : memref<4x80xi32, #tpu.memory_space<vmem>> -> memref<1x80xi32, #tpu.memory_space<vmem>>
        %dma_start3A_508 = tpu.memref_squeeze %dma_start3A_507 : memref<1x80xi32, #tpu.memory_space<vmem>> -> memref<80xi32, #tpu.memory_space<vmem>>
        %dma_start3A_509 = tpu.memref_slice %arg4[%add3A_491] : memref<320000xi32, #tpu.memory_space<hbm>> -> memref<80xi32, #tpu.memory_space<hbm>>
        tpu.enqueue_dma source(%dma_start3A_509 : memref<80xi32, #tpu.memory_space<hbm>>) target(%dma_start3A_508 : memref<80xi32, #tpu.memory_space<vmem>>) target_semaphore(%arg12 : memref<!tpu.dma_semaphore, #tpu.memory_space<semaphore_mem>>)
      } else {
      }
      %dma_wait3A_429 = arith.constant 3 : i32
      %dma_wait3A_430 = arith.constant 3 : i32
      %dma_wait3A_431 = arith.constant 0 : i32
      %dma_wait3A_432 = arith.constant 0 : i32
      %dma_wait3A_433 = tpu.memref_slice %arg9[%dma_wait3A_430, %dma_wait3A_431, %dma_wait3A_432] : memref<4x80x128xf32, #tpu.memory_space<vmem>> -> memref<1x80x128xf32, #tpu.memory_space<vmem>>
      %dma_wait3A_434 = tpu.memref_squeeze %dma_wait3A_433 : memref<1x80x128xf32, #tpu.memory_space<vmem>> -> memref<80x128xf32, #tpu.memory_space<vmem>>
      %dma_wait3A_435 = arith.constant 0 : i32
      %dma_wait3A_436 = tpu.memref_slice %arg7[%dma_wait3A_429, %dma_wait3A_435] : memref<4x80xi32, #tpu.memory_space<vmem>> -> memref<1x80xi32, #tpu.memory_space<vmem>>
      %dma_wait3A_437 = tpu.memref_squeeze %dma_wait3A_436 : memref<1x80xi32, #tpu.memory_space<vmem>> -> memref<80xi32, #tpu.memory_space<vmem>>
      %dma_wait3A_438 = arith.constant 0 : i32
      %dma_wait3A_439 = arith.constant 0 : i32
      %dma_wait3A_440 = tpu.memref_slice %arg2[%dma_wait3A_438, %dma_wait3A_439] : memref<10000x128xf32, #tpu.memory_space<hbm>> -> memref<10000x128xf32, #tpu.memory_space<hbm>>
      tpu.wait_indirect_dma semaphore(%arg18 : memref<!tpu.dma_semaphore, #tpu.memory_space<semaphore_mem>>) src(%dma_wait3A_440 : memref<10000x128xf32, #tpu.memory_space<hbm>>) dst(%dma_wait3A_434 : memref<80x128xf32, #tpu.memory_space<vmem>>)
      %dma_start3A_441 = arith.constant 3 : i32
      %dma_start3A_442 = arith.constant 3 : i32
      %dma_start3A_443 = arith.constant 0 : i32
      %dma_start3A_444 = arith.constant 0 : i32
      %dma_start3A_445 = tpu.memref_slice %arg9[%dma_start3A_441, %dma_start3A_443, %dma_start3A_444] : memref<4x80x128xf32, #tpu.memory_space<vmem>> -> memref<1x80x128xf32, #tpu.memory_space<vmem>>
      %dma_start3A_446 = tpu.memref_squeeze %dma_start3A_445 : memref<1x80x128xf32, #tpu.memory_space<vmem>> -> memref<80x128xf32, #tpu.memory_space<vmem>>
      %dma_start3A_447 = arith.constant 0 : i32
      %dma_start3A_448 = tpu.memref_slice %arg8[%dma_start3A_442, %dma_start3A_447] : memref<4x80xi32, #tpu.memory_space<vmem>> -> memref<1x80xi32, #tpu.memory_space<vmem>>
      %dma_start3A_449 = tpu.memref_squeeze %dma_start3A_448 : memref<1x80xi32, #tpu.memory_space<vmem>> -> memref<80xi32, #tpu.memory_space<vmem>>
      %dma_start3A_450 = arith.constant 0 : i32
      %dma_start3A_451 = arith.constant 0 : i32
      %dma_start3A_452 = tpu.memref_slice %arg10[%dma_start3A_450, %dma_start3A_451] : memref<10000x128xf32, #tpu.memory_space<vmem_shared>> -> memref<10000x128xf32, #tpu.memory_space<vmem_shared>>
      tpu.enqueue_indirect_dma source(%dma_start3A_446 : memref<80x128xf32, #tpu.memory_space<vmem>>) target(%dma_start3A_452 : memref<10000x128xf32, #tpu.memory_space<vmem_shared>>) offsets(%dma_start3A_449 : memref<80xi32, #tpu.memory_space<vmem>>) semaphore(%arg22 : memref<!tpu.dma_semaphore, #tpu.memory_space<semaphore_mem>>) {add = true}
      %dma_wait3A_453 = arith.constant 0 : i32
      %dma_wait3A_454 = arith.constant 0 : i32
      %dma_wait3A_455 = tpu.memref_slice %arg7[%dma_wait3A_453, %dma_wait3A_454] : memref<4x80xi32, #tpu.memory_space<vmem>> -> memref<1x80xi32, #tpu.memory_space<vmem>>
      %dma_wait3A_456 = tpu.memref_squeeze %dma_wait3A_455 : memref<1x80xi32, #tpu.memory_space<vmem>> -> memref<80xi32, #tpu.memory_space<vmem>>
      %dma_wait3A_457 = tpu.memref_slice %arg3[%mul3A_4] : memref<320000xi32, #tpu.memory_space<hbm>> -> memref<80xi32, #tpu.memory_space<hbm>>
      %dma_wait3A_458 = arith.constant 0 : i32
      %dma_wait3A_459 = tpu.memref_slice %arg7[%dma_wait3A_453, %dma_wait3A_458] : memref<4x80xi32, #tpu.memory_space<vmem>> -> memref<1x80xi32, #tpu.memory_space<vmem>>
      %dma_wait3A_460 = tpu.memref_squeeze %dma_wait3A_459 : memref<1x80xi32, #tpu.memory_space<vmem>> -> memref<80xi32, #tpu.memory_space<vmem>>
      %dma_wait3A_461 = tpu.memref_slice %arg3[%mul3A_4] : memref<320000xi32, #tpu.memory_space<hbm>> -> memref<80xi32, #tpu.memory_space<hbm>>
      tpu.wait_dma2 semaphore(%arg11 : memref<!tpu.dma_semaphore, #tpu.memory_space<semaphore_mem>>) src(%dma_wait3A_461 : memref<80xi32, #tpu.memory_space<hbm>>) dst(%dma_wait3A_460 : memref<80xi32, #tpu.memory_space<vmem>>)
      %dma_wait3A_462 = arith.constant 0 : i32
      %dma_wait3A_463 = arith.constant 0 : i32
      %dma_wait3A_464 = tpu.memref_slice %arg8[%dma_wait3A_462, %dma_wait3A_463] : memref<4x80xi32, #tpu.memory_space<vmem>> -> memref<1x80xi32, #tpu.memory_space<vmem>>
      %dma_wait3A_465 = tpu.memref_squeeze %dma_wait3A_464 : memref<1x80xi32, #tpu.memory_space<vmem>> -> memref<80xi32, #tpu.memory_space<vmem>>
      %dma_wait3A_466 = tpu.memref_slice %arg4[%mul3A_4] : memref<320000xi32, #tpu.memory_space<hbm>> -> memref<80xi32, #tpu.memory_space<hbm>>
      %dma_wait3A_467 = arith.constant 0 : i32
      %dma_wait3A_468 = tpu.memref_slice %arg8[%dma_wait3A_462, %dma_wait3A_467] : memref<4x80xi32, #tpu.memory_space<vmem>> -> memref<1x80xi32, #tpu.memory_space<vmem>>
      %dma_wait3A_469 = tpu.memref_squeeze %dma_wait3A_468 : memref<1x80xi32, #tpu.memory_space<vmem>> -> memref<80xi32, #tpu.memory_space<vmem>>
      %dma_wait3A_470 = tpu.memref_slice %arg4[%mul3A_4] : memref<320000xi32, #tpu.memory_space<hbm>> -> memref<80xi32, #tpu.memory_space<hbm>>
      tpu.wait_dma2 semaphore(%arg11 : memref<!tpu.dma_semaphore, #tpu.memory_space<semaphore_mem>>) src(%dma_wait3A_470 : memref<80xi32, #tpu.memory_space<hbm>>) dst(%dma_wait3A_469 : memref<80xi32, #tpu.memory_space<vmem>>)
      %dma_start3A_471 = arith.constant 0 : i32
      %dma_start3A_472 = arith.constant 0 : i32
      %dma_start3A_473 = arith.constant 0 : i32
      %dma_start3A_474 = arith.constant 0 : i32
      %dma_start3A_475 = tpu.memref_slice %arg9[%dma_start3A_472, %dma_start3A_473, %dma_start3A_474] : memref<4x80x128xf32, #tpu.memory_space<vmem>> -> memref<1x80x128xf32, #tpu.memory_space<vmem>>
      %dma_start3A_476 = tpu.memref_squeeze %dma_start3A_475 : memref<1x80x128xf32, #tpu.memory_space<vmem>> -> memref<80x128xf32, #tpu.memory_space<vmem>>
      %dma_start3A_477 = arith.constant 0 : i32
      %dma_start3A_478 = tpu.memref_slice %arg7[%dma_start3A_471, %dma_start3A_477] : memref<4x80xi32, #tpu.memory_space<vmem>> -> memref<1x80xi32, #tpu.memory_space<vmem>>
      %dma_start3A_479 = tpu.memref_squeeze %dma_start3A_478 : memref<1x80xi32, #tpu.memory_space<vmem>> -> memref<80xi32, #tpu.memory_space<vmem>>
      %dma_start3A_480 = arith.constant 0 : i32
      %dma_start3A_481 = arith.constant 0 : i32
      %dma_start3A_482 = tpu.memref_slice %arg2[%dma_start3A_480, %dma_start3A_481] : memref<10000x128xf32, #tpu.memory_space<hbm>> -> memref<10000x128xf32, #tpu.memory_space<hbm>>
      tpu.enqueue_indirect_dma source(%dma_start3A_482 : memref<10000x128xf32, #tpu.memory_space<hbm>>) target(%dma_start3A_476 : memref<80x128xf32, #tpu.memory_space<vmem>>) offsets(%dma_start3A_479 : memref<80xi32, #tpu.memory_space<vmem>>) semaphore(%arg15 : memref<!tpu.dma_semaphore, #tpu.memory_space<semaphore_mem>>)
    }
    %scan3A_76 = arith.constant 31 : i32
    %dma_wait3A_77 = arith.constant 2 : i32
    %dma_wait3A_78 = arith.constant 2 : i32
    %dma_wait3A_79 = arith.constant 0 : i32
    %dma_wait3A_80 = arith.constant 0 : i32
    %dma_wait3A_81 = tpu.memref_slice %arg9[%dma_wait3A_77, %dma_wait3A_79, %dma_wait3A_80] : memref<4x80x128xf32, #tpu.memory_space<vmem>> -> memref<1x80x128xf32, #tpu.memory_space<vmem>>
    %dma_wait3A_82 = tpu.memref_squeeze %dma_wait3A_81 : memref<1x80x128xf32, #tpu.memory_space<vmem>> -> memref<80x128xf32, #tpu.memory_space<vmem>>
    %dma_wait3A_83 = arith.constant 0 : i32
    %dma_wait3A_84 = tpu.memref_slice %arg8[%dma_wait3A_78, %dma_wait3A_83] : memref<4x80xi32, #tpu.memory_space<vmem>> -> memref<1x80xi32, #tpu.memory_space<vmem>>
    %dma_wait3A_85 = tpu.memref_squeeze %dma_wait3A_84 : memref<1x80xi32, #tpu.memory_space<vmem>> -> memref<80xi32, #tpu.memory_space<vmem>>
    %dma_wait3A_86 = arith.constant 0 : i32
    %dma_wait3A_87 = arith.constant 0 : i32
    %dma_wait3A_88 = tpu.memref_slice %arg10[%dma_wait3A_86, %dma_wait3A_87] : memref<10000x128xf32, #tpu.memory_space<vmem_shared>> -> memref<10000x128xf32, #tpu.memory_space<vmem_shared>>
    tpu.wait_indirect_dma semaphore(%arg21 : memref<!tpu.dma_semaphore, #tpu.memory_space<semaphore_mem>>) src(%dma_wait3A_82 : memref<80x128xf32, #tpu.memory_space<vmem>>) dst(%dma_wait3A_88 : memref<10000x128xf32, #tpu.memory_space<vmem_shared>>)
    %dma_wait3A_89 = arith.constant 0 : i32
    %dma_wait3A_90 = arith.constant 0 : i32
    %dma_wait3A_91 = arith.constant 0 : i32
    %dma_wait3A_92 = arith.constant 0 : i32
    %dma_wait3A_93 = tpu.memref_slice %arg9[%dma_wait3A_90, %dma_wait3A_91, %dma_wait3A_92] : memref<4x80x128xf32, #tpu.memory_space<vmem>> -> memref<1x80x128xf32, #tpu.memory_space<vmem>>
    %dma_wait3A_94 = tpu.memref_squeeze %dma_wait3A_93 : memref<1x80x128xf32, #tpu.memory_space<vmem>> -> memref<80x128xf32, #tpu.memory_space<vmem>>
    %dma_wait3A_95 = arith.constant 0 : i32
    %dma_wait3A_96 = tpu.memref_slice %arg7[%dma_wait3A_89, %dma_wait3A_95] : memref<4x80xi32, #tpu.memory_space<vmem>> -> memref<1x80xi32, #tpu.memory_space<vmem>>
    %dma_wait3A_97 = tpu.memref_squeeze %dma_wait3A_96 : memref<1x80xi32, #tpu.memory_space<vmem>> -> memref<80xi32, #tpu.memory_space<vmem>>
    %dma_wait3A_98 = arith.constant 0 : i32
    %dma_wait3A_99 = arith.constant 0 : i32
    %dma_wait3A_100 = tpu.memref_slice %arg2[%dma_wait3A_98, %dma_wait3A_99] : memref<10000x128xf32, #tpu.memory_space<hbm>> -> memref<10000x128xf32, #tpu.memory_space<hbm>>
    tpu.wait_indirect_dma semaphore(%arg15 : memref<!tpu.dma_semaphore, #tpu.memory_space<semaphore_mem>>) src(%dma_wait3A_100 : memref<10000x128xf32, #tpu.memory_space<hbm>>) dst(%dma_wait3A_94 : memref<80x128xf32, #tpu.memory_space<vmem>>)
    %dma_start3A_101 = arith.constant 0 : i32
    %dma_start3A_102 = arith.constant 0 : i32
    %dma_start3A_103 = arith.constant 0 : i32
    %dma_start3A_104 = arith.constant 0 : i32
    %dma_start3A_105 = tpu.memref_slice %arg9[%dma_start3A_101, %dma_start3A_103, %dma_start3A_104] : memref<4x80x128xf32, #tpu.memory_space<vmem>> -> memref<1x80x128xf32, #tpu.memory_space<vmem>>
    %dma_start3A_106 = tpu.memref_squeeze %dma_start3A_105 : memref<1x80x128xf32, #tpu.memory_space<vmem>> -> memref<80x128xf32, #tpu.memory_space<vmem>>
    %dma_start3A_107 = arith.constant 0 : i32
    %dma_start3A_108 = tpu.memref_slice %arg8[%dma_start3A_102, %dma_start3A_107] : memref<4x80xi32, #tpu.memory_space<vmem>> -> memref<1x80xi32, #tpu.memory_space<vmem>>
    %dma_start3A_109 = tpu.memref_squeeze %dma_start3A_108 : memref<1x80xi32, #tpu.memory_space<vmem>> -> memref<80xi32, #tpu.memory_space<vmem>>
    %dma_start3A_110 = arith.constant 0 : i32
    %dma_start3A_111 = arith.constant 0 : i32
    %dma_start3A_112 = tpu.memref_slice %arg10[%dma_start3A_110, %dma_start3A_111] : memref<10000x128xf32, #tpu.memory_space<vmem_shared>> -> memref<10000x128xf32, #tpu.memory_space<vmem_shared>>
    tpu.enqueue_indirect_dma source(%dma_start3A_106 : memref<80x128xf32, #tpu.memory_space<vmem>>) target(%dma_start3A_112 : memref<10000x128xf32, #tpu.memory_space<vmem_shared>>) offsets(%dma_start3A_109 : memref<80xi32, #tpu.memory_space<vmem>>) semaphore(%arg19 : memref<!tpu.dma_semaphore, #tpu.memory_space<semaphore_mem>>) {add = true}
    %dma_wait3A_113 = arith.constant 3 : i32
    %dma_wait3A_114 = arith.constant 3 : i32
    %dma_wait3A_115 = arith.constant 0 : i32
    %dma_wait3A_116 = arith.constant 0 : i32
    %dma_wait3A_117 = tpu.memref_slice %arg9[%dma_wait3A_113, %dma_wait3A_115, %dma_wait3A_116] : memref<4x80x128xf32, #tpu.memory_space<vmem>> -> memref<1x80x128xf32, #tpu.memory_space<vmem>>
    %dma_wait3A_118 = tpu.memref_squeeze %dma_wait3A_117 : memref<1x80x128xf32, #tpu.memory_space<vmem>> -> memref<80x128xf32, #tpu.memory_space<vmem>>
    %dma_wait3A_119 = arith.constant 0 : i32
    %dma_wait3A_120 = tpu.memref_slice %arg8[%dma_wait3A_114, %dma_wait3A_119] : memref<4x80xi32, #tpu.memory_space<vmem>> -> memref<1x80xi32, #tpu.memory_space<vmem>>
    %dma_wait3A_121 = tpu.memref_squeeze %dma_wait3A_120 : memref<1x80xi32, #tpu.memory_space<vmem>> -> memref<80xi32, #tpu.memory_space<vmem>>
    %dma_wait3A_122 = arith.constant 0 : i32
    %dma_wait3A_123 = arith.constant 0 : i32
    %dma_wait3A_124 = tpu.memref_slice %arg10[%dma_wait3A_122, %dma_wait3A_123] : memref<10000x128xf32, #tpu.memory_space<vmem_shared>> -> memref<10000x128xf32, #tpu.memory_space<vmem_shared>>
    tpu.wait_indirect_dma semaphore(%arg22 : memref<!tpu.dma_semaphore, #tpu.memory_space<semaphore_mem>>) src(%dma_wait3A_118 : memref<80x128xf32, #tpu.memory_space<vmem>>) dst(%dma_wait3A_124 : memref<10000x128xf32, #tpu.memory_space<vmem_shared>>)
    %dma_wait3A_125 = arith.constant 0 : i32
    %dma_wait3A_126 = arith.constant 0 : i32
    %dma_wait3A_127 = arith.constant 0 : i32
    %dma_wait3A_128 = arith.constant 0 : i32
    %dma_wait3A_129 = tpu.memref_slice %arg9[%dma_wait3A_125, %dma_wait3A_127, %dma_wait3A_128] : memref<4x80x128xf32, #tpu.memory_space<vmem>> -> memref<1x80x128xf32, #tpu.memory_space<vmem>>
    %dma_wait3A_130 = tpu.memref_squeeze %dma_wait3A_129 : memref<1x80x128xf32, #tpu.memory_space<vmem>> -> memref<80x128xf32, #tpu.memory_space<vmem>>
    %dma_wait3A_131 = arith.constant 0 : i32
    %dma_wait3A_132 = tpu.memref_slice %arg8[%dma_wait3A_126, %dma_wait3A_131] : memref<4x80xi32, #tpu.memory_space<vmem>> -> memref<1x80xi32, #tpu.memory_space<vmem>>
    %dma_wait3A_133 = tpu.memref_squeeze %dma_wait3A_132 : memref<1x80xi32, #tpu.memory_space<vmem>> -> memref<80xi32, #tpu.memory_space<vmem>>
    %dma_wait3A_134 = arith.constant 0 : i32
    %dma_wait3A_135 = arith.constant 0 : i32
    %dma_wait3A_136 = tpu.memref_slice %arg10[%dma_wait3A_134, %dma_wait3A_135] : memref<10000x128xf32, #tpu.memory_space<vmem_shared>> -> memref<10000x128xf32, #tpu.memory_space<vmem_shared>>
    tpu.wait_indirect_dma semaphore(%arg19 : memref<!tpu.dma_semaphore, #tpu.memory_space<semaphore_mem>>) src(%dma_wait3A_130 : memref<80x128xf32, #tpu.memory_space<vmem>>) dst(%dma_wait3A_136 : memref<10000x128xf32, #tpu.memory_space<vmem_shared>>)
    %barrier3A_137 = arith.constant 0 : index
    tpu.barrier barrier_id(%barrier3A_137)
    %lt3A_138 = arith.constant 10 : i32
    %lt3A_139 = arith.cmpi slt, %arg1, %lt3A_138 : i32
    %convert_element_type3A_140 = arith.extui %lt3A_139 : i1 to i32
    %cond3A_141 = arith.constant 0 : i32
    %cond3A_142 = arith.cmpi ne, %convert_element_type3A_140, %cond3A_141 : i32
    scf.if %cond3A_142 {
      %mul3A_143 = arith.constant 1000 : i32
      %mul3A_144 = arith.muli %arg1, %mul3A_143 : i32
      %mul3A_145 = arith.constant 10000 : i32
      %mul3A_146 = arith.muli %arg0, %mul3A_145 : i32
      %mul3A_147 = arith.constant 1000 : i32
      %mul3A_148 = arith.muli %arg1, %mul3A_147 : i32
      %add3A_149 = arith.addi %mul3A_146, %mul3A_148 : i32
      "tpu.region"() ({
        %run_scoped3A = tpu.sem_alloc : memref<!tpu.dma_semaphore, #tpu.memory_space<semaphore_mem>>
        %dma_start3A_150 = arith.constant 0 : i32
        %dma_start3A_151 = tpu.memref_slice %arg6[%add3A_149, %dma_start3A_150] : memref<20000x128xf32, #tpu.memory_space<hbm>> -> memref<1000x128xf32, #tpu.memory_space<hbm>>
        %dma_start3A_152 = arith.constant 0 : i32
        %dma_start3A_153 = tpu.memref_slice %arg10[%mul3A_144, %dma_start3A_152] : memref<10000x128xf32, #tpu.memory_space<vmem_shared>> -> memref<1000x128xf32, #tpu.memory_space<vmem_shared>>
        tpu.enqueue_dma source(%dma_start3A_153 : memref<1000x128xf32, #tpu.memory_space<vmem_shared>>) target(%dma_start3A_151 : memref<1000x128xf32, #tpu.memory_space<hbm>>) target_semaphore(%run_scoped3A : memref<!tpu.dma_semaphore, #tpu.memory_space<semaphore_mem>>)
        %dma_wait3A_154 = arith.constant 0 : i32
        %dma_wait3A_155 = tpu.memref_slice %arg6[%add3A_149, %dma_wait3A_154] : memref<20000x128xf32, #tpu.memory_space<hbm>> -> memref<1000x128xf32, #tpu.memory_space<hbm>>
        %dma_wait3A_156 = arith.constant 0 : i32
        %dma_wait3A_157 = tpu.memref_slice %arg10[%mul3A_144, %dma_wait3A_156] : memref<10000x128xf32, #tpu.memory_space<vmem_shared>> -> memref<1000x128xf32, #tpu.memory_space<vmem_shared>>
        tpu.wait_dma2 semaphore(%run_scoped3A : memref<!tpu.dma_semaphore, #tpu.memory_space<semaphore_mem>>) src(%dma_wait3A_157 : memref<1000x128xf32, #tpu.memory_space<vmem_shared>>) dst(%dma_wait3A_155 : memref<1000x128xf32, #tpu.memory_space<hbm>>)
        tpu.yield
      }) : () -> ()
    } else {
    }
    return
  }
}

#map = affine_map<(d0, d1) -> (0, 0)>
#map1 = affine_map<(d0, d1) -> (0)>
module attributes {stable_mosaic.version = 14 : i64} {
  func.func @agg_kernel(%arg0: i32, %arg1: i32, %arg2: memref<10000x128xf32, #tpu.memory_space<hbm>>, %arg3: memref<320000xi32, #tpu.memory_space<hbm>>, %arg4: memref<320000xi32, #tpu.memory_space<hbm>>, %arg5: memref<1000x128xf32, #tpu.memory_space<hbm>>, %arg6: memref<20000x128xf32, #tpu.memory_space<hbm>>, %arg7: memref<4x80xi32, #tpu.memory_space<vmem>>, %arg8: memref<4x80xi32, #tpu.memory_space<vmem>>, %arg9: memref<4x80x128xf32, #tpu.memory_space<vmem>>, %arg10: memref<10000x128xf32, #tpu.memory_space<vmem_shared>>, %arg11: memref<!tpu.dma_semaphore, #tpu.memory_space<semaphore_mem>>, %arg12: memref<!tpu.dma_semaphore, #tpu.memory_space<semaphore_mem>>, %arg13: memref<!tpu.dma_semaphore, #tpu.memory_space<semaphore_mem>>, %arg14: memref<!tpu.dma_semaphore, #tpu.memory_space<semaphore_mem>>, %arg15: memref<!tpu.dma_semaphore, #tpu.memory_space<semaphore_mem>>, %arg16: memref<!tpu.dma_semaphore, #tpu.memory_space<semaphore_mem>>, %arg17: memref<!tpu.dma_semaphore, #tpu.memory_space<semaphore_mem>>, %arg18: memref<!tpu.dma_semaphore, #tpu.memory_space<semaphore_mem>>, %arg19: memref<!tpu.dma_semaphore, #tpu.memory_space<semaphore_mem>>, %arg20: memref<!tpu.dma_semaphore, #tpu.memory_space<semaphore_mem>>, %arg21: memref<!tpu.dma_semaphore, #tpu.memory_space<semaphore_mem>>, %arg22: memref<!tpu.dma_semaphore, #tpu.memory_space<semaphore_mem>>) attributes {dimension_semantics = [#tpu.dimension_semantics<core_parallel>, #tpu.dimension_semantics<subcore_parallel>], iteration_bounds = array<i64: 2, 16>, scalar_prefetch = 0 : i64, scratch_operands = 16 : i64, tpu.core_type = #tpu.core_type<sc_vector_subcore>, window_params = [{transform_indices = #map}, {transform_indices = #map1}, {transform_indices = #map1}, {transform_indices = #map}, {transform_indices = #map}]} {
    %lt3A = arith.constant 10 : i32
    %lt3A_0 = arith.cmpi slt, %arg1, %lt3A : i32
    %convert_element_type3A = arith.extui %lt3A_0 : i1 to i32
    %cond3A = arith.constant 0 : i32
    %cond3A_1 = arith.cmpi ne, %convert_element_type3A, %cond3A : i32
    scf.if %cond3A_1 {
      %mul3A_143 = arith.constant 1000 : i32
      %mul3A_144 = arith.muli %arg1, %mul3A_143 : i32
      "tpu.region"() ({
        %run_scoped3A = tpu.sem_alloc : memref<!tpu.dma_semaphore, #tpu.memory_space<semaphore_mem>>
        %dma_start3A_145 = arith.constant 0 : i32
        %dma_start3A_146 = tpu.memref_slice %arg10[%mul3A_144, %dma_start3A_145] : memref<10000x128xf32, #tpu.memory_space<vmem_shared>> -> memref<1000x128xf32, #tpu.memory_space<vmem_shared>>
        tpu.enqueue_dma source(%arg5 : memref<1000x128xf32, #tpu.memory_space<hbm>>) target(%dma_start3A_146 : memref<1000x128xf32, #tpu.memory_space<vmem_shared>>) target_semaphore(%run_scoped3A : memref<!tpu.dma_semaphore, #tpu.memory_space<semaphore_mem>>)
        %dma_wait3A_147 = arith.constant 0 : i32
        %dma_wait3A_148 = tpu.memref_slice %arg10[%mul3A_144, %dma_wait3A_147] : memref<10000x128xf32, #tpu.memory_space<vmem_shared>> -> memref<1000x128xf32, #tpu.memory_space<vmem_shared>>
        tpu.wait_dma2 semaphore(%run_scoped3A : memref<!tpu.dma_semaphore, #tpu.memory_space<semaphore_mem>>) src(%arg5 : memref<1000x128xf32, #tpu.memory_space<hbm>>) dst(%dma_wait3A_148 : memref<1000x128xf32, #tpu.memory_space<vmem_shared>>)
        tpu.yield
      }) : () -> ()
    } else {
    }
    %barrier3A = arith.constant 0 : index
    tpu.barrier barrier_id(%barrier3A)
    %mul3A = arith.constant 16 : i32
    %mul3A_2 = arith.muli %arg0, %mul3A : i32
    %add3A = arith.addi %mul3A_2, %arg1 : i32
    %mul3A_3 = arith.constant 10000 : i32
    %mul3A_4 = arith.muli %add3A, %mul3A_3 : i32
    %add3A_5 = arith.constant 0 : i32
    %add3A_6 = arith.addi %mul3A_4, %add3A_5 : i32
    %dma_start3A = arith.constant 0 : i32
    %dma_start3A_7 = arith.constant 0 : i32
    %dma_start3A_8 = tpu.memref_slice %arg7[%dma_start3A, %dma_start3A_7] : memref<4x80xi32, #tpu.memory_space<vmem>> -> memref<1x80xi32, #tpu.memory_space<vmem>>
    %dma_start3A_9 = tpu.memref_squeeze %dma_start3A_8 : memref<1x80xi32, #tpu.memory_space<vmem>> -> memref<80xi32, #tpu.memory_space<vmem>>
    %dma_start3A_10 = tpu.memref_slice %arg3[%add3A_6] : memref<320000xi32, #tpu.memory_space<hbm>> -> memref<80xi32, #tpu.memory_space<hbm>>
    %dma_start3A_11 = arith.constant 0 : i32
    %dma_start3A_12 = tpu.memref_slice %arg7[%dma_start3A, %dma_start3A_11] : memref<4x80xi32, #tpu.memory_space<vmem>> -> memref<1x80xi32, #tpu.memory_space<vmem>>
    %dma_start3A_13 = tpu.memref_squeeze %dma_start3A_12 : memref<1x80xi32, #tpu.memory_space<vmem>> -> memref<80xi32, #tpu.memory_space<vmem>>
    %dma_start3A_14 = tpu.memref_slice %arg3[%add3A_6] : memref<320000xi32, #tpu.memory_space<hbm>> -> memref<80xi32, #tpu.memory_space<hbm>>
    tpu.enqueue_dma source(%dma_start3A_14 : memref<80xi32, #tpu.memory_space<hbm>>) target(%dma_start3A_13 : memref<80xi32, #tpu.memory_space<vmem>>) target_semaphore(%arg11 : memref<!tpu.dma_semaphore, #tpu.memory_space<semaphore_mem>>)
    %dma_start3A_15 = arith.constant 0 : i32
    %dma_start3A_16 = arith.constant 0 : i32
    %dma_start3A_17 = tpu.memref_slice %arg8[%dma_start3A_15, %dma_start3A_16] : memref<4x80xi32, #tpu.memory_space<vmem>> -> memref<1x80xi32, #tpu.memory_space<vmem>>
    %dma_start3A_18 = tpu.memref_squeeze %dma_start3A_17 : memref<1x80xi32, #tpu.memory_space<vmem>> -> memref<80xi32, #tpu.memory_space<vmem>>
    %dma_start3A_19 = tpu.memref_slice %arg4[%add3A_6] : memref<320000xi32, #tpu.memory_space<hbm>> -> memref<80xi32, #tpu.memory_space<hbm>>
    %dma_start3A_20 = arith.constant 0 : i32
    %dma_start3A_21 = tpu.memref_slice %arg8[%dma_start3A_15, %dma_start3A_20] : memref<4x80xi32, #tpu.memory_space<vmem>> -> memref<1x80xi32, #tpu.memory_space<vmem>>
    %dma_start3A_22 = tpu.memref_squeeze %dma_start3A_21 : memref<1x80xi32, #tpu.memory_space<vmem>> -> memref<80xi32, #tpu.memory_space<vmem>>
    %dma_start3A_23 = tpu.memref_slice %arg4[%add3A_6] : memref<320000xi32, #tpu.memory_space<hbm>> -> memref<80xi32, #tpu.memory_space<hbm>>
    tpu.enqueue_dma source(%dma_start3A_23 : memref<80xi32, #tpu.memory_space<hbm>>) target(%dma_start3A_22 : memref<80xi32, #tpu.memory_space<vmem>>) target_semaphore(%arg11 : memref<!tpu.dma_semaphore, #tpu.memory_space<semaphore_mem>>)
    %add3A_24 = arith.constant 80 : i32
    %add3A_25 = arith.addi %mul3A_4, %add3A_24 : i32
    %dma_start3A_26 = arith.constant 1 : i32
    %dma_start3A_27 = arith.constant 0 : i32
    %dma_start3A_28 = tpu.memref_slice %arg7[%dma_start3A_26, %dma_start3A_27] : memref<4x80xi32, #tpu.memory_space<vmem>> -> memref<1x80xi32, #tpu.memory_space<vmem>>
    %dma_start3A_29 = tpu.memref_squeeze %dma_start3A_28 : memref<1x80xi32, #tpu.memory_space<vmem>> -> memref<80xi32, #tpu.memory_space<vmem>>
    %dma_start3A_30 = tpu.memref_slice %arg3[%add3A_25] : memref<320000xi32, #tpu.memory_space<hbm>> -> memref<80xi32, #tpu.memory_space<hbm>>
    %dma_start3A_31 = arith.constant 0 : i32
    %dma_start3A_32 = tpu.memref_slice %arg7[%dma_start3A_26, %dma_start3A_31] : memref<4x80xi32, #tpu.memory_space<vmem>> -> memref<1x80xi32, #tpu.memory_space<vmem>>
    %dma_start3A_33 = tpu.memref_squeeze %dma_start3A_32 : memref<1x80xi32, #tpu.memory_space<vmem>> -> memref<80xi32, #tpu.memory_space<vmem>>
    %dma_start3A_34 = tpu.memref_slice %arg3[%add3A_25] : memref<320000xi32, #tpu.memory_space<hbm>> -> memref<80xi32, #tpu.memory_space<hbm>>
    tpu.enqueue_dma source(%dma_start3A_34 : memref<80xi32, #tpu.memory_space<hbm>>) target(%dma_start3A_33 : memref<80xi32, #tpu.memory_space<vmem>>) target_semaphore(%arg12 : memref<!tpu.dma_semaphore, #tpu.memory_space<semaphore_mem>>)
    %dma_start3A_35 = arith.constant 1 : i32
    %dma_start3A_36 = arith.constant 0 : i32
    %dma_start3A_37 = tpu.memref_slice %arg8[%dma_start3A_35, %dma_start3A_36] : memref<4x80xi32, #tpu.memory_space<vmem>> -> memref<1x80xi32, #tpu.memory_space<vmem>>
    %dma_start3A_38 = tpu.memref_squeeze %dma_start3A_37 : memref<1x80xi32, #tpu.memory_space<vmem>> -> memref<80xi32, #tpu.memory_space<vmem>>
    %dma_start3A_39 = tpu.memref_slice %arg4[%add3A_25] : memref<320000xi32, #tpu.memory_space<hbm>> -> memref<80xi32, #tpu.memory_space<hbm>>
    %dma_start3A_40 = arith.constant 0 : i32
    %dma_start3A_41 = tpu.memref_slice %arg8[%dma_start3A_35, %dma_start3A_40] : memref<4x80xi32, #tpu.memory_space<vmem>> -> memref<1x80xi32, #tpu.memory_space<vmem>>
    %dma_start3A_42 = tpu.memref_squeeze %dma_start3A_41 : memref<1x80xi32, #tpu.memory_space<vmem>> -> memref<80xi32, #tpu.memory_space<vmem>>
    %dma_start3A_43 = tpu.memref_slice %arg4[%add3A_25] : memref<320000xi32, #tpu.memory_space<hbm>> -> memref<80xi32, #tpu.memory_space<hbm>>
    tpu.enqueue_dma source(%dma_start3A_43 : memref<80xi32, #tpu.memory_space<hbm>>) target(%dma_start3A_42 : memref<80xi32, #tpu.memory_space<vmem>>) target_semaphore(%arg12 : memref<!tpu.dma_semaphore, #tpu.memory_space<semaphore_mem>>)
    %dma_wait3A = arith.constant 0 : i32
    %dma_wait3A_44 = arith.constant 0 : i32
    %dma_wait3A_45 = tpu.memref_slice %arg7[%dma_wait3A, %dma_wait3A_44] : memref<4x80xi32, #tpu.memory_space<vmem>> -> memref<1x80xi32, #tpu.memory_space<vmem>>
    %dma_wait3A_46 = tpu.memref_squeeze %dma_wait3A_45 : memref<1x80xi32, #tpu.memory_space<vmem>> -> memref<80xi32, #tpu.memory_space<vmem>>
    %dma_wait3A_47 = tpu.memref_slice %arg3[%mul3A_4] : memref<320000xi32, #tpu.memory_space<hbm>> -> memref<80xi32, #tpu.memory_space<hbm>>
    %dma_wait3A_48 = arith.constant 0 : i32
    %dma_wait3A_49 = tpu.memref_slice %arg7[%dma_wait3A, %dma_wait3A_48] : memref<4x80xi32, #tpu.memory_space<vmem>> -> memref<1x80xi32, #tpu.memory_space<vmem>>
    %dma_wait3A_50 = tpu.memref_squeeze %dma_wait3A_49 : memref<1x80xi32, #tpu.memory_space<vmem>> -> memref<80xi32, #tpu.memory_space<vmem>>
    %dma_wait3A_51 = tpu.memref_slice %arg3[%mul3A_4] : memref<320000xi32, #tpu.memory_space<hbm>> -> memref<80xi32, #tpu.memory_space<hbm>>
    tpu.wait_dma2 semaphore(%arg11 : memref<!tpu.dma_semaphore, #tpu.memory_space<semaphore_mem>>) src(%dma_wait3A_51 : memref<80xi32, #tpu.memory_space<hbm>>) dst(%dma_wait3A_50 : memref<80xi32, #tpu.memory_space<vmem>>)
    %dma_wait3A_52 = arith.constant 0 : i32
    %dma_wait3A_53 = arith.constant 0 : i32
    %dma_wait3A_54 = tpu.memref_slice %arg8[%dma_wait3A_52, %dma_wait3A_53] : memref<4x80xi32, #tpu.memory_space<vmem>> -> memref<1x80xi32, #tpu.memory_space<vmem>>
    %dma_wait3A_55 = tpu.memref_squeeze %dma_wait3A_54 : memref<1x80xi32, #tpu.memory_space<vmem>> -> memref<80xi32, #tpu.memory_space<vmem>>
    %dma_wait3A_56 = tpu.memref_slice %arg4[%mul3A_4] : memref<320000xi32, #tpu.memory_space<hbm>> -> memref<80xi32, #tpu.memory_space<hbm>>
    %dma_wait3A_57 = arith.constant 0 : i32
    %dma_wait3A_58 = tpu.memref_slice %arg8[%dma_wait3A_52, %dma_wait3A_57] : memref<4x80xi32, #tpu.memory_space<vmem>> -> memref<1x80xi32, #tpu.memory_space<vmem>>
    %dma_wait3A_59 = tpu.memref_squeeze %dma_wait3A_58 : memref<1x80xi32, #tpu.memory_space<vmem>> -> memref<80xi32, #tpu.memory_space<vmem>>
    %dma_wait3A_60 = tpu.memref_slice %arg4[%mul3A_4] : memref<320000xi32, #tpu.memory_space<hbm>> -> memref<80xi32, #tpu.memory_space<hbm>>
    tpu.wait_dma2 semaphore(%arg11 : memref<!tpu.dma_semaphore, #tpu.memory_space<semaphore_mem>>) src(%dma_wait3A_60 : memref<80xi32, #tpu.memory_space<hbm>>) dst(%dma_wait3A_59 : memref<80xi32, #tpu.memory_space<vmem>>)
    %dma_start3A_61 = arith.constant 0 : i32
    %dma_start3A_62 = arith.constant 0 : i32
    %dma_start3A_63 = arith.constant 0 : i32
    %dma_start3A_64 = arith.constant 0 : i32
    %dma_start3A_65 = tpu.memref_slice %arg9[%dma_start3A_62, %dma_start3A_63, %dma_start3A_64] : memref<4x80x128xf32, #tpu.memory_space<vmem>> -> memref<1x80x128xf32, #tpu.memory_space<vmem>>
    %dma_start3A_66 = tpu.memref_squeeze %dma_start3A_65 : memref<1x80x128xf32, #tpu.memory_space<vmem>> -> memref<80x128xf32, #tpu.memory_space<vmem>>
    %dma_start3A_67 = arith.constant 0 : i32
    %dma_start3A_68 = tpu.memref_slice %arg7[%dma_start3A_61, %dma_start3A_67] : memref<4x80xi32, #tpu.memory_space<vmem>> -> memref<1x80xi32, #tpu.memory_space<vmem>>
    %dma_start3A_69 = tpu.memref_squeeze %dma_start3A_68 : memref<1x80xi32, #tpu.memory_space<vmem>> -> memref<80xi32, #tpu.memory_space<vmem>>
    %dma_start3A_70 = arith.constant 0 : i32
    %dma_start3A_71 = arith.constant 0 : i32
    %dma_start3A_72 = tpu.memref_slice %arg2[%dma_start3A_70, %dma_start3A_71] : memref<10000x128xf32, #tpu.memory_space<hbm>> -> memref<10000x128xf32, #tpu.memory_space<hbm>>
    tpu.enqueue_indirect_dma source(%dma_start3A_72 : memref<10000x128xf32, #tpu.memory_space<hbm>>) target(%dma_start3A_66 : memref<80x128xf32, #tpu.memory_space<vmem>>) offsets(%dma_start3A_69 : memref<80xi32, #tpu.memory_space<vmem>>) semaphore(%arg15 : memref<!tpu.dma_semaphore, #tpu.memory_space<semaphore_mem>>)
    %scan3A = arith.constant 0 : i32
    %scan3A_73 = arith.constant 31 : i32
    %scan3A_74 = arith.addi %scan3A, %scan3A_73 : i32
    %scan3A_75 = arith.constant 1 : i32
    scf.for %scan3A_143 = %scan3A to %scan3A_74 step %scan3A_75  : i32 {
      %mul3A_144 = arith.constant 1 : i32
      %mul3A_145 = arith.muli %scan3A_143, %mul3A_144 : i32
      %add3A_146 = arith.constant 0 : i32
      %add3A_147 = arith.addi %add3A_146, %mul3A_145 : i32
      %gt3A = arith.constant 0 : i32
      %gt3A_148 = arith.cmpi sgt, %add3A_147, %gt3A : i32
      %convert_element_type3A_149 = arith.extui %gt3A_148 : i1 to i32
      %cond3A_150 = arith.constant 0 : i32
      %cond3A_151 = arith.cmpi ne, %convert_element_type3A_149, %cond3A_150 : i32
      scf.if %cond3A_151 {
        %dma_wait3A_483 = arith.constant 2 : i32
        %dma_wait3A_484 = arith.constant 2 : i32
        %dma_wait3A_485 = arith.constant 0 : i32
        %dma_wait3A_486 = arith.constant 0 : i32
        %dma_wait3A_487 = tpu.memref_slice %arg9[%dma_wait3A_483, %dma_wait3A_485, %dma_wait3A_486] : memref<4x80x128xf32, #tpu.memory_space<vmem>> -> memref<1x80x128xf32, #tpu.memory_space<vmem>>
        %dma_wait3A_488 = tpu.memref_squeeze %dma_wait3A_487 : memref<1x80x128xf32, #tpu.memory_space<vmem>> -> memref<80x128xf32, #tpu.memory_space<vmem>>
        %dma_wait3A_489 = arith.constant 0 : i32
        %dma_wait3A_490 = tpu.memref_slice %arg8[%dma_wait3A_484, %dma_wait3A_489] : memref<4x80xi32, #tpu.memory_space<vmem>> -> memref<1x80xi32, #tpu.memory_space<vmem>>
        %dma_wait3A_491 = tpu.memref_squeeze %dma_wait3A_490 : memref<1x80xi32, #tpu.memory_space<vmem>> -> memref<80xi32, #tpu.memory_space<vmem>>
        %dma_wait3A_492 = arith.constant 0 : i32
        %dma_wait3A_493 = arith.constant 0 : i32
        %dma_wait3A_494 = tpu.memref_slice %arg10[%dma_wait3A_492, %dma_wait3A_493] : memref<10000x128xf32, #tpu.memory_space<vmem_shared>> -> memref<10000x128xf32, #tpu.memory_space<vmem_shared>>
        tpu.wait_indirect_dma semaphore(%arg21 : memref<!tpu.dma_semaphore, #tpu.memory_space<semaphore_mem>>) src(%dma_wait3A_488 : memref<80x128xf32, #tpu.memory_space<vmem>>) dst(%dma_wait3A_494 : memref<10000x128xf32, #tpu.memory_space<vmem_shared>>)
      } else {
      }
      %mul3A_152 = arith.constant 4 : i32
      %mul3A_153 = arith.muli %mul3A_152, %add3A_147 : i32
      %add3A_154 = arith.constant 0 : i32
      %add3A_155 = arith.addi %mul3A_153, %add3A_154 : i32
      %add3A_156 = arith.constant 2 : i32
      %add3A_157 = arith.addi %add3A_155, %add3A_156 : i32
      %mul3A_158 = arith.constant 80 : i32
      %mul3A_159 = arith.muli %add3A_157, %mul3A_158 : i32
      %add3A_160 = arith.addi %mul3A_4, %mul3A_159 : i32
      %dma_start3A_161 = arith.constant 2 : i32
      %dma_start3A_162 = arith.constant 0 : i32
      %dma_start3A_163 = tpu.memref_slice %arg7[%dma_start3A_161, %dma_start3A_162] : memref<4x80xi32, #tpu.memory_space<vmem>> -> memref<1x80xi32, #tpu.memory_space<vmem>>
      %dma_start3A_164 = tpu.memref_squeeze %dma_start3A_163 : memref<1x80xi32, #tpu.memory_space<vmem>> -> memref<80xi32, #tpu.memory_space<vmem>>
      %dma_start3A_165 = tpu.memref_slice %arg3[%add3A_160] : memref<320000xi32, #tpu.memory_space<hbm>> -> memref<80xi32, #tpu.memory_space<hbm>>
      %dma_start3A_166 = arith.constant 0 : i32
      %dma_start3A_167 = tpu.memref_slice %arg7[%dma_start3A_161, %dma_start3A_166] : memref<4x80xi32, #tpu.memory_space<vmem>> -> memref<1x80xi32, #tpu.memory_space<vmem>>
      %dma_start3A_168 = tpu.memref_squeeze %dma_start3A_167 : memref<1x80xi32, #tpu.memory_space<vmem>> -> memref<80xi32, #tpu.memory_space<vmem>>
      %dma_start3A_169 = tpu.memref_slice %arg3[%add3A_160] : memref<320000xi32, #tpu.memory_space<hbm>> -> memref<80xi32, #tpu.memory_space<hbm>>
      tpu.enqueue_dma source(%dma_start3A_169 : memref<80xi32, #tpu.memory_space<hbm>>) target(%dma_start3A_168 : memref<80xi32, #tpu.memory_space<vmem>>) target_semaphore(%arg13 : memref<!tpu.dma_semaphore, #tpu.memory_space<semaphore_mem>>)
      %dma_start3A_170 = arith.constant 2 : i32
      %dma_start3A_171 = arith.constant 0 : i32
      %dma_start3A_172 = tpu.memref_slice %arg8[%dma_start3A_170, %dma_start3A_171] : memref<4x80xi32, #tpu.memory_space<vmem>> -> memref<1x80xi32, #tpu.memory_space<vmem>>
      %dma_start3A_173 = tpu.memref_squeeze %dma_start3A_172 : memref<1x80xi32, #tpu.memory_space<vmem>> -> memref<80xi32, #tpu.memory_space<vmem>>
      %dma_start3A_174 = tpu.memref_slice %arg4[%add3A_160] : memref<320000xi32, #tpu.memory_space<hbm>> -> memref<80xi32, #tpu.memory_space<hbm>>
      %dma_start3A_175 = arith.constant 0 : i32
      %dma_start3A_176 = tpu.memref_slice %arg8[%dma_start3A_170, %dma_start3A_175] : memref<4x80xi32, #tpu.memory_space<vmem>> -> memref<1x80xi32, #tpu.memory_space<vmem>>
      %dma_start3A_177 = tpu.memref_squeeze %dma_start3A_176 : memref<1x80xi32, #tpu.memory_space<vmem>> -> memref<80xi32, #tpu.memory_space<vmem>>
      %dma_start3A_178 = tpu.memref_slice %arg4[%add3A_160] : memref<320000xi32, #tpu.memory_space<hbm>> -> memref<80xi32, #tpu.memory_space<hbm>>
      tpu.enqueue_dma source(%dma_start3A_178 : memref<80xi32, #tpu.memory_space<hbm>>) target(%dma_start3A_177 : memref<80xi32, #tpu.memory_space<vmem>>) target_semaphore(%arg13 : memref<!tpu.dma_semaphore, #tpu.memory_space<semaphore_mem>>)
      %dma_wait3A_179 = arith.constant 0 : i32
      %dma_wait3A_180 = arith.constant 0 : i32
      %dma_wait3A_181 = arith.constant 0 : i32
      %dma_wait3A_182 = arith.constant 0 : i32
      %dma_wait3A_183 = tpu.memref_slice %arg9[%dma_wait3A_180, %dma_wait3A_181, %dma_wait3A_182] : memref<4x80x128xf32, #tpu.memory_space<vmem>> -> memref<1x80x128xf32, #tpu.memory_space<vmem>>
      %dma_wait3A_184 = tpu.memref_squeeze %dma_wait3A_183 : memref<1x80x128xf32, #tpu.memory_space<vmem>> -> memref<80x128xf32, #tpu.memory_space<vmem>>
      %dma_wait3A_185 = arith.constant 0 : i32
      %dma_wait3A_186 = tpu.memref_slice %arg7[%dma_wait3A_179, %dma_wait3A_185] : memref<4x80xi32, #tpu.memory_space<vmem>> -> memref<1x80xi32, #tpu.memory_space<vmem>>
      %dma_wait3A_187 = tpu.memref_squeeze %dma_wait3A_186 : memref<1x80xi32, #tpu.memory_space<vmem>> -> memref<80xi32, #tpu.memory_space<vmem>>
      %dma_wait3A_188 = arith.constant 0 : i32
      %dma_wait3A_189 = arith.constant 0 : i32
      %dma_wait3A_190 = tpu.memref_slice %arg2[%dma_wait3A_188, %dma_wait3A_189] : memref<10000x128xf32, #tpu.memory_space<hbm>> -> memref<10000x128xf32, #tpu.memory_space<hbm>>
      tpu.wait_indirect_dma semaphore(%arg15 : memref<!tpu.dma_semaphore, #tpu.memory_space<semaphore_mem>>) src(%dma_wait3A_190 : memref<10000x128xf32, #tpu.memory_space<hbm>>) dst(%dma_wait3A_184 : memref<80x128xf32, #tpu.memory_space<vmem>>)
      %dma_start3A_191 = arith.constant 0 : i32
      %dma_start3A_192 = arith.constant 0 : i32
      %dma_start3A_193 = arith.constant 0 : i32
      %dma_start3A_194 = arith.constant 0 : i32
      %dma_start3A_195 = tpu.memref_slice %arg9[%dma_start3A_191, %dma_start3A_193, %dma_start3A_194] : memref<4x80x128xf32, #tpu.memory_space<vmem>> -> memref<1x80x128xf32, #tpu.memory_space<vmem>>
      %dma_start3A_196 = tpu.memref_squeeze %dma_start3A_195 : memref<1x80x128xf32, #tpu.memory_space<vmem>> -> memref<80x128xf32, #tpu.memory_space<vmem>>
      %dma_start3A_197 = arith.constant 0 : i32
      %dma_start3A_198 = tpu.memref_slice %arg8[%dma_start3A_192, %dma_start3A_197] : memref<4x80xi32, #tpu.memory_space<vmem>> -> memref<1x80xi32, #tpu.memory_space<vmem>>
      %dma_start3A_199 = tpu.memref_squeeze %dma_start3A_198 : memref<1x80xi32, #tpu.memory_space<vmem>> -> memref<80xi32, #tpu.memory_space<vmem>>
      %dma_start3A_200 = arith.constant 0 : i32
      %dma_start3A_201 = arith.constant 0 : i32
      %dma_start3A_202 = tpu.memref_slice %arg10[%dma_start3A_200, %dma_start3A_201] : memref<10000x128xf32, #tpu.memory_space<vmem_shared>> -> memref<10000x128xf32, #tpu.memory_space<vmem_shared>>
      tpu.enqueue_indirect_dma source(%dma_start3A_196 : memref<80x128xf32, #tpu.memory_space<vmem>>) target(%dma_start3A_202 : memref<10000x128xf32, #tpu.memory_space<vmem_shared>>) offsets(%dma_start3A_199 : memref<80xi32, #tpu.memory_space<vmem>>) semaphore(%arg19 : memref<!tpu.dma_semaphore, #tpu.memory_space<semaphore_mem>>) {add = true}
      %dma_wait3A_203 = arith.constant 1 : i32
      %dma_wait3A_204 = arith.constant 0 : i32
      %dma_wait3A_205 = tpu.memref_slice %arg7[%dma_wait3A_203, %dma_wait3A_204] : memref<4x80xi32, #tpu.memory_space<vmem>> -> memref<1x80xi32, #tpu.memory_space<vmem>>
      %dma_wait3A_206 = tpu.memref_squeeze %dma_wait3A_205 : memref<1x80xi32, #tpu.memory_space<vmem>> -> memref<80xi32, #tpu.memory_space<vmem>>
      %dma_wait3A_207 = tpu.memref_slice %arg3[%mul3A_4] : memref<320000xi32, #tpu.memory_space<hbm>> -> memref<80xi32, #tpu.memory_space<hbm>>
      %dma_wait3A_208 = arith.constant 0 : i32
      %dma_wait3A_209 = tpu.memref_slice %arg7[%dma_wait3A_203, %dma_wait3A_208] : memref<4x80xi32, #tpu.memory_space<vmem>> -> memref<1x80xi32, #tpu.memory_space<vmem>>
      %dma_wait3A_210 = tpu.memref_squeeze %dma_wait3A_209 : memref<1x80xi32, #tpu.memory_space<vmem>> -> memref<80xi32, #tpu.memory_space<vmem>>
      %dma_wait3A_211 = tpu.memref_slice %arg3[%mul3A_4] : memref<320000xi32, #tpu.memory_space<hbm>> -> memref<80xi32, #tpu.memory_space<hbm>>
      tpu.wait_dma2 semaphore(%arg12 : memref<!tpu.dma_semaphore, #tpu.memory_space<semaphore_mem>>) src(%dma_wait3A_211 : memref<80xi32, #tpu.memory_space<hbm>>) dst(%dma_wait3A_210 : memref<80xi32, #tpu.memory_space<vmem>>)
      %dma_wait3A_212 = arith.constant 1 : i32
      %dma_wait3A_213 = arith.constant 0 : i32
      %dma_wait3A_214 = tpu.memref_slice %arg8[%dma_wait3A_212, %dma_wait3A_213] : memref<4x80xi32, #tpu.memory_space<vmem>> -> memref<1x80xi32, #tpu.memory_space<vmem>>
      %dma_wait3A_215 = tpu.memref_squeeze %dma_wait3A_214 : memref<1x80xi32, #tpu.memory_space<vmem>> -> memref<80xi32, #tpu.memory_space<vmem>>
      %dma_wait3A_216 = tpu.memref_slice %arg4[%mul3A_4] : memref<320000xi32, #tpu.memory_space<hbm>> -> memref<80xi32, #tpu.memory_space<hbm>>
      %dma_wait3A_217 = arith.constant 0 : i32
      %dma_wait3A_218 = tpu.memref_slice %arg8[%dma_wait3A_212, %dma_wait3A_217] : memref<4x80xi32, #tpu.memory_space<vmem>> -> memref<1x80xi32, #tpu.memory_space<vmem>>
      %dma_wait3A_219 = tpu.memref_squeeze %dma_wait3A_218 : memref<1x80xi32, #tpu.memory_space<vmem>> -> memref<80xi32, #tpu.memory_space<vmem>>
      %dma_wait3A_220 = tpu.memref_slice %arg4[%mul3A_4] : memref<320000xi32, #tpu.memory_space<hbm>> -> memref<80xi32, #tpu.memory_space<hbm>>
      tpu.wait_dma2 semaphore(%arg12 : memref<!tpu.dma_semaphore, #tpu.memory_space<semaphore_mem>>) src(%dma_wait3A_220 : memref<80xi32, #tpu.memory_space<hbm>>) dst(%dma_wait3A_219 : memref<80xi32, #tpu.memory_space<vmem>>)
      %dma_start3A_221 = arith.constant 1 : i32
      %dma_start3A_222 = arith.constant 1 : i32
      %dma_start3A_223 = arith.constant 0 : i32
      %dma_start3A_224 = arith.constant 0 : i32
      %dma_start3A_225 = tpu.memref_slice %arg9[%dma_start3A_222, %dma_start3A_223, %dma_start3A_224] : memref<4x80x128xf32, #tpu.memory_space<vmem>> -> memref<1x80x128xf32, #tpu.memory_space<vmem>>
      %dma_start3A_226 = tpu.memref_squeeze %dma_start3A_225 : memref<1x80x128xf32, #tpu.memory_space<vmem>> -> memref<80x128xf32, #tpu.memory_space<vmem>>
      %dma_start3A_227 = arith.constant 0 : i32
      %dma_start3A_228 = tpu.memref_slice %arg7[%dma_start3A_221, %dma_start3A_227] : memref<4x80xi32, #tpu.memory_space<vmem>> -> memref<1x80xi32, #tpu.memory_space<vmem>>
      %dma_start3A_229 = tpu.memref_squeeze %dma_start3A_228 : memref<1x80xi32, #tpu.memory_space<vmem>> -> memref<80xi32, #tpu.memory_space<vmem>>
      %dma_start3A_230 = arith.constant 0 : i32
      %dma_start3A_231 = arith.constant 0 : i32
      %dma_start3A_232 = tpu.memref_slice %arg2[%dma_start3A_230, %dma_start3A_231] : memref<10000x128xf32, #tpu.memory_space<hbm>> -> memref<10000x128xf32, #tpu.memory_space<hbm>>
      tpu.enqueue_indirect_dma source(%dma_start3A_232 : memref<10000x128xf32, #tpu.memory_space<hbm>>) target(%dma_start3A_226 : memref<80x128xf32, #tpu.memory_space<vmem>>) offsets(%dma_start3A_229 : memref<80xi32, #tpu.memory_space<vmem>>) semaphore(%arg16 : memref<!tpu.dma_semaphore, #tpu.memory_space<semaphore_mem>>)
      %gt3A_233 = arith.constant 0 : i32
      %gt3A_234 = arith.cmpi sgt, %add3A_147, %gt3A_233 : i32
      %convert_element_type3A_235 = arith.extui %gt3A_234 : i1 to i32
      %cond3A_236 = arith.constant 0 : i32
      %cond3A_237 = arith.cmpi ne, %convert_element_type3A_235, %cond3A_236 : i32
      scf.if %cond3A_237 {
        %dma_wait3A_483 = arith.constant 3 : i32
        %dma_wait3A_484 = arith.constant 3 : i32
        %dma_wait3A_485 = arith.constant 0 : i32
        %dma_wait3A_486 = arith.constant 0 : i32
        %dma_wait3A_487 = tpu.memref_slice %arg9[%dma_wait3A_483, %dma_wait3A_485, %dma_wait3A_486] : memref<4x80x128xf32, #tpu.memory_space<vmem>> -> memref<1x80x128xf32, #tpu.memory_space<vmem>>
        %dma_wait3A_488 = tpu.memref_squeeze %dma_wait3A_487 : memref<1x80x128xf32, #tpu.memory_space<vmem>> -> memref<80x128xf32, #tpu.memory_space<vmem>>
        %dma_wait3A_489 = arith.constant 0 : i32
        %dma_wait3A_490 = tpu.memref_slice %arg8[%dma_wait3A_484, %dma_wait3A_489] : memref<4x80xi32, #tpu.memory_space<vmem>> -> memref<1x80xi32, #tpu.memory_space<vmem>>
        %dma_wait3A_491 = tpu.memref_squeeze %dma_wait3A_490 : memref<1x80xi32, #tpu.memory_space<vmem>> -> memref<80xi32, #tpu.memory_space<vmem>>
        %dma_wait3A_492 = arith.constant 0 : i32
        %dma_wait3A_493 = arith.constant 0 : i32
        %dma_wait3A_494 = tpu.memref_slice %arg10[%dma_wait3A_492, %dma_wait3A_493] : memref<10000x128xf32, #tpu.memory_space<vmem_shared>> -> memref<10000x128xf32, #tpu.memory_space<vmem_shared>>
        tpu.wait_indirect_dma semaphore(%arg22 : memref<!tpu.dma_semaphore, #tpu.memory_space<semaphore_mem>>) src(%dma_wait3A_488 : memref<80x128xf32, #tpu.memory_space<vmem>>) dst(%dma_wait3A_494 : memref<10000x128xf32, #tpu.memory_space<vmem_shared>>)
      } else {
      }
      %mul3A_238 = arith.constant 4 : i32
      %mul3A_239 = arith.muli %mul3A_238, %add3A_147 : i32
      %add3A_240 = arith.constant 1 : i32
      %add3A_241 = arith.addi %mul3A_239, %add3A_240 : i32
      %add3A_242 = arith.constant 2 : i32
      %add3A_243 = arith.addi %add3A_241, %add3A_242 : i32
      %mul3A_244 = arith.constant 80 : i32
      %mul3A_245 = arith.muli %add3A_243, %mul3A_244 : i32
      %add3A_246 = arith.addi %mul3A_4, %mul3A_245 : i32
      %dma_start3A_247 = arith.constant 3 : i32
      %dma_start3A_248 = arith.constant 0 : i32
      %dma_start3A_249 = tpu.memref_slice %arg7[%dma_start3A_247, %dma_start3A_248] : memref<4x80xi32, #tpu.memory_space<vmem>> -> memref<1x80xi32, #tpu.memory_space<vmem>>
      %dma_start3A_250 = tpu.memref_squeeze %dma_start3A_249 : memref<1x80xi32, #tpu.memory_space<vmem>> -> memref<80xi32, #tpu.memory_space<vmem>>
      %dma_start3A_251 = tpu.memref_slice %arg3[%add3A_246] : memref<320000xi32, #tpu.memory_space<hbm>> -> memref<80xi32, #tpu.memory_space<hbm>>
      %dma_start3A_252 = arith.constant 0 : i32
      %dma_start3A_253 = tpu.memref_slice %arg7[%dma_start3A_247, %dma_start3A_252] : memref<4x80xi32, #tpu.memory_space<vmem>> -> memref<1x80xi32, #tpu.memory_space<vmem>>
      %dma_start3A_254 = tpu.memref_squeeze %dma_start3A_253 : memref<1x80xi32, #tpu.memory_space<vmem>> -> memref<80xi32, #tpu.memory_space<vmem>>
      %dma_start3A_255 = tpu.memref_slice %arg3[%add3A_246] : memref<320000xi32, #tpu.memory_space<hbm>> -> memref<80xi32, #tpu.memory_space<hbm>>
      tpu.enqueue_dma source(%dma_start3A_255 : memref<80xi32, #tpu.memory_space<hbm>>) target(%dma_start3A_254 : memref<80xi32, #tpu.memory_space<vmem>>) target_semaphore(%arg14 : memref<!tpu.dma_semaphore, #tpu.memory_space<semaphore_mem>>)
      %dma_start3A_256 = arith.constant 3 : i32
      %dma_start3A_257 = arith.constant 0 : i32
      %dma_start3A_258 = tpu.memref_slice %arg8[%dma_start3A_256, %dma_start3A_257] : memref<4x80xi32, #tpu.memory_space<vmem>> -> memref<1x80xi32, #tpu.memory_space<vmem>>
      %dma_start3A_259 = tpu.memref_squeeze %dma_start3A_258 : memref<1x80xi32, #tpu.memory_space<vmem>> -> memref<80xi32, #tpu.memory_space<vmem>>
      %dma_start3A_260 = tpu.memref_slice %arg4[%add3A_246] : memref<320000xi32, #tpu.memory_space<hbm>> -> memref<80xi32, #tpu.memory_space<hbm>>
      %dma_start3A_261 = arith.constant 0 : i32
      %dma_start3A_262 = tpu.memref_slice %arg8[%dma_start3A_256, %dma_start3A_261] : memref<4x80xi32, #tpu.memory_space<vmem>> -> memref<1x80xi32, #tpu.memory_space<vmem>>
      %dma_start3A_263 = tpu.memref_squeeze %dma_start3A_262 : memref<1x80xi32, #tpu.memory_space<vmem>> -> memref<80xi32, #tpu.memory_space<vmem>>
      %dma_start3A_264 = tpu.memref_slice %arg4[%add3A_246] : memref<320000xi32, #tpu.memory_space<hbm>> -> memref<80xi32, #tpu.memory_space<hbm>>
      tpu.enqueue_dma source(%dma_start3A_264 : memref<80xi32, #tpu.memory_space<hbm>>) target(%dma_start3A_263 : memref<80xi32, #tpu.memory_space<vmem>>) target_semaphore(%arg14 : memref<!tpu.dma_semaphore, #tpu.memory_space<semaphore_mem>>)
      %dma_wait3A_265 = arith.constant 1 : i32
      %dma_wait3A_266 = arith.constant 1 : i32
      %dma_wait3A_267 = arith.constant 0 : i32
      %dma_wait3A_268 = arith.constant 0 : i32
      %dma_wait3A_269 = tpu.memref_slice %arg9[%dma_wait3A_266, %dma_wait3A_267, %dma_wait3A_268] : memref<4x80x128xf32, #tpu.memory_space<vmem>> -> memref<1x80x128xf32, #tpu.memory_space<vmem>>
      %dma_wait3A_270 = tpu.memref_squeeze %dma_wait3A_269 : memref<1x80x128xf32, #tpu.memory_space<vmem>> -> memref<80x128xf32, #tpu.memory_space<vmem>>
      %dma_wait3A_271 = arith.constant 0 : i32
      %dma_wait3A_272 = tpu.memref_slice %arg7[%dma_wait3A_265, %dma_wait3A_271] : memref<4x80xi32, #tpu.memory_space<vmem>> -> memref<1x80xi32, #tpu.memory_space<vmem>>
      %dma_wait3A_273 = tpu.memref_squeeze %dma_wait3A_272 : memref<1x80xi32, #tpu.memory_space<vmem>> -> memref<80xi32, #tpu.memory_space<vmem>>
      %dma_wait3A_274 = arith.constant 0 : i32
      %dma_wait3A_275 = arith.constant 0 : i32
      %dma_wait3A_276 = tpu.memref_slice %arg2[%dma_wait3A_274, %dma_wait3A_275] : memref<10000x128xf32, #tpu.memory_space<hbm>> -> memref<10000x128xf32, #tpu.memory_space<hbm>>
      tpu.wait_indirect_dma semaphore(%arg16 : memref<!tpu.dma_semaphore, #tpu.memory_space<semaphore_mem>>) src(%dma_wait3A_276 : memref<10000x128xf32, #tpu.memory_space<hbm>>) dst(%dma_wait3A_270 : memref<80x128xf32, #tpu.memory_space<vmem>>)
      %dma_start3A_277 = arith.constant 1 : i32
      %dma_start3A_278 = arith.constant 1 : i32
      %dma_start3A_279 = arith.constant 0 : i32
      %dma_start3A_280 = arith.constant 0 : i32
      %dma_start3A_281 = tpu.memref_slice %arg9[%dma_start3A_277, %dma_start3A_279, %dma_start3A_280] : memref<4x80x128xf32, #tpu.memory_space<vmem>> -> memref<1x80x128xf32, #tpu.memory_space<vmem>>
      %dma_start3A_282 = tpu.memref_squeeze %dma_start3A_281 : memref<1x80x128xf32, #tpu.memory_space<vmem>> -> memref<80x128xf32, #tpu.memory_space<vmem>>
      %dma_start3A_283 = arith.constant 0 : i32
      %dma_start3A_284 = tpu.memref_slice %arg8[%dma_start3A_278, %dma_start3A_283] : memref<4x80xi32, #tpu.memory_space<vmem>> -> memref<1x80xi32, #tpu.memory_space<vmem>>
      %dma_start3A_285 = tpu.memref_squeeze %dma_start3A_284 : memref<1x80xi32, #tpu.memory_space<vmem>> -> memref<80xi32, #tpu.memory_space<vmem>>
      %dma_start3A_286 = arith.constant 0 : i32
      %dma_start3A_287 = arith.constant 0 : i32
      %dma_start3A_288 = tpu.memref_slice %arg10[%dma_start3A_286, %dma_start3A_287] : memref<10000x128xf32, #tpu.memory_space<vmem_shared>> -> memref<10000x128xf32, #tpu.memory_space<vmem_shared>>
      tpu.enqueue_indirect_dma source(%dma_start3A_282 : memref<80x128xf32, #tpu.memory_space<vmem>>) target(%dma_start3A_288 : memref<10000x128xf32, #tpu.memory_space<vmem_shared>>) offsets(%dma_start3A_285 : memref<80xi32, #tpu.memory_space<vmem>>) semaphore(%arg20 : memref<!tpu.dma_semaphore, #tpu.memory_space<semaphore_mem>>) {add = true}
      %dma_wait3A_289 = arith.constant 2 : i32
      %dma_wait3A_290 = arith.constant 0 : i32
      %dma_wait3A_291 = tpu.memref_slice %arg7[%dma_wait3A_289, %dma_wait3A_290] : memref<4x80xi32, #tpu.memory_space<vmem>> -> memref<1x80xi32, #tpu.memory_space<vmem>>
      %dma_wait3A_292 = tpu.memref_squeeze %dma_wait3A_291 : memref<1x80xi32, #tpu.memory_space<vmem>> -> memref<80xi32, #tpu.memory_space<vmem>>
      %dma_wait3A_293 = tpu.memref_slice %arg3[%mul3A_4] : memref<320000xi32, #tpu.memory_space<hbm>> -> memref<80xi32, #tpu.memory_space<hbm>>
      %dma_wait3A_294 = arith.constant 0 : i32
      %dma_wait3A_295 = tpu.memref_slice %arg7[%dma_wait3A_289, %dma_wait3A_294] : memref<4x80xi32, #tpu.memory_space<vmem>> -> memref<1x80xi32, #tpu.memory_space<vmem>>
      %dma_wait3A_296 = tpu.memref_squeeze %dma_wait3A_295 : memref<1x80xi32, #tpu.memory_space<vmem>> -> memref<80xi32, #tpu.memory_space<vmem>>
      %dma_wait3A_297 = tpu.memref_slice %arg3[%mul3A_4] : memref<320000xi32, #tpu.memory_space<hbm>> -> memref<80xi32, #tpu.memory_space<hbm>>
      tpu.wait_dma2 semaphore(%arg13 : memref<!tpu.dma_semaphore, #tpu.memory_space<semaphore_mem>>) src(%dma_wait3A_297 : memref<80xi32, #tpu.memory_space<hbm>>) dst(%dma_wait3A_296 : memref<80xi32, #tpu.memory_space<vmem>>)
      %dma_wait3A_298 = arith.constant 2 : i32
      %dma_wait3A_299 = arith.constant 0 : i32
      %dma_wait3A_300 = tpu.memref_slice %arg8[%dma_wait3A_298, %dma_wait3A_299] : memref<4x80xi32, #tpu.memory_space<vmem>> -> memref<1x80xi32, #tpu.memory_space<vmem>>
      %dma_wait3A_301 = tpu.memref_squeeze %dma_wait3A_300 : memref<1x80xi32, #tpu.memory_space<vmem>> -> memref<80xi32, #tpu.memory_space<vmem>>
      %dma_wait3A_302 = tpu.memref_slice %arg4[%mul3A_4] : memref<320000xi32, #tpu.memory_space<hbm>> -> memref<80xi32, #tpu.memory_space<hbm>>
      %dma_wait3A_303 = arith.constant 0 : i32
      %dma_wait3A_304 = tpu.memref_slice %arg8[%dma_wait3A_298, %dma_wait3A_303] : memref<4x80xi32, #tpu.memory_space<vmem>> -> memref<1x80xi32, #tpu.memory_space<vmem>>
      %dma_wait3A_305 = tpu.memref_squeeze %dma_wait3A_304 : memref<1x80xi32, #tpu.memory_space<vmem>> -> memref<80xi32, #tpu.memory_space<vmem>>
      %dma_wait3A_306 = tpu.memref_slice %arg4[%mul3A_4] : memref<320000xi32, #tpu.memory_space<hbm>> -> memref<80xi32, #tpu.memory_space<hbm>>
      tpu.wait_dma2 semaphore(%arg13 : memref<!tpu.dma_semaphore, #tpu.memory_space<semaphore_mem>>) src(%dma_wait3A_306 : memref<80xi32, #tpu.memory_space<hbm>>) dst(%dma_wait3A_305 : memref<80xi32, #tpu.memory_space<vmem>>)
      %dma_start3A_307 = arith.constant 2 : i32
      %dma_start3A_308 = arith.constant 2 : i32
      %dma_start3A_309 = arith.constant 0 : i32
      %dma_start3A_310 = arith.constant 0 : i32
      %dma_start3A_311 = tpu.memref_slice %arg9[%dma_start3A_308, %dma_start3A_309, %dma_start3A_310] : memref<4x80x128xf32, #tpu.memory_space<vmem>> -> memref<1x80x128xf32, #tpu.memory_space<vmem>>
      %dma_start3A_312 = tpu.memref_squeeze %dma_start3A_311 : memref<1x80x128xf32, #tpu.memory_space<vmem>> -> memref<80x128xf32, #tpu.memory_space<vmem>>
      %dma_start3A_313 = arith.constant 0 : i32
      %dma_start3A_314 = tpu.memref_slice %arg7[%dma_start3A_307, %dma_start3A_313] : memref<4x80xi32, #tpu.memory_space<vmem>> -> memref<1x80xi32, #tpu.memory_space<vmem>>
      %dma_start3A_315 = tpu.memref_squeeze %dma_start3A_314 : memref<1x80xi32, #tpu.memory_space<vmem>> -> memref<80xi32, #tpu.memory_space<vmem>>
      %dma_start3A_316 = arith.constant 0 : i32
      %dma_start3A_317 = arith.constant 0 : i32
      %dma_start3A_318 = tpu.memref_slice %arg2[%dma_start3A_316, %dma_start3A_317] : memref<10000x128xf32, #tpu.memory_space<hbm>> -> memref<10000x128xf32, #tpu.memory_space<hbm>>
      tpu.enqueue_indirect_dma source(%dma_start3A_318 : memref<10000x128xf32, #tpu.memory_space<hbm>>) target(%dma_start3A_312 : memref<80x128xf32, #tpu.memory_space<vmem>>) offsets(%dma_start3A_315 : memref<80xi32, #tpu.memory_space<vmem>>) semaphore(%arg17 : memref<!tpu.dma_semaphore, #tpu.memory_space<semaphore_mem>>)
      %dma_wait3A_319 = arith.constant 0 : i32
      %dma_wait3A_320 = arith.constant 0 : i32
      %dma_wait3A_321 = arith.constant 0 : i32
      %dma_wait3A_322 = arith.constant 0 : i32
      %dma_wait3A_323 = tpu.memref_slice %arg9[%dma_wait3A_319, %dma_wait3A_321, %dma_wait3A_322] : memref<4x80x128xf32, #tpu.memory_space<vmem>> -> memref<1x80x128xf32, #tpu.memory_space<vmem>>
      %dma_wait3A_324 = tpu.memref_squeeze %dma_wait3A_323 : memref<1x80x128xf32, #tpu.memory_space<vmem>> -> memref<80x128xf32, #tpu.memory_space<vmem>>
      %dma_wait3A_325 = arith.constant 0 : i32
      %dma_wait3A_326 = tpu.memref_slice %arg8[%dma_wait3A_320, %dma_wait3A_325] : memref<4x80xi32, #tpu.memory_space<vmem>> -> memref<1x80xi32, #tpu.memory_space<vmem>>
      %dma_wait3A_327 = tpu.memref_squeeze %dma_wait3A_326 : memref<1x80xi32, #tpu.memory_space<vmem>> -> memref<80xi32, #tpu.memory_space<vmem>>
      %dma_wait3A_328 = arith.constant 0 : i32
      %dma_wait3A_329 = arith.constant 0 : i32
      %dma_wait3A_330 = tpu.memref_slice %arg10[%dma_wait3A_328, %dma_wait3A_329] : memref<10000x128xf32, #tpu.memory_space<vmem_shared>> -> memref<10000x128xf32, #tpu.memory_space<vmem_shared>>
      tpu.wait_indirect_dma semaphore(%arg19 : memref<!tpu.dma_semaphore, #tpu.memory_space<semaphore_mem>>) src(%dma_wait3A_324 : memref<80x128xf32, #tpu.memory_space<vmem>>) dst(%dma_wait3A_330 : memref<10000x128xf32, #tpu.memory_space<vmem_shared>>)
      %mul3A_331 = arith.constant 4 : i32
      %mul3A_332 = arith.muli %mul3A_331, %add3A_147 : i32
      %add3A_333 = arith.constant 2 : i32
      %add3A_334 = arith.addi %mul3A_332, %add3A_333 : i32
      %add3A_335 = arith.constant 2 : i32
      %add3A_336 = arith.addi %add3A_334, %add3A_335 : i32
      %mul3A_337 = arith.constant 80 : i32
      %mul3A_338 = arith.muli %add3A_336, %mul3A_337 : i32
      %add3A_339 = arith.addi %mul3A_4, %mul3A_338 : i32
      %dma_start3A_340 = arith.constant 0 : i32
      %dma_start3A_341 = arith.constant 0 : i32
      %dma_start3A_342 = tpu.memref_slice %arg7[%dma_start3A_340, %dma_start3A_341] : memref<4x80xi32, #tpu.memory_space<vmem>> -> memref<1x80xi32, #tpu.memory_space<vmem>>
      %dma_start3A_343 = tpu.memref_squeeze %dma_start3A_342 : memref<1x80xi32, #tpu.memory_space<vmem>> -> memref<80xi32, #tpu.memory_space<vmem>>
      %dma_start3A_344 = tpu.memref_slice %arg3[%add3A_339] : memref<320000xi32, #tpu.memory_space<hbm>> -> memref<80xi32, #tpu.memory_space<hbm>>
      %dma_start3A_345 = arith.constant 0 : i32
      %dma_start3A_346 = tpu.memref_slice %arg7[%dma_start3A_340, %dma_start3A_345] : memref<4x80xi32, #tpu.memory_space<vmem>> -> memref<1x80xi32, #tpu.memory_space<vmem>>
      %dma_start3A_347 = tpu.memref_squeeze %dma_start3A_346 : memref<1x80xi32, #tpu.memory_space<vmem>> -> memref<80xi32, #tpu.memory_space<vmem>>
      %dma_start3A_348 = tpu.memref_slice %arg3[%add3A_339] : memref<320000xi32, #tpu.memory_space<hbm>> -> memref<80xi32, #tpu.memory_space<hbm>>
      tpu.enqueue_dma source(%dma_start3A_348 : memref<80xi32, #tpu.memory_space<hbm>>) target(%dma_start3A_347 : memref<80xi32, #tpu.memory_space<vmem>>) target_semaphore(%arg11 : memref<!tpu.dma_semaphore, #tpu.memory_space<semaphore_mem>>)
      %dma_start3A_349 = arith.constant 0 : i32
      %dma_start3A_350 = arith.constant 0 : i32
      %dma_start3A_351 = tpu.memref_slice %arg8[%dma_start3A_349, %dma_start3A_350] : memref<4x80xi32, #tpu.memory_space<vmem>> -> memref<1x80xi32, #tpu.memory_space<vmem>>
      %dma_start3A_352 = tpu.memref_squeeze %dma_start3A_351 : memref<1x80xi32, #tpu.memory_space<vmem>> -> memref<80xi32, #tpu.memory_space<vmem>>
      %dma_start3A_353 = tpu.memref_slice %arg4[%add3A_339] : memref<320000xi32, #tpu.memory_space<hbm>> -> memref<80xi32, #tpu.memory_space<hbm>>
      %dma_start3A_354 = arith.constant 0 : i32
      %dma_start3A_355 = tpu.memref_slice %arg8[%dma_start3A_349, %dma_start3A_354] : memref<4x80xi32, #tpu.memory_space<vmem>> -> memref<1x80xi32, #tpu.memory_space<vmem>>
      %dma_start3A_356 = tpu.memref_squeeze %dma_start3A_355 : memref<1x80xi32, #tpu.memory_space<vmem>> -> memref<80xi32, #tpu.memory_space<vmem>>
      %dma_start3A_357 = tpu.memref_slice %arg4[%add3A_339] : memref<320000xi32, #tpu.memory_space<hbm>> -> memref<80xi32, #tpu.memory_space<hbm>>
      tpu.enqueue_dma source(%dma_start3A_357 : memref<80xi32, #tpu.memory_space<hbm>>) target(%dma_start3A_356 : memref<80xi32, #tpu.memory_space<vmem>>) target_semaphore(%arg11 : memref<!tpu.dma_semaphore, #tpu.memory_space<semaphore_mem>>)
      %dma_wait3A_358 = arith.constant 2 : i32
      %dma_wait3A_359 = arith.constant 2 : i32
      %dma_wait3A_360 = arith.constant 0 : i32
      %dma_wait3A_361 = arith.constant 0 : i32
      %dma_wait3A_362 = tpu.memref_slice %arg9[%dma_wait3A_359, %dma_wait3A_360, %dma_wait3A_361] : memref<4x80x128xf32, #tpu.memory_space<vmem>> -> memref<1x80x128xf32, #tpu.memory_space<vmem>>
      %dma_wait3A_363 = tpu.memref_squeeze %dma_wait3A_362 : memref<1x80x128xf32, #tpu.memory_space<vmem>> -> memref<80x128xf32, #tpu.memory_space<vmem>>
      %dma_wait3A_364 = arith.constant 0 : i32
      %dma_wait3A_365 = tpu.memref_slice %arg7[%dma_wait3A_358, %dma_wait3A_364] : memref<4x80xi32, #tpu.memory_space<vmem>> -> memref<1x80xi32, #tpu.memory_space<vmem>>
      %dma_wait3A_366 = tpu.memref_squeeze %dma_wait3A_365 : memref<1x80xi32, #tpu.memory_space<vmem>> -> memref<80xi32, #tpu.memory_space<vmem>>
      %dma_wait3A_367 = arith.constant 0 : i32
      %dma_wait3A_368 = arith.constant 0 : i32
      %dma_wait3A_369 = tpu.memref_slice %arg2[%dma_wait3A_367, %dma_wait3A_368] : memref<10000x128xf32, #tpu.memory_space<hbm>> -> memref<10000x128xf32, #tpu.memory_space<hbm>>
      tpu.wait_indirect_dma semaphore(%arg17 : memref<!tpu.dma_semaphore, #tpu.memory_space<semaphore_mem>>) src(%dma_wait3A_369 : memref<10000x128xf32, #tpu.memory_space<hbm>>) dst(%dma_wait3A_363 : memref<80x128xf32, #tpu.memory_space<vmem>>)
      %dma_start3A_370 = arith.constant 2 : i32
      %dma_start3A_371 = arith.constant 2 : i32
      %dma_start3A_372 = arith.constant 0 : i32
      %dma_start3A_373 = arith.constant 0 : i32
      %dma_start3A_374 = tpu.memref_slice %arg9[%dma_start3A_370, %dma_start3A_372, %dma_start3A_373] : memref<4x80x128xf32, #tpu.memory_space<vmem>> -> memref<1x80x128xf32, #tpu.memory_space<vmem>>
      %dma_start3A_375 = tpu.memref_squeeze %dma_start3A_374 : memref<1x80x128xf32, #tpu.memory_space<vmem>> -> memref<80x128xf32, #tpu.memory_space<vmem>>
      %dma_start3A_376 = arith.constant 0 : i32
      %dma_start3A_377 = tpu.memref_slice %arg8[%dma_start3A_371, %dma_start3A_376] : memref<4x80xi32, #tpu.memory_space<vmem>> -> memref<1x80xi32, #tpu.memory_space<vmem>>
      %dma_start3A_378 = tpu.memref_squeeze %dma_start3A_377 : memref<1x80xi32, #tpu.memory_space<vmem>> -> memref<80xi32, #tpu.memory_space<vmem>>
      %dma_start3A_379 = arith.constant 0 : i32
      %dma_start3A_380 = arith.constant 0 : i32
      %dma_start3A_381 = tpu.memref_slice %arg10[%dma_start3A_379, %dma_start3A_380] : memref<10000x128xf32, #tpu.memory_space<vmem_shared>> -> memref<10000x128xf32, #tpu.memory_space<vmem_shared>>
      tpu.enqueue_indirect_dma source(%dma_start3A_375 : memref<80x128xf32, #tpu.memory_space<vmem>>) target(%dma_start3A_381 : memref<10000x128xf32, #tpu.memory_space<vmem_shared>>) offsets(%dma_start3A_378 : memref<80xi32, #tpu.memory_space<vmem>>) semaphore(%arg21 : memref<!tpu.dma_semaphore, #tpu.memory_space<semaphore_mem>>) {add = true}
      %dma_wait3A_382 = arith.constant 3 : i32
      %dma_wait3A_383 = arith.constant 0 : i32
      %dma_wait3A_384 = tpu.memref_slice %arg7[%dma_wait3A_382, %dma_wait3A_383] : memref<4x80xi32, #tpu.memory_space<vmem>> -> memref<1x80xi32, #tpu.memory_space<vmem>>
      %dma_wait3A_385 = tpu.memref_squeeze %dma_wait3A_384 : memref<1x80xi32, #tpu.memory_space<vmem>> -> memref<80xi32, #tpu.memory_space<vmem>>
      %dma_wait3A_386 = tpu.memref_slice %arg3[%mul3A_4] : memref<320000xi32, #tpu.memory_space<hbm>> -> memref<80xi32, #tpu.memory_space<hbm>>
      %dma_wait3A_387 = arith.constant 0 : i32
      %dma_wait3A_388 = tpu.memref_slice %arg7[%dma_wait3A_382, %dma_wait3A_387] : memref<4x80xi32, #tpu.memory_space<vmem>> -> memref<1x80xi32, #tpu.memory_space<vmem>>
      %dma_wait3A_389 = tpu.memref_squeeze %dma_wait3A_388 : memref<1x80xi32, #tpu.memory_space<vmem>> -> memref<80xi32, #tpu.memory_space<vmem>>
      %dma_wait3A_390 = tpu.memref_slice %arg3[%mul3A_4] : memref<320000xi32, #tpu.memory_space<hbm>> -> memref<80xi32, #tpu.memory_space<hbm>>
      tpu.wait_dma2 semaphore(%arg14 : memref<!tpu.dma_semaphore, #tpu.memory_space<semaphore_mem>>) src(%dma_wait3A_390 : memref<80xi32, #tpu.memory_space<hbm>>) dst(%dma_wait3A_389 : memref<80xi32, #tpu.memory_space<vmem>>)
      %dma_wait3A_391 = arith.constant 3 : i32
      %dma_wait3A_392 = arith.constant 0 : i32
      %dma_wait3A_393 = tpu.memref_slice %arg8[%dma_wait3A_391, %dma_wait3A_392] : memref<4x80xi32, #tpu.memory_space<vmem>> -> memref<1x80xi32, #tpu.memory_space<vmem>>
      %dma_wait3A_394 = tpu.memref_squeeze %dma_wait3A_393 : memref<1x80xi32, #tpu.memory_space<vmem>> -> memref<80xi32, #tpu.memory_space<vmem>>
      %dma_wait3A_395 = tpu.memref_slice %arg4[%mul3A_4] : memref<320000xi32, #tpu.memory_space<hbm>> -> memref<80xi32, #tpu.memory_space<hbm>>
      %dma_wait3A_396 = arith.constant 0 : i32
      %dma_wait3A_397 = tpu.memref_slice %arg8[%dma_wait3A_391, %dma_wait3A_396] : memref<4x80xi32, #tpu.memory_space<vmem>> -> memref<1x80xi32, #tpu.memory_space<vmem>>
      %dma_wait3A_398 = tpu.memref_squeeze %dma_wait3A_397 : memref<1x80xi32, #tpu.memory_space<vmem>> -> memref<80xi32, #tpu.memory_space<vmem>>
      %dma_wait3A_399 = tpu.memref_slice %arg4[%mul3A_4] : memref<320000xi32, #tpu.memory_space<hbm>> -> memref<80xi32, #tpu.memory_space<hbm>>
      tpu.wait_dma2 semaphore(%arg14 : memref<!tpu.dma_semaphore, #tpu.memory_space<semaphore_mem>>) src(%dma_wait3A_399 : memref<80xi32, #tpu.memory_space<hbm>>) dst(%dma_wait3A_398 : memref<80xi32, #tpu.memory_space<vmem>>)
      %dma_start3A_400 = arith.constant 3 : i32
      %dma_start3A_401 = arith.constant 3 : i32
      %dma_start3A_402 = arith.constant 0 : i32
      %dma_start3A_403 = arith.constant 0 : i32
      %dma_start3A_404 = tpu.memref_slice %arg9[%dma_start3A_401, %dma_start3A_402, %dma_start3A_403] : memref<4x80x128xf32, #tpu.memory_space<vmem>> -> memref<1x80x128xf32, #tpu.memory_space<vmem>>
      %dma_start3A_405 = tpu.memref_squeeze %dma_start3A_404 : memref<1x80x128xf32, #tpu.memory_space<vmem>> -> memref<80x128xf32, #tpu.memory_space<vmem>>
      %dma_start3A_406 = arith.constant 0 : i32
      %dma_start3A_407 = tpu.memref_slice %arg7[%dma_start3A_400, %dma_start3A_406] : memref<4x80xi32, #tpu.memory_space<vmem>> -> memref<1x80xi32, #tpu.memory_space<vmem>>
      %dma_start3A_408 = tpu.memref_squeeze %dma_start3A_407 : memref<1x80xi32, #tpu.memory_space<vmem>> -> memref<80xi32, #tpu.memory_space<vmem>>
      %dma_start3A_409 = arith.constant 0 : i32
      %dma_start3A_410 = arith.constant 0 : i32
      %dma_start3A_411 = tpu.memref_slice %arg2[%dma_start3A_409, %dma_start3A_410] : memref<10000x128xf32, #tpu.memory_space<hbm>> -> memref<10000x128xf32, #tpu.memory_space<hbm>>
      tpu.enqueue_indirect_dma source(%dma_start3A_411 : memref<10000x128xf32, #tpu.memory_space<hbm>>) target(%dma_start3A_405 : memref<80x128xf32, #tpu.memory_space<vmem>>) offsets(%dma_start3A_408 : memref<80xi32, #tpu.memory_space<vmem>>) semaphore(%arg18 : memref<!tpu.dma_semaphore, #tpu.memory_space<semaphore_mem>>)
      %dma_wait3A_412 = arith.constant 1 : i32
      %dma_wait3A_413 = arith.constant 1 : i32
      %dma_wait3A_414 = arith.constant 0 : i32
      %dma_wait3A_415 = arith.constant 0 : i32
      %dma_wait3A_416 = tpu.memref_slice %arg9[%dma_wait3A_412, %dma_wait3A_414, %dma_wait3A_415] : memref<4x80x128xf32, #tpu.memory_space<vmem>> -> memref<1x80x128xf32, #tpu.memory_space<vmem>>
      %dma_wait3A_417 = tpu.memref_squeeze %dma_wait3A_416 : memref<1x80x128xf32, #tpu.memory_space<vmem>> -> memref<80x128xf32, #tpu.memory_space<vmem>>
      %dma_wait3A_418 = arith.constant 0 : i32
      %dma_wait3A_419 = tpu.memref_slice %arg8[%dma_wait3A_413, %dma_wait3A_418] : memref<4x80xi32, #tpu.memory_space<vmem>> -> memref<1x80xi32, #tpu.memory_space<vmem>>
      %dma_wait3A_420 = tpu.memref_squeeze %dma_wait3A_419 : memref<1x80xi32, #tpu.memory_space<vmem>> -> memref<80xi32, #tpu.memory_space<vmem>>
      %dma_wait3A_421 = arith.constant 0 : i32
      %dma_wait3A_422 = arith.constant 0 : i32
      %dma_wait3A_423 = tpu.memref_slice %arg10[%dma_wait3A_421, %dma_wait3A_422] : memref<10000x128xf32, #tpu.memory_space<vmem_shared>> -> memref<10000x128xf32, #tpu.memory_space<vmem_shared>>
      tpu.wait_indirect_dma semaphore(%arg20 : memref<!tpu.dma_semaphore, #tpu.memory_space<semaphore_mem>>) src(%dma_wait3A_417 : memref<80x128xf32, #tpu.memory_space<vmem>>) dst(%dma_wait3A_423 : memref<10000x128xf32, #tpu.memory_space<vmem_shared>>)
      %lt3A_424 = arith.constant 30 : i32
      %lt3A_425 = arith.cmpi slt, %add3A_147, %lt3A_424 : i32
      %convert_element_type3A_426 = arith.extui %lt3A_425 : i1 to i32
      %cond3A_427 = arith.constant 0 : i32
      %cond3A_428 = arith.cmpi ne, %convert_element_type3A_426, %cond3A_427 : i32
      scf.if %cond3A_428 {
        %mul3A_483 = arith.constant 4 : i32
        %mul3A_484 = arith.muli %mul3A_483, %add3A_147 : i32
        %add3A_485 = arith.constant 3 : i32
        %add3A_486 = arith.addi %mul3A_484, %add3A_485 : i32
        %add3A_487 = arith.constant 2 : i32
        %add3A_488 = arith.addi %add3A_486, %add3A_487 : i32
        %mul3A_489 = arith.constant 80 : i32
        %mul3A_490 = arith.muli %add3A_488, %mul3A_489 : i32
        %add3A_491 = arith.addi %mul3A_4, %mul3A_490 : i32
        %dma_start3A_492 = arith.constant 1 : i32
        %dma_start3A_493 = arith.constant 0 : i32
        %dma_start3A_494 = tpu.memref_slice %arg7[%dma_start3A_492, %dma_start3A_493] : memref<4x80xi32, #tpu.memory_space<vmem>> -> memref<1x80xi32, #tpu.memory_space<vmem>>
        %dma_start3A_495 = tpu.memref_squeeze %dma_start3A_494 : memref<1x80xi32, #tpu.memory_space<vmem>> -> memref<80xi32, #tpu.memory_space<vmem>>
        %dma_start3A_496 = tpu.memref_slice %arg3[%add3A_491] : memref<320000xi32, #tpu.memory_space<hbm>> -> memref<80xi32, #tpu.memory_space<hbm>>
        %dma_start3A_497 = arith.constant 0 : i32
        %dma_start3A_498 = tpu.memref_slice %arg7[%dma_start3A_492, %dma_start3A_497] : memref<4x80xi32, #tpu.memory_space<vmem>> -> memref<1x80xi32, #tpu.memory_space<vmem>>
        %dma_start3A_499 = tpu.memref_squeeze %dma_start3A_498 : memref<1x80xi32, #tpu.memory_space<vmem>> -> memref<80xi32, #tpu.memory_space<vmem>>
        %dma_start3A_500 = tpu.memref_slice %arg3[%add3A_491] : memref<320000xi32, #tpu.memory_space<hbm>> -> memref<80xi32, #tpu.memory_space<hbm>>
        tpu.enqueue_dma source(%dma_start3A_500 : memref<80xi32, #tpu.memory_space<hbm>>) target(%dma_start3A_499 : memref<80xi32, #tpu.memory_space<vmem>>) target_semaphore(%arg12 : memref<!tpu.dma_semaphore, #tpu.memory_space<semaphore_mem>>)
        %dma_start3A_501 = arith.constant 1 : i32
        %dma_start3A_502 = arith.constant 0 : i32
        %dma_start3A_503 = tpu.memref_slice %arg8[%dma_start3A_501, %dma_start3A_502] : memref<4x80xi32, #tpu.memory_space<vmem>> -> memref<1x80xi32, #tpu.memory_space<vmem>>
        %dma_start3A_504 = tpu.memref_squeeze %dma_start3A_503 : memref<1x80xi32, #tpu.memory_space<vmem>> -> memref<80xi32, #tpu.memory_space<vmem>>
        %dma_start3A_505 = tpu.memref_slice %arg4[%add3A_491] : memref<320000xi32, #tpu.memory_space<hbm>> -> memref<80xi32, #tpu.memory_space<hbm>>
        %dma_start3A_506 = arith.constant 0 : i32
        %dma_start3A_507 = tpu.memref_slice %arg8[%dma_start3A_501, %dma_start3A_506] : memref<4x80xi32, #tpu.memory_space<vmem>> -> memref<1x80xi32, #tpu.memory_space<vmem>>
        %dma_start3A_508 = tpu.memref_squeeze %dma_start3A_507 : memref<1x80xi32, #tpu.memory_space<vmem>> -> memref<80xi32, #tpu.memory_space<vmem>>
        %dma_start3A_509 = tpu.memref_slice %arg4[%add3A_491] : memref<320000xi32, #tpu.memory_space<hbm>> -> memref<80xi32, #tpu.memory_space<hbm>>
        tpu.enqueue_dma source(%dma_start3A_509 : memref<80xi32, #tpu.memory_space<hbm>>) target(%dma_start3A_508 : memref<80xi32, #tpu.memory_space<vmem>>) target_semaphore(%arg12 : memref<!tpu.dma_semaphore, #tpu.memory_space<semaphore_mem>>)
      } else {
      }
      %dma_wait3A_429 = arith.constant 3 : i32
      %dma_wait3A_430 = arith.constant 3 : i32
      %dma_wait3A_431 = arith.constant 0 : i32
      %dma_wait3A_432 = arith.constant 0 : i32
      %dma_wait3A_433 = tpu.memref_slice %arg9[%dma_wait3A_430, %dma_wait3A_431, %dma_wait3A_432] : memref<4x80x128xf32, #tpu.memory_space<vmem>> -> memref<1x80x128xf32, #tpu.memory_space<vmem>>
      %dma_wait3A_434 = tpu.memref_squeeze %dma_wait3A_433 : memref<1x80x128xf32, #tpu.memory_space<vmem>> -> memref<80x128xf32, #tpu.memory_space<vmem>>
      %dma_wait3A_435 = arith.constant 0 : i32
      %dma_wait3A_436 = tpu.memref_slice %arg7[%dma_wait3A_429, %dma_wait3A_435] : memref<4x80xi32, #tpu.memory_space<vmem>> -> memref<1x80xi32, #tpu.memory_space<vmem>>
      %dma_wait3A_437 = tpu.memref_squeeze %dma_wait3A_436 : memref<1x80xi32, #tpu.memory_space<vmem>> -> memref<80xi32, #tpu.memory_space<vmem>>
      %dma_wait3A_438 = arith.constant 0 : i32
      %dma_wait3A_439 = arith.constant 0 : i32
      %dma_wait3A_440 = tpu.memref_slice %arg2[%dma_wait3A_438, %dma_wait3A_439] : memref<10000x128xf32, #tpu.memory_space<hbm>> -> memref<10000x128xf32, #tpu.memory_space<hbm>>
      tpu.wait_indirect_dma semaphore(%arg18 : memref<!tpu.dma_semaphore, #tpu.memory_space<semaphore_mem>>) src(%dma_wait3A_440 : memref<10000x128xf32, #tpu.memory_space<hbm>>) dst(%dma_wait3A_434 : memref<80x128xf32, #tpu.memory_space<vmem>>)
      %dma_start3A_441 = arith.constant 3 : i32
      %dma_start3A_442 = arith.constant 3 : i32
      %dma_start3A_443 = arith.constant 0 : i32
      %dma_start3A_444 = arith.constant 0 : i32
      %dma_start3A_445 = tpu.memref_slice %arg9[%dma_start3A_441, %dma_start3A_443, %dma_start3A_444] : memref<4x80x128xf32, #tpu.memory_space<vmem>> -> memref<1x80x128xf32, #tpu.memory_space<vmem>>
      %dma_start3A_446 = tpu.memref_squeeze %dma_start3A_445 : memref<1x80x128xf32, #tpu.memory_space<vmem>> -> memref<80x128xf32, #tpu.memory_space<vmem>>
      %dma_start3A_447 = arith.constant 0 : i32
      %dma_start3A_448 = tpu.memref_slice %arg8[%dma_start3A_442, %dma_start3A_447] : memref<4x80xi32, #tpu.memory_space<vmem>> -> memref<1x80xi32, #tpu.memory_space<vmem>>
      %dma_start3A_449 = tpu.memref_squeeze %dma_start3A_448 : memref<1x80xi32, #tpu.memory_space<vmem>> -> memref<80xi32, #tpu.memory_space<vmem>>
      %dma_start3A_450 = arith.constant 0 : i32
      %dma_start3A_451 = arith.constant 0 : i32
      %dma_start3A_452 = tpu.memref_slice %arg10[%dma_start3A_450, %dma_start3A_451] : memref<10000x128xf32, #tpu.memory_space<vmem_shared>> -> memref<10000x128xf32, #tpu.memory_space<vmem_shared>>
      tpu.enqueue_indirect_dma source(%dma_start3A_446 : memref<80x128xf32, #tpu.memory_space<vmem>>) target(%dma_start3A_452 : memref<10000x128xf32, #tpu.memory_space<vmem_shared>>) offsets(%dma_start3A_449 : memref<80xi32, #tpu.memory_space<vmem>>) semaphore(%arg22 : memref<!tpu.dma_semaphore, #tpu.memory_space<semaphore_mem>>) {add = true}
      %dma_wait3A_453 = arith.constant 0 : i32
      %dma_wait3A_454 = arith.constant 0 : i32
      %dma_wait3A_455 = tpu.memref_slice %arg7[%dma_wait3A_453, %dma_wait3A_454] : memref<4x80xi32, #tpu.memory_space<vmem>> -> memref<1x80xi32, #tpu.memory_space<vmem>>
      %dma_wait3A_456 = tpu.memref_squeeze %dma_wait3A_455 : memref<1x80xi32, #tpu.memory_space<vmem>> -> memref<80xi32, #tpu.memory_space<vmem>>
      %dma_wait3A_457 = tpu.memref_slice %arg3[%mul3A_4] : memref<320000xi32, #tpu.memory_space<hbm>> -> memref<80xi32, #tpu.memory_space<hbm>>
      %dma_wait3A_458 = arith.constant 0 : i32
      %dma_wait3A_459 = tpu.memref_slice %arg7[%dma_wait3A_453, %dma_wait3A_458] : memref<4x80xi32, #tpu.memory_space<vmem>> -> memref<1x80xi32, #tpu.memory_space<vmem>>
      %dma_wait3A_460 = tpu.memref_squeeze %dma_wait3A_459 : memref<1x80xi32, #tpu.memory_space<vmem>> -> memref<80xi32, #tpu.memory_space<vmem>>
      %dma_wait3A_461 = tpu.memref_slice %arg3[%mul3A_4] : memref<320000xi32, #tpu.memory_space<hbm>> -> memref<80xi32, #tpu.memory_space<hbm>>
      tpu.wait_dma2 semaphore(%arg11 : memref<!tpu.dma_semaphore, #tpu.memory_space<semaphore_mem>>) src(%dma_wait3A_461 : memref<80xi32, #tpu.memory_space<hbm>>) dst(%dma_wait3A_460 : memref<80xi32, #tpu.memory_space<vmem>>)
      %dma_wait3A_462 = arith.constant 0 : i32
      %dma_wait3A_463 = arith.constant 0 : i32
      %dma_wait3A_464 = tpu.memref_slice %arg8[%dma_wait3A_462, %dma_wait3A_463] : memref<4x80xi32, #tpu.memory_space<vmem>> -> memref<1x80xi32, #tpu.memory_space<vmem>>
      %dma_wait3A_465 = tpu.memref_squeeze %dma_wait3A_464 : memref<1x80xi32, #tpu.memory_space<vmem>> -> memref<80xi32, #tpu.memory_space<vmem>>
      %dma_wait3A_466 = tpu.memref_slice %arg4[%mul3A_4] : memref<320000xi32, #tpu.memory_space<hbm>> -> memref<80xi32, #tpu.memory_space<hbm>>
      %dma_wait3A_467 = arith.constant 0 : i32
      %dma_wait3A_468 = tpu.memref_slice %arg8[%dma_wait3A_462, %dma_wait3A_467] : memref<4x80xi32, #tpu.memory_space<vmem>> -> memref<1x80xi32, #tpu.memory_space<vmem>>
      %dma_wait3A_469 = tpu.memref_squeeze %dma_wait3A_468 : memref<1x80xi32, #tpu.memory_space<vmem>> -> memref<80xi32, #tpu.memory_space<vmem>>
      %dma_wait3A_470 = tpu.memref_slice %arg4[%mul3A_4] : memref<320000xi32, #tpu.memory_space<hbm>> -> memref<80xi32, #tpu.memory_space<hbm>>
      tpu.wait_dma2 semaphore(%arg11 : memref<!tpu.dma_semaphore, #tpu.memory_space<semaphore_mem>>) src(%dma_wait3A_470 : memref<80xi32, #tpu.memory_space<hbm>>) dst(%dma_wait3A_469 : memref<80xi32, #tpu.memory_space<vmem>>)
      %dma_start3A_471 = arith.constant 0 : i32
      %dma_start3A_472 = arith.constant 0 : i32
      %dma_start3A_473 = arith.constant 0 : i32
      %dma_start3A_474 = arith.constant 0 : i32
      %dma_start3A_475 = tpu.memref_slice %arg9[%dma_start3A_472, %dma_start3A_473, %dma_start3A_474] : memref<4x80x128xf32, #tpu.memory_space<vmem>> -> memref<1x80x128xf32, #tpu.memory_space<vmem>>
      %dma_start3A_476 = tpu.memref_squeeze %dma_start3A_475 : memref<1x80x128xf32, #tpu.memory_space<vmem>> -> memref<80x128xf32, #tpu.memory_space<vmem>>
      %dma_start3A_477 = arith.constant 0 : i32
      %dma_start3A_478 = tpu.memref_slice %arg7[%dma_start3A_471, %dma_start3A_477] : memref<4x80xi32, #tpu.memory_space<vmem>> -> memref<1x80xi32, #tpu.memory_space<vmem>>
      %dma_start3A_479 = tpu.memref_squeeze %dma_start3A_478 : memref<1x80xi32, #tpu.memory_space<vmem>> -> memref<80xi32, #tpu.memory_space<vmem>>
      %dma_start3A_480 = arith.constant 0 : i32
      %dma_start3A_481 = arith.constant 0 : i32
      %dma_start3A_482 = tpu.memref_slice %arg2[%dma_start3A_480, %dma_start3A_481] : memref<10000x128xf32, #tpu.memory_space<hbm>> -> memref<10000x128xf32, #tpu.memory_space<hbm>>
      tpu.enqueue_indirect_dma source(%dma_start3A_482 : memref<10000x128xf32, #tpu.memory_space<hbm>>) target(%dma_start3A_476 : memref<80x128xf32, #tpu.memory_space<vmem>>) offsets(%dma_start3A_479 : memref<80xi32, #tpu.memory_space<vmem>>) semaphore(%arg15 : memref<!tpu.dma_semaphore, #tpu.memory_space<semaphore_mem>>)
    }
    %scan3A_76 = arith.constant 31 : i32
    %dma_wait3A_77 = arith.constant 2 : i32
    %dma_wait3A_78 = arith.constant 2 : i32
    %dma_wait3A_79 = arith.constant 0 : i32
    %dma_wait3A_80 = arith.constant 0 : i32
    %dma_wait3A_81 = tpu.memref_slice %arg9[%dma_wait3A_77, %dma_wait3A_79, %dma_wait3A_80] : memref<4x80x128xf32, #tpu.memory_space<vmem>> -> memref<1x80x128xf32, #tpu.memory_space<vmem>>
    %dma_wait3A_82 = tpu.memref_squeeze %dma_wait3A_81 : memref<1x80x128xf32, #tpu.memory_space<vmem>> -> memref<80x128xf32, #tpu.memory_space<vmem>>
    %dma_wait3A_83 = arith.constant 0 : i32
    %dma_wait3A_84 = tpu.memref_slice %arg8[%dma_wait3A_78, %dma_wait3A_83] : memref<4x80xi32, #tpu.memory_space<vmem>> -> memref<1x80xi32, #tpu.memory_space<vmem>>
    %dma_wait3A_85 = tpu.memref_squeeze %dma_wait3A_84 : memref<1x80xi32, #tpu.memory_space<vmem>> -> memref<80xi32, #tpu.memory_space<vmem>>
    %dma_wait3A_86 = arith.constant 0 : i32
    %dma_wait3A_87 = arith.constant 0 : i32
    %dma_wait3A_88 = tpu.memref_slice %arg10[%dma_wait3A_86, %dma_wait3A_87] : memref<10000x128xf32, #tpu.memory_space<vmem_shared>> -> memref<10000x128xf32, #tpu.memory_space<vmem_shared>>
    tpu.wait_indirect_dma semaphore(%arg21 : memref<!tpu.dma_semaphore, #tpu.memory_space<semaphore_mem>>) src(%dma_wait3A_82 : memref<80x128xf32, #tpu.memory_space<vmem>>) dst(%dma_wait3A_88 : memref<10000x128xf32, #tpu.memory_space<vmem_shared>>)
    %dma_wait3A_89 = arith.constant 0 : i32
    %dma_wait3A_90 = arith.constant 0 : i32
    %dma_wait3A_91 = arith.constant 0 : i32
    %dma_wait3A_92 = arith.constant 0 : i32
    %dma_wait3A_93 = tpu.memref_slice %arg9[%dma_wait3A_90, %dma_wait3A_91, %dma_wait3A_92] : memref<4x80x128xf32, #tpu.memory_space<vmem>> -> memref<1x80x128xf32, #tpu.memory_space<vmem>>
    %dma_wait3A_94 = tpu.memref_squeeze %dma_wait3A_93 : memref<1x80x128xf32, #tpu.memory_space<vmem>> -> memref<80x128xf32, #tpu.memory_space<vmem>>
    %dma_wait3A_95 = arith.constant 0 : i32
    %dma_wait3A_96 = tpu.memref_slice %arg7[%dma_wait3A_89, %dma_wait3A_95] : memref<4x80xi32, #tpu.memory_space<vmem>> -> memref<1x80xi32, #tpu.memory_space<vmem>>
    %dma_wait3A_97 = tpu.memref_squeeze %dma_wait3A_96 : memref<1x80xi32, #tpu.memory_space<vmem>> -> memref<80xi32, #tpu.memory_space<vmem>>
    %dma_wait3A_98 = arith.constant 0 : i32
    %dma_wait3A_99 = arith.constant 0 : i32
    %dma_wait3A_100 = tpu.memref_slice %arg2[%dma_wait3A_98, %dma_wait3A_99] : memref<10000x128xf32, #tpu.memory_space<hbm>> -> memref<10000x128xf32, #tpu.memory_space<hbm>>
    tpu.wait_indirect_dma semaphore(%arg15 : memref<!tpu.dma_semaphore, #tpu.memory_space<semaphore_mem>>) src(%dma_wait3A_100 : memref<10000x128xf32, #tpu.memory_space<hbm>>) dst(%dma_wait3A_94 : memref<80x128xf32, #tpu.memory_space<vmem>>)
    %dma_start3A_101 = arith.constant 0 : i32
    %dma_start3A_102 = arith.constant 0 : i32
    %dma_start3A_103 = arith.constant 0 : i32
    %dma_start3A_104 = arith.constant 0 : i32
    %dma_start3A_105 = tpu.memref_slice %arg9[%dma_start3A_101, %dma_start3A_103, %dma_start3A_104] : memref<4x80x128xf32, #tpu.memory_space<vmem>> -> memref<1x80x128xf32, #tpu.memory_space<vmem>>
    %dma_start3A_106 = tpu.memref_squeeze %dma_start3A_105 : memref<1x80x128xf32, #tpu.memory_space<vmem>> -> memref<80x128xf32, #tpu.memory_space<vmem>>
    %dma_start3A_107 = arith.constant 0 : i32
    %dma_start3A_108 = tpu.memref_slice %arg8[%dma_start3A_102, %dma_start3A_107] : memref<4x80xi32, #tpu.memory_space<vmem>> -> memref<1x80xi32, #tpu.memory_space<vmem>>
    %dma_start3A_109 = tpu.memref_squeeze %dma_start3A_108 : memref<1x80xi32, #tpu.memory_space<vmem>> -> memref<80xi32, #tpu.memory_space<vmem>>
    %dma_start3A_110 = arith.constant 0 : i32
    %dma_start3A_111 = arith.constant 0 : i32
    %dma_start3A_112 = tpu.memref_slice %arg10[%dma_start3A_110, %dma_start3A_111] : memref<10000x128xf32, #tpu.memory_space<vmem_shared>> -> memref<10000x128xf32, #tpu.memory_space<vmem_shared>>
    tpu.enqueue_indirect_dma source(%dma_start3A_106 : memref<80x128xf32, #tpu.memory_space<vmem>>) target(%dma_start3A_112 : memref<10000x128xf32, #tpu.memory_space<vmem_shared>>) offsets(%dma_start3A_109 : memref<80xi32, #tpu.memory_space<vmem>>) semaphore(%arg19 : memref<!tpu.dma_semaphore, #tpu.memory_space<semaphore_mem>>) {add = true}
    %dma_wait3A_113 = arith.constant 3 : i32
    %dma_wait3A_114 = arith.constant 3 : i32
    %dma_wait3A_115 = arith.constant 0 : i32
    %dma_wait3A_116 = arith.constant 0 : i32
    %dma_wait3A_117 = tpu.memref_slice %arg9[%dma_wait3A_113, %dma_wait3A_115, %dma_wait3A_116] : memref<4x80x128xf32, #tpu.memory_space<vmem>> -> memref<1x80x128xf32, #tpu.memory_space<vmem>>
    %dma_wait3A_118 = tpu.memref_squeeze %dma_wait3A_117 : memref<1x80x128xf32, #tpu.memory_space<vmem>> -> memref<80x128xf32, #tpu.memory_space<vmem>>
    %dma_wait3A_119 = arith.constant 0 : i32
    %dma_wait3A_120 = tpu.memref_slice %arg8[%dma_wait3A_114, %dma_wait3A_119] : memref<4x80xi32, #tpu.memory_space<vmem>> -> memref<1x80xi32, #tpu.memory_space<vmem>>
    %dma_wait3A_121 = tpu.memref_squeeze %dma_wait3A_120 : memref<1x80xi32, #tpu.memory_space<vmem>> -> memref<80xi32, #tpu.memory_space<vmem>>
    %dma_wait3A_122 = arith.constant 0 : i32
    %dma_wait3A_123 = arith.constant 0 : i32
    %dma_wait3A_124 = tpu.memref_slice %arg10[%dma_wait3A_122, %dma_wait3A_123] : memref<10000x128xf32, #tpu.memory_space<vmem_shared>> -> memref<10000x128xf32, #tpu.memory_space<vmem_shared>>
    tpu.wait_indirect_dma semaphore(%arg22 : memref<!tpu.dma_semaphore, #tpu.memory_space<semaphore_mem>>) src(%dma_wait3A_118 : memref<80x128xf32, #tpu.memory_space<vmem>>) dst(%dma_wait3A_124 : memref<10000x128xf32, #tpu.memory_space<vmem_shared>>)
    %dma_wait3A_125 = arith.constant 0 : i32
    %dma_wait3A_126 = arith.constant 0 : i32
    %dma_wait3A_127 = arith.constant 0 : i32
    %dma_wait3A_128 = arith.constant 0 : i32
    %dma_wait3A_129 = tpu.memref_slice %arg9[%dma_wait3A_125, %dma_wait3A_127, %dma_wait3A_128] : memref<4x80x128xf32, #tpu.memory_space<vmem>> -> memref<1x80x128xf32, #tpu.memory_space<vmem>>
    %dma_wait3A_130 = tpu.memref_squeeze %dma_wait3A_129 : memref<1x80x128xf32, #tpu.memory_space<vmem>> -> memref<80x128xf32, #tpu.memory_space<vmem>>
    %dma_wait3A_131 = arith.constant 0 : i32
    %dma_wait3A_132 = tpu.memref_slice %arg8[%dma_wait3A_126, %dma_wait3A_131] : memref<4x80xi32, #tpu.memory_space<vmem>> -> memref<1x80xi32, #tpu.memory_space<vmem>>
    %dma_wait3A_133 = tpu.memref_squeeze %dma_wait3A_132 : memref<1x80xi32, #tpu.memory_space<vmem>> -> memref<80xi32, #tpu.memory_space<vmem>>
    %dma_wait3A_134 = arith.constant 0 : i32
    %dma_wait3A_135 = arith.constant 0 : i32
    %dma_wait3A_136 = tpu.memref_slice %arg10[%dma_wait3A_134, %dma_wait3A_135] : memref<10000x128xf32, #tpu.memory_space<vmem_shared>> -> memref<10000x128xf32, #tpu.memory_space<vmem_shared>>
    tpu.wait_indirect_dma semaphore(%arg19 : memref<!tpu.dma_semaphore, #tpu.memory_space<semaphore_mem>>) src(%dma_wait3A_130 : memref<80x128xf32, #tpu.memory_space<vmem>>) dst(%dma_wait3A_136 : memref<10000x128xf32, #tpu.memory_space<vmem_shared>>)
    %barrier3A_137 = arith.constant 0 : index
    tpu.barrier barrier_id(%barrier3A_137)
    %lt3A_138 = arith.constant 10 : i32
    %lt3A_139 = arith.cmpi slt, %arg1, %lt3A_138 : i32
    %convert_element_type3A_140 = arith.extui %lt3A_139 : i1 to i32
    %cond3A_141 = arith.constant 0 : i32
    %cond3A_142 = arith.cmpi ne, %convert_element_type3A_140, %cond3A_141 : i32
    scf.if %cond3A_142 {
      %mul3A_143 = arith.constant 1000 : i32
      %mul3A_144 = arith.muli %arg1, %mul3A_143 : i32
      %mul3A_145 = arith.constant 10000 : i32
      %mul3A_146 = arith.muli %arg0, %mul3A_145 : i32
      %mul3A_147 = arith.constant 1000 : i32
      %mul3A_148 = arith.muli %arg1, %mul3A_147 : i32
      %add3A_149 = arith.addi %mul3A_146, %mul3A_148 : i32
      "tpu.region"() ({
        %run_scoped3A = tpu.sem_alloc : memref<!tpu.dma_semaphore, #tpu.memory_space<semaphore_mem>>
        %dma_start3A_150 = arith.constant 0 : i32
        %dma_start3A_151 = tpu.memref_slice %arg6[%add3A_149, %dma_start3A_150] : memref<20000x128xf32, #tpu.memory_space<hbm>> -> memref<1000x128xf32, #tpu.memory_space<hbm>>
        %dma_start3A_152 = arith.constant 0 : i32
        %dma_start3A_153 = tpu.memref_slice %arg10[%mul3A_144, %dma_start3A_152] : memref<10000x128xf32, #tpu.memory_space<vmem_shared>> -> memref<1000x128xf32, #tpu.memory_space<vmem_shared>>
        tpu.enqueue_dma source(%dma_start3A_153 : memref<1000x128xf32, #tpu.memory_space<vmem_shared>>) target(%dma_start3A_151 : memref<1000x128xf32, #tpu.memory_space<hbm>>) target_semaphore(%run_scoped3A : memref<!tpu.dma_semaphore, #tpu.memory_space<semaphore_mem>>)
        %dma_wait3A_154 = arith.constant 0 : i32
        %dma_wait3A_155 = tpu.memref_slice %arg6[%add3A_149, %dma_wait3A_154] : memref<20000x128xf32, #tpu.memory_space<hbm>> -> memref<1000x128xf32, #tpu.memory_space<hbm>>
        %dma_wait3A_156 = arith.constant 0 : i32
        %dma_wait3A_157 = tpu.memref_slice %arg10[%mul3A_144, %dma_wait3A_156] : memref<10000x128xf32, #tpu.memory_space<vmem_shared>> -> memref<1000x128xf32, #tpu.memory_space<vmem_shared>>
        tpu.wait_dma2 semaphore(%run_scoped3A : memref<!tpu.dma_semaphore, #tpu.memory_space<semaphore_mem>>) src(%dma_wait3A_157 : memref<1000x128xf32, #tpu.memory_space<vmem_shared>>) dst(%dma_wait3A_155 : memref<1000x128xf32, #tpu.memory_space<hbm>>)
        tpu.yield
      }) : () -> ()
    } else {
    }
    return
  }
}

module attributes {stable_mosaic.version = 14 : i64} {
  func.func @body(%arg0: i32, %arg1: memref<1000x128xf32, #tpu.memory_space<vmem>>, %arg2: memref<128x128xf32, #tpu.memory_space<vmem>>, %arg3: memref<1000x128xf32, #tpu.memory_space<vmem>>) attributes {dimension_semantics = [#tpu.dimension_semantics<arbitrary>], iteration_bounds = array<i64: 10>, scalar_prefetch = 0 : i64, scratch_operands = 0 : i64, tpu.core_type = #tpu.core_type<tc>, window_params = [{transform_indices = @transform_0, window_bounds = array<i64: 1000, 128>}, {pipeline_mode = #tpu.pipeline_mode<synchronous>, transform_indices = @transform_1, window_bounds = array<i64: 128, 128>}, {transform_indices = @transform_2, window_bounds = array<i64: 1000, 128>}]} {
    %get3A = arith.constant 0 : index
    %get3A_0 = arith.constant 0 : index
    %get3A_1 = vector.load %arg1[%get3A, %get3A_0] : memref<1000x128xf32, #tpu.memory_space<vmem>>, vector<1000x128xf32>
    %get3A_2 = arith.constant 0 : index
    %get3A_3 = arith.constant 0 : index
    %get3A_4 = vector.load %arg2[%get3A_2, %get3A_3] : memref<128x128xf32, #tpu.memory_space<vmem>>, vector<128x128xf32>
    %dot_general3A = arith.constant dense<0.000000e+00> : vector<1000x128xf32>
    %dot_general3A_5 = tpu.matmul %get3A_1, %get3A_4, %dot_general3A {dimension_numbers = #tpu.dot_dimension_numbers<[1], [0], [0], [1], [0, 0, 1, 1], [], []>, precision = #tpu.contract_precision<fp32>, transpose_lhs_hint = false} : vector<1000x128xf32>, vector<128x128xf32>, vector<1000x128xf32> -> vector<1000x128xf32>
    %swap3A = arith.constant 0 : index
    %swap3A_6 = arith.constant 0 : index
    %swap3A_7 = vector.load %arg3[%swap3A, %swap3A_6] : memref<1000x128xf32, #tpu.memory_space<vmem>>, vector<1000x128xf32>
    tpu.vector_store %arg3[%swap3A, %swap3A_6], %dot_general3A_5 {strides = array<i32>} : memref<1000x128xf32, #tpu.memory_space<vmem>>, vector<1000x128xf32>,
    return
  }
  func.func @transform_0(%arg0: i32) -> (i32, i32) {
    %c0_i32 = arith.constant 0 : i32
    %c0_i32_0 = arith.constant 0 : i32
    return %arg0, %c0_i32 : i32, i32
  }
  func.func @transform_1(%arg0: i32) -> (i32, i32) {
    %c0_i32 = arith.constant 0 : i32
    %c0_i32_0 = arith.constant 0 : i32
    %c0_i32_1 = arith.constant 0 : i32
    return %c0_i32, %c0_i32_0 : i32, i32
  }
  func.func @transform_2(%arg0: i32) -> (i32, i32) {
    %c0_i32 = arith.constant 0 : i32
    %c0_i32_0 = arith.constant 0 : i32
    return %arg0, %c0_i32 : i32, i32
  }
}

module attributes {stable_mosaic.version = 14 : i64} {
  func.func @body(%arg0: i32, %arg1: memref<1000x128xf32, #tpu.memory_space<vmem>>, %arg2: memref<1000x1xf32, #tpu.memory_space<vmem>>, %arg3: memref<1000x128xf32, #tpu.memory_space<vmem>>) attributes {dimension_semantics = [#tpu.dimension_semantics<arbitrary>], iteration_bounds = array<i64: 10>, scalar_prefetch = 0 : i64, scratch_operands = 0 : i64, tpu.core_type = #tpu.core_type<tc>, window_params = [{transform_indices = @transform_0, window_bounds = array<i64: 1000, 128>}, {transform_indices = @transform_1, window_bounds = array<i64: 1000, 1>}, {transform_indices = @transform_2, window_bounds = array<i64: 1000, 128>}]} {
    %get3A = arith.constant 0 : index
    %get3A_0 = arith.constant 0 : index
    %get3A_1 = vector.load %arg1[%get3A, %get3A_0] : memref<1000x128xf32, #tpu.memory_space<vmem>>, vector<1000x128xf32>
    %get3A_2 = arith.constant 0 : index
    %get3A_3 = arith.constant 0 : index
    %get3A_4 = vector.load %arg2[%get3A_2, %get3A_3] : memref<1000x1xf32, #tpu.memory_space<vmem>>, vector<1000x1xf32>
    %gt3A = arith.constant 0.000000e+00 : f32
    %gt3A_5 = vector.broadcast %gt3A : f32 to vector<1000x1xf32>
    %gt3A_6 = arith.cmpf ogt, %get3A_4, %gt3A_5 : vector<1000x1xf32>
    %max3A = arith.constant 1.000000e+00 : f32
    %max3A_7 = vector.broadcast %max3A : f32 to vector<1000x1xf32>
    %max3A_8 = arith.maximumf %get3A_4, %max3A_7 : vector<1000x1xf32>
    %rsqrt3A = math.rsqrt %max3A_8 : vector<1000x1xf32>
    %jit3A = arith.constant 0.000000e+00 : f32
    %broadcast_in_dim3A = vector.broadcast %jit3A : f32 to vector<1000x1xf32>
    %select_n3A = arith.select %gt3A_6, %rsqrt3A, %broadcast_in_dim3A : vector<1000x1xi1>, vector<1000x1xf32>
    %mul3A = vector.broadcast %select_n3A : vector<1000x1xf32> to vector<1000x128xf32>
    %mul3A_9 = arith.mulf %get3A_1, %mul3A : vector<1000x128xf32>
    %swap3A = arith.constant 0 : index
    %swap3A_10 = arith.constant 0 : index
    %swap3A_11 = vector.load %arg3[%swap3A, %swap3A_10] : memref<1000x128xf32, #tpu.memory_space<vmem>>, vector<1000x128xf32>
    tpu.vector_store %arg3[%swap3A, %swap3A_10], %mul3A_9 {strides = array<i32>} : memref<1000x128xf32, #tpu.memory_space<vmem>>, vector<1000x128xf32>,
    return
  }
  func.func @transform_0(%arg0: i32) -> (i32, i32) {
    %c0_i32 = arith.constant 0 : i32
    %c0_i32_0 = arith.constant 0 : i32
    return %arg0, %c0_i32 : i32, i32
  }
  func.func @transform_1(%arg0: i32) -> (i32, i32) {
    %c0_i32 = arith.constant 0 : i32
    %c0_i32_0 = arith.constant 0 : i32
    return %arg0, %c0_i32 : i32, i32
  }
  func.func @transform_2(%arg0: i32) -> (i32, i32) {
    %c0_i32 = arith.constant 0 : i32
    %c0_i32_0 = arith.constant 0 : i32
    return %arg0, %c0_i32 : i32, i32
  }
}

module attributes {stable_mosaic.version = 14 : i64} {
  func.func @body(%arg0: i32, %arg1: memref<2x1000x128xf32, #tpu.memory_space<vmem>>, %arg2: memref<1000x1xf32, #tpu.memory_space<vmem>>, %arg3: memref<1x128xf32, #tpu.memory_space<vmem>>, %arg4: memref<128x128xf32, #tpu.memory_space<vmem>>, %arg5: memref<1000x1xf32, #tpu.memory_space<vmem>>, %arg6: memref<1000x128xf32, #tpu.memory_space<vmem>>) attributes {dimension_semantics = [#tpu.dimension_semantics<arbitrary>], iteration_bounds = array<i64: 10>, scalar_prefetch = 0 : i64, scratch_operands = 0 : i64, tpu.core_type = #tpu.core_type<tc>, window_params = [{transform_indices = @transform_0, window_bounds = array<i64: 2, 1000, 128>}, {transform_indices = @transform_1, window_bounds = array<i64: 1000, 1>}, {pipeline_mode = #tpu.pipeline_mode<synchronous>, transform_indices = @transform_2, window_bounds = array<i64: 1, 128>}, {pipeline_mode = #tpu.pipeline_mode<synchronous>, transform_indices = @transform_3, window_bounds = array<i64: 128, 128>}, {transform_indices = @transform_4, window_bounds = array<i64: 1000, 1>}, {transform_indices = @transform_5, window_bounds = array<i64: 1000, 128>}]} {
    %get3A = arith.constant 0 : index
    %get3A_0 = arith.constant 0 : index
    %get3A_1 = arith.constant 0 : index
    %get3A_2 = vector.load %arg1[%get3A, %get3A_0, %get3A_1] : memref<2x1000x128xf32, #tpu.memory_space<vmem>>, vector<1x1000x128xf32>
    %get3A_3 = vector.shape_cast %get3A_2 : vector<1x1000x128xf32> to vector<1000x128xf32>
    %get3A_4 = arith.constant 1 : index
    %get3A_5 = arith.constant 0 : index
    %get3A_6 = arith.constant 0 : index
    %get3A_7 = vector.load %arg1[%get3A_4, %get3A_5, %get3A_6] : memref<2x1000x128xf32, #tpu.memory_space<vmem>>, vector<1x1000x128xf32>
    %get3A_8 = vector.shape_cast %get3A_7 : vector<1x1000x128xf32> to vector<1000x128xf32>
    %add3A = arith.addf %get3A_3, %get3A_8 : vector<1000x128xf32>
    %get3A_9 = arith.constant 0 : index
    %get3A_10 = arith.constant 0 : index
    %get3A_11 = vector.load %arg2[%get3A_9, %get3A_10] : memref<1000x1xf32, #tpu.memory_space<vmem>>, vector<1000x1xf32>
    %gt3A = arith.constant 0.000000e+00 : f32
    %gt3A_12 = vector.broadcast %gt3A : f32 to vector<1000x1xf32>
    %gt3A_13 = arith.cmpf ogt, %get3A_11, %gt3A_12 : vector<1000x1xf32>
    %max3A = arith.constant 1.000000e+00 : f32
    %max3A_14 = vector.broadcast %max3A : f32 to vector<1000x1xf32>
    %max3A_15 = arith.maximumf %get3A_11, %max3A_14 : vector<1000x1xf32>
    %rsqrt3A = math.rsqrt %max3A_15 : vector<1000x1xf32>
    %jit3A = arith.constant 0.000000e+00 : f32
    %broadcast_in_dim3A = vector.broadcast %jit3A : f32 to vector<1000x1xf32>
    %select_n3A = arith.select %gt3A_13, %rsqrt3A, %broadcast_in_dim3A : vector<1000x1xi1>, vector<1000x1xf32>
    %mul3A = vector.broadcast %select_n3A : vector<1000x1xf32> to vector<1000x128xf32>
    %mul3A_16 = arith.mulf %add3A, %mul3A : vector<1000x128xf32>
    %get3A_17 = arith.constant 0 : index
    %get3A_18 = arith.constant 0 : index
    %get3A_19 = vector.load %arg3[%get3A_17, %get3A_18] : memref<1x128xf32, #tpu.memory_space<vmem>>, vector<1x128xf32>
    %add3A_20 = vector.broadcast %get3A_19 : vector<1x128xf32> to vector<1000x128xf32>
    %add3A_21 = arith.addf %mul3A_16, %add3A_20 : vector<1000x128xf32>
    %max3A_22 = arith.constant 0.000000e+00 : f32
    %max3A_23 = vector.broadcast %max3A_22 : f32 to vector<1000x128xf32>
    %max3A_24 = arith.maximumf %add3A_21, %max3A_23 : vector<1000x128xf32>
    %get3A_25 = arith.constant 0 : index
    %get3A_26 = arith.constant 0 : index
    %get3A_27 = vector.load %arg4[%get3A_25, %get3A_26] : memref<128x128xf32, #tpu.memory_space<vmem>>, vector<128x128xf32>
    %dot_general3A = arith.constant dense<0.000000e+00> : vector<1000x128xf32>
    %dot_general3A_28 = tpu.matmul %max3A_24, %get3A_27, %dot_general3A {dimension_numbers = #tpu.dot_dimension_numbers<[1], [0], [0], [1], [0, 0, 1, 1], [], []>, precision = #tpu.contract_precision<fp32>, transpose_lhs_hint = false} : vector<1000x128xf32>, vector<128x128xf32>, vector<1000x128xf32> -> vector<1000x128xf32>
    %get3A_29 = arith.constant 0 : index
    %get3A_30 = arith.constant 0 : index
    %get3A_31 = vector.load %arg5[%get3A_29, %get3A_30] : memref<1000x1xf32, #tpu.memory_space<vmem>>, vector<1000x1xf32>
    %gt3A_32 = arith.constant 0.000000e+00 : f32
    %gt3A_33 = vector.broadcast %gt3A_32 : f32 to vector<1000x1xf32>
    %gt3A_34 = arith.cmpf ogt, %get3A_31, %gt3A_33 : vector<1000x1xf32>
    %max3A_35 = arith.constant 1.000000e+00 : f32
    %max3A_36 = vector.broadcast %max3A_35 : f32 to vector<1000x1xf32>
    %max3A_37 = arith.maximumf %get3A_31, %max3A_36 : vector<1000x1xf32>
    %rsqrt3A_38 = math.rsqrt %max3A_37 : vector<1000x1xf32>
    %jit3A_39 = arith.constant 0.000000e+00 : f32
    %broadcast_in_dim3A_40 = vector.broadcast %jit3A_39 : f32 to vector<1000x1xf32>
    %select_n3A_41 = arith.select %gt3A_34, %rsqrt3A_38, %broadcast_in_dim3A_40 : vector<1000x1xi1>, vector<1000x1xf32>
    %mul3A_42 = vector.broadcast %select_n3A_41 : vector<1000x1xf32> to vector<1000x128xf32>
    %mul3A_43 = arith.mulf %dot_general3A_28, %mul3A_42 : vector<1000x128xf32>
    %swap3A = arith.constant 0 : index
    %swap3A_44 = arith.constant 0 : index
    %swap3A_45 = vector.load %arg6[%swap3A, %swap3A_44] : memref<1000x128xf32, #tpu.memory_space<vmem>>, vector<1000x128xf32>
    tpu.vector_store %arg6[%swap3A, %swap3A_44], %mul3A_43 {strides = array<i32>} : memref<1000x128xf32, #tpu.memory_space<vmem>>, vector<1000x128xf32>,
    return
  }
  func.func @transform_0(%arg0: i32) -> (i32, i32, i32) {
    %c0_i32 = arith.constant 0 : i32
    %c0_i32_0 = arith.constant 0 : i32
    %c0_i32_1 = arith.constant 0 : i32
    return %c0_i32, %arg0, %c0_i32_0 : i32, i32, i32
  }
  func.func @transform_1(%arg0: i32) -> (i32, i32) {
    %c0_i32 = arith.constant 0 : i32
    %c0_i32_0 = arith.constant 0 : i32
    return %arg0, %c0_i32 : i32, i32
  }
  func.func @transform_2(%arg0: i32) -> (i32, i32) {
    %c0_i32 = arith.constant 0 : i32
    %c0_i32_0 = arith.constant 0 : i32
    %c0_i32_1 = arith.constant 0 : i32
    return %c0_i32, %c0_i32_0 : i32, i32
  }
  func.func @transform_3(%arg0: i32) -> (i32, i32) {
    %c0_i32 = arith.constant 0 : i32
    %c0_i32_0 = arith.constant 0 : i32
    %c0_i32_1 = arith.constant 0 : i32
    return %c0_i32, %c0_i32_0 : i32, i32
  }
  func.func @transform_4(%arg0: i32) -> (i32, i32) {
    %c0_i32 = arith.constant 0 : i32
    %c0_i32_0 = arith.constant 0 : i32
    return %arg0, %c0_i32 : i32, i32
  }
  func.func @transform_5(%arg0: i32) -> (i32, i32) {
    %c0_i32 = arith.constant 0 : i32
    %c0_i32_0 = arith.constant 0 : i32
    return %arg0, %c0_i32 : i32, i32
  }
}

module attributes {stable_mosaic.version = 14 : i64} {
  func.func @body(%arg0: i32, %arg1: memref<2x1000x128xf32, #tpu.memory_space<vmem>>, %arg2: memref<1000x1xf32, #tpu.memory_space<vmem>>, %arg3: memref<1x128xf32, #tpu.memory_space<vmem>>, %arg4: memref<1000x128xf32, #tpu.memory_space<vmem>>) attributes {dimension_semantics = [#tpu.dimension_semantics<arbitrary>], iteration_bounds = array<i64: 10>, scalar_prefetch = 0 : i64, scratch_operands = 0 : i64, tpu.core_type = #tpu.core_type<tc>, window_params = [{transform_indices = @transform_0, window_bounds = array<i64: 2, 1000, 128>}, {transform_indices = @transform_1, window_bounds = array<i64: 1000, 1>}, {pipeline_mode = #tpu.pipeline_mode<synchronous>, transform_indices = @transform_2, window_bounds = array<i64: 1, 128>}, {transform_indices = @transform_3, window_bounds = array<i64: 1000, 128>}]} {
    %get3A = arith.constant 0 : index
    %get3A_0 = arith.constant 0 : index
    %get3A_1 = arith.constant 0 : index
    %get3A_2 = vector.load %arg1[%get3A, %get3A_0, %get3A_1] : memref<2x1000x128xf32, #tpu.memory_space<vmem>>, vector<1x1000x128xf32>
    %get3A_3 = vector.shape_cast %get3A_2 : vector<1x1000x128xf32> to vector<1000x128xf32>
    %get3A_4 = arith.constant 1 : index
    %get3A_5 = arith.constant 0 : index
    %get3A_6 = arith.constant 0 : index
    %get3A_7 = vector.load %arg1[%get3A_4, %get3A_5, %get3A_6] : memref<2x1000x128xf32, #tpu.memory_space<vmem>>, vector<1x1000x128xf32>
    %get3A_8 = vector.shape_cast %get3A_7 : vector<1x1000x128xf32> to vector<1000x128xf32>
    %add3A = arith.addf %get3A_3, %get3A_8 : vector<1000x128xf32>
    %get3A_9 = arith.constant 0 : index
    %get3A_10 = arith.constant 0 : index
    %get3A_11 = vector.load %arg2[%get3A_9, %get3A_10] : memref<1000x1xf32, #tpu.memory_space<vmem>>, vector<1000x1xf32>
    %gt3A = arith.constant 0.000000e+00 : f32
    %gt3A_12 = vector.broadcast %gt3A : f32 to vector<1000x1xf32>
    %gt3A_13 = arith.cmpf ogt, %get3A_11, %gt3A_12 : vector<1000x1xf32>
    %max3A = arith.constant 1.000000e+00 : f32
    %max3A_14 = vector.broadcast %max3A : f32 to vector<1000x1xf32>
    %max3A_15 = arith.maximumf %get3A_11, %max3A_14 : vector<1000x1xf32>
    %rsqrt3A = math.rsqrt %max3A_15 : vector<1000x1xf32>
    %jit3A = arith.constant 0.000000e+00 : f32
    %broadcast_in_dim3A = vector.broadcast %jit3A : f32 to vector<1000x1xf32>
    %select_n3A = arith.select %gt3A_13, %rsqrt3A, %broadcast_in_dim3A : vector<1000x1xi1>, vector<1000x1xf32>
    %mul3A = vector.broadcast %select_n3A : vector<1000x1xf32> to vector<1000x128xf32>
    %mul3A_16 = arith.mulf %add3A, %mul3A : vector<1000x128xf32>
    %get3A_17 = arith.constant 0 : index
    %get3A_18 = arith.constant 0 : index
    %get3A_19 = vector.load %arg3[%get3A_17, %get3A_18] : memref<1x128xf32, #tpu.memory_space<vmem>>, vector<1x128xf32>
    %add3A_20 = vector.broadcast %get3A_19 : vector<1x128xf32> to vector<1000x128xf32>
    %add3A_21 = arith.addf %mul3A_16, %add3A_20 : vector<1000x128xf32>
    %swap3A = arith.constant 0 : index
    %swap3A_22 = arith.constant 0 : index
    %swap3A_23 = vector.load %arg4[%swap3A, %swap3A_22] : memref<1000x128xf32, #tpu.memory_space<vmem>>, vector<1000x128xf32>
    tpu.vector_store %arg4[%swap3A, %swap3A_22], %add3A_21 {strides = array<i32>} : memref<1000x128xf32, #tpu.memory_space<vmem>>, vector<1000x128xf32>,
    return
  }
  func.func @transform_0(%arg0: i32) -> (i32, i32, i32) {
    %c0_i32 = arith.constant 0 : i32
    %c0_i32_0 = arith.constant 0 : i32
    %c0_i32_1 = arith.constant 0 : i32
    return %c0_i32, %arg0, %c0_i32_0 : i32, i32, i32
  }
  func.func @transform_1(%arg0: i32) -> (i32, i32) {
    %c0_i32 = arith.constant 0 : i32
    %c0_i32_0 = arith.constant 0 : i32
    return %arg0, %c0_i32 : i32, i32
  }
  func.func @transform_2(%arg0: i32) -> (i32, i32) {
    %c0_i32 = arith.constant 0 : i32
    %c0_i32_0 = arith.constant 0 : i32
    %c0_i32_1 = arith.constant 0 : i32
    return %c0_i32, %c0_i32_0 : i32, i32
  }
  func.func @transform_3(%arg0: i32) -> (i32, i32) {
    %c0_i32 = arith.constant 0 : i32
    %c0_i32_0 = arith.constant 0 : i32
    return %arg0, %c0_i32 : i32, i32
  }
}

</mosaic_0001>

<sc_bundles>
// kernel: kernel.12.cloned.1.call-start
scs
__scs_entry_jumppad:
0x0: {  	(pc) =	sbr.rel $0x88, $3  }
0x1: {  	(tag) =	ssettag $0x0;
	lr =	simm.s32 $0x1  }
0x2: {  	[smem:$0x3F9B] =	sst lr;
	_ =	strace $0xD0000000  }
0x3: {  	_ = 	snop  }
0x4: {  	_ = 	snop  }
0x5: {  	_ = 	snop  }
0x6: {  	_ = 	snop  }
0x7: {  	_ = 	snop  }
__scs_overlays_trampoline_lowered:
0x8: {  	[smem:$0x3FAA] =	sst s0  }
0x9: {  	[smem:$0x3FAB] =	sst s1  }
0xa: {  	[smem:$0x3FAC] =	sst s2  }
0xb: {  	[smem:$0x3FAD] =	sst s3  }
0xc: {  	[smem:$0x3FAE] =	sst s4  }
0xd: {  	[smem:$0x3FAF] =	sst s5  }
0xe: {  	[smem:$0x3FB0] =	sst s6  }
0xf: {  	[smem:$0x3FB1] =	sst s7  }
0x10: {  	[smem:$0x3FB2] =	sst s8  }
0x11: {  	[smem:$0x3FB3] =	sst s9;
	s0 =	simm.s32 @!p0 $0x0  }
0x12: {  	s1 =	sld [smem:$0x3F99];
	s0 =	simm.s32 @p0 $0x1  }
0x13: {  	[smem:$0x3FB4] =	sst s0;
	s0 =	simm.s32 @!p1 $0x0  }
0x14: {  	s2 =	sld [smem:$0x3F98];
	s0 =	simm.s32 @p1 $0x1  }
0x15: {  	[smem:$0x3FB5] =	sst s0;
	s0 =	simm.s32 @!p2 $0x0  }
0x16: {  	s3 =	sld [smem:$0x3FDB];
	s0 =	simm.s32 @p2 $0x1  }
0x17: {  	s4 =	simm.s32 $0x1BF5;
	[smem:$0x3FB7] =	sst s0  }
0x18: {  	s0 =	sld [smem:$0x3F9A];
	_ =	swait.ge [sflag:s4], $0x0  }
0x19: {  	s7 =	sld [smem:$0x3F9B]  }
0x1a: {  	s8 =	sadd.s32 $0xFFFFE003, lr  }
0x1b: {  	s9 =	sadd.s32 $0xFFFFFEF7, lr;
	s5 =	simm.s32 $0xFFFFFFFF;
	p2 =	slt.u32 s8, $0xFFFFF086  }
0x1c: {  	p1 =	slt.u32 s9, $0xF7A;
	s5 =	simm.s32 @!p2 $0x0  }
0x1d: {  	s5 =	simm.s32 @p1 $0x1;
	p0 =	seq.s32 s7, s2  }
0x1e: {  	s7 =	smul.u32 @!p0 $0xF7A, s2;
	p2 =	seq.s32 @!p0 s5, $0x0  }
0x1f: {  	s9 =	smul.u32 $0xF7A, s1;
	s8 =	simm.s32 @!p0 $0x1BF5;
	p2 =	por !p2, p0  }
0x20: {  	[sflag:s8] =	ssyncset.s32 @!p0 $0xFFFFF086;
	s6 =	sadd.s32 @!p0 s3, s7;
	s7 =	simm.s32 @!p0 $0x108  }
0x21: {  	s3 =	sadd.s32 s3, s9;
	s6 =	sadd.s32 @!p0 $0x88, s6;
	s7 =	simm.s32 @p2 $0x1082  }
0x22: {  	[simem:s7], [sflag:s8] =	dma.local @!p0 [hbm:s6], $0xF7A  }
0x23: {  	s9 =	sor.u32 $0xD0000000, s2;
	s6 =	simm.s32 $0x108;
	_ =	swait.ge @!p0 [sflag:s8], $0x0  }
0x24: {  	s3 =	sadd.s32 $0x88, s3;
	s6 =	simm.s32 @!p1 $0x1082;
	[sflag:s4] =	ssyncset.s32 $0xFFFFF086  }
0x25: {  	[simem:s6], [sflag:s4] =	dma.local [hbm:s3], $0xF7A  }
0x26: {  	[smem:$0x3F9B] =	sst s1;
	(tag) =	ssettag s2;
	_ =	strace s9  }
0x27: {  	s1 =	sld [smem:$0x3FAB]  }
0x28: {  	s2 =	sld [smem:$0x3FAC]  }
0x29: {  	s4 =	sld [smem:$0x3FAE]  }
0x2a: {  	p0 =	seq.s32 s5, $0x0;
	s5 =	sld [smem:$0x3FAF]  }
0x2b: {  	s6 =	sld [smem:$0x3FB0]  }
0x2c: {  	s7 =	sld [smem:$0x3FB1]  }
0x2d: {  	s3 =	simm.s32 $0x108;
	s8 =	sld [smem:$0x3FB2]  }
0x2e: {  	s3 =	simm.s32 @!p0 $0x1082;
	s9 =	sld [smem:$0x3FB3]  }
0x2f: {  	lr =	sadd.s32 s0, s3;
	s0 =	sld [smem:$0x3FAA]  }
0x30: {  	s3 =	sld [smem:$0x3FAD]  }
0x31: {  	[smem:$0x3FB6] =	sst s10  }
0x32: {  	s10 =	sld [smem:$0x3FB4];
	_ =	sdelay $0x3  }
0x33: {  	p0 =	seq.s32 s10, $0x1;
	s10 =	sld [smem:$0x3FB6];
	_ =	sdelay $0x3  }
0x34: {  	[smem:$0x3FB6] =	sst s10  }
0x35: {  	s10 =	sld [smem:$0x3FB5];
	_ =	sdelay $0x3  }
0x36: {  	p1 =	seq.s32 s10, $0x1;
	s10 =	sld [smem:$0x3FB6];
	_ =	sdelay $0x3  }
0x37: {  	[smem:$0x3FB6] =	sst s10  }
0x38: {  	s10 =	sld [smem:$0x3FB7]  }
0x39: {  	_ = 	snop;
	(pc) =	sbr.ind lr, $3  }
0x3a: {  	_ = 	snop  }
0x3b: {  	_ = 	snop  }
0x3c: {  	p2 =	seq.s32 s10, $0x1;
	s10 =	sld [smem:$0x3FB6]  }
0x3d: {  	_ =	shalt  }
0x3e: {  	_ =	shalt  }
0x3f: {  	_ =	shalt  }
0x40: {  	_ =	shalt  }
0x41: {  	_ =	shalt  }
0x42: {  	_ =	shalt  }
0x43: {  	_ =	shalt  }
0x44: {  	_ =	shalt  }
0x45: {  	_ =	shalt  }
0x46: {  	_ =	shalt  }
0x47: {  	_ =	shalt  }
0x48: {  	_ =	shalt  }
0x49: {  	_ =	shalt  }
0x4a: {  	_ =	shalt  }
0x4b: {  	_ =	shalt  }
0x4c: {  	_ =	shalt  }
0x4d: {  	_ =	shalt  }
0x4e: {  	_ =	shalt  }
0x4f: {  	_ =	shalt  }
0x50: {  	_ =	shalt  }
0x51: {  	_ =	shalt  }
0x52: {  	_ =	shalt  }
0x53: {  	_ =	shalt  }
0x54: {  	_ =	shalt  }
0x55: {  	_ =	shalt  }
0x56: {  	_ =	shalt  }
0x57: {  	_ =	shalt  }
0x58: {  	_ =	shalt  }
0x59: {  	_ =	shalt  }
0x5a: {  	_ =	shalt  }
0x5b: {  	_ =	shalt  }
0x5c: {  	_ =	shalt  }
0x5d: {  	_ =	shalt  }
0x5e: {  	_ =	shalt  }
0x5f: {  	_ =	shalt  }
0x60: {  	_ =	shalt  }
0x61: {  	_ =	shalt  }
0x62: {  	_ =	shalt  }
0x63: {  	_ =	shalt  }
0x64: {  	_ =	shalt  }
0x65: {  	_ =	shalt  }
0x66: {  	_ =	shalt  }
0x67: {  	_ =	shalt  }
0x68: {  	_ =	shalt  }
0x69: {  	_ =	shalt  }
0x6a: {  	_ =	shalt  }
0x6b: {  	_ =	shalt  }
0x6c: {  	_ =	shalt  }
0x6d: {  	_ =	shalt  }
0x6e: {  	_ =	shalt  }
0x6f: {  	_ =	shalt  }
0x70: {  	_ =	shalt  }
0x71: {  	_ =	shalt  }
0x72: {  	_ =	shalt  }
0x73: {  	_ =	shalt  }
0x74: {  	_ =	shalt  }
0x75: {  	_ =	shalt  }
0x76: {  	_ =	shalt  }
0x77: {  	_ =	shalt  }
0x78: {  	_ =	shalt  }
0x79: {  	_ =	shalt  }
0x7a: {  	_ =	shalt  }
0x7b: {  	_ =	shalt  }
0x7c: {  	_ =	shalt  }
0x7d: {  	_ =	shalt  }
0x7e: {  	_ =	shalt  }
0x7f: {  	_ =	shalt  }
0x80: {  	_ =	shalt  }
0x81: {  	_ =	shalt  }
0x82: {  	_ =	shalt  }
0x83: {  	_ =	shalt  }
0x84: {  	_ =	shalt  }
0x85: {  	_ =	shalt  }
0x86: {  	_ =	shalt  }
0x87: {  	_ =	shalt  }
.Lfunc_end0:
.L_simem_size_0:
called_computation.1_lowered:
.L_overlay_start_0:
0x88: {  	s2 =	sld [smem:$0x3FD9]  }
0x89: {  	s3 =	sld [smem:$0x3FFE];
	_ =	sdelay $0x1  }
0x8a: {  	s1 =	srdreg.scid  }
0x8b: {  	s0 =	sand.u32 $0x1, s1  }
0x8c: {  	s17 =	sshll.u32 s0, $0xA;
	s2 =	sadd.s32 s3, s2  }
0x8d: {  	s2 =	sadd.s32 s2, s17  }
0x8e: {  	[smem:$0x3FC2] =	sst s2  }
0x8f: {  	_ = 	snop  }
0x90: {  	s2 =	sld [smem:$0x3FD0];
	(tm) =	ssettm $0x1  }
0x91: {  	s18 =	sld [smem:$0x3FFB];
	_ =	sdelay $0x3  }
0x92: {  	_ =	strace s18  }
0x93: {  	s3 =	sld [smem:$0x3FFC];
	_ =	sdelay $0x3  }
0x94: {  	_ =	strace s3  }
0x95: {  	s3 =	sld [smem:$0x3FFD];
	_ =	sdelay $0x3  }
0x96: {  	_ =	strace s3  }
0x97: {  	_ =	strace $0x8FFFFFFF  }
0x98: {  	s19 =	sld [smem:$0x3FDB];
	_ =	sdelay $0x1  }
0x99: {  	s4 =	simm.s32 $_scs_section_size  }
0x9a: {  	s5 =	simm.s32 $_size__tile_overlayer_lowered;
	s6 =	simm.s32 $_tile_overlayer_lowered  }
0x9b: {  	s22 =	simm.s32 $0x1BFF;
	s21 =	sshll.u32 s6, $0x1;
	s3 =	sadd.s32 s4, s19  }
0x9c: {  	s7 =	simm.s32 $0x0;
	s20 =	sshll.u32 s5, $0x1;
	s5 =	sadd.s32 s21, s3  }
0x9d: {  	[timem:s7], [sflag:s22] =	dma.local [hbm:s5], s20  }
0x9e: {  	_ =	swait.ge [sflag:s22], s20  }
0x9f: {  	s4 =	ssub.s32 $0x0, s20;
	[sflag:s22] =	ssyncset.done $0x0  }
0xa0: {  	[sflag:s22] =	ssyncadd.s32 s4;
	_ =	sdelay $0x1  }
0xa1: {  	s23 =	simm.s32 $0x1B8B  }
0xa2: {  	_ =	swait.ge [sflag:s23], $0x1  }
0xa3: {  	[sflag:s23] =	ssyncset.done $0x0  }
0xa4: {  	s25 =	simm.s32 $0x1B8E;
	s24 =	sld [smem:$0x3FFE];
	[sflag:s23] =	ssyncadd.s32 $0xFFFFFFFF  }
0xa5: {  	s26 =	simm.s32 $execute0_lowered;
	[smem:$0x3FD2] =	sst s25  }
0xa6: {  	s5 =	sshll.u32 s26, $0x1;
	_ =	strace $0x80000049;
	[dreg:$0x1] =	wrdreg $0xFFFFFFFF  }
0xa7: {  	s28 =	simm.s32 $_size_execute0_lowered;
	s3 =	sadd.s32 s3, s5;
	[dreg:$0x0] =	wrdreg $0x0  }
0xa8: {  	s5 =	sshll.u32 s28, $0x1;
	[dreg:$0x2] =	wrdreg s3  }
0xa9: {  	[dreg:$0x3] =	wrdreg s5  }
0xaa: {  	[dreg:$0x4] =	wrdreg $0xC0  }
0xab: {  	_ =	task [dreg:s7], $0x5FFFF  }
0xac: {  	[dreg:$0x1] =	wrdreg $0xFFFFFFFF  }
0xad: {  	[dreg:$0x0] =	wrdreg $0x60  }
0xae: {  	[dreg:$0x2] =	wrdreg s2  }
0xaf: {  	[dreg:$0x3] =	wrdreg s24  }
0xb0: {  	[dreg:$0x4] =	wrdreg $0xA4000  }
0xb1: {  	[dreg:$0x5] =	wrdreg $0x9  }
0xb2: {  	_ =	task.clear_ibuf [dreg:s7], $0x6FFFF;
	_ =	strace $0x90000049  }
0xb3: {  	s29 =	simm.s32 $0x9;
	_ =	strace $0x8000004B  }
0xb4: {  	_ =	swait.ge [sflag:s29], $0x1  }
0xb5: {  	[sflag:s29] =	ssyncadd.s32 $0xFFFFFFFF  }
0xb6: {  	_ =	strace $0x9000004B  }
0xb7: {  	_ =	sfence  }
0xb8: {  	s30 =	sld [smem:$0x0];
	_ =	sdelay $0x2  }
0xb9: {  	s31 =	sshll.u32 s1, $0xD;
	s1 =	sshrl.u32 s1, $0x2  }
0xba: {  	s3 =	sand.u32 $0x4000, s31;
	s1 =	sadd.s32 s1, s30  }
0xbb: {  	s0 =	sor.u32 s3, s0;
	s1 =	sshll.u32 s1, $0x11  }
0xbc: {  	s0 =	sor.u32 s1, s0  }
0xbd: {  	s0 =	sadd.s32 $0x8F2B, s0  }
0xbe: {  	[sflag:s0] =	ssyncadd.remote.s32 $0x1  }
0xbf: {  	_ =	sfence.sel $0xFFFF  }
0xc0: {  	[dreg:$0x0] =	wrdreg $0xFFFFFFFF;
	(pc) =	sbr.abs _section_cstart, $3  }
0xc1: {  	[dreg:$0x1] =	wrdreg $0xFFFFFFFF  }
0xc2: {  	_ =	task.clear_ibuf [dreg:s7], $0x2FFFF;
	_ =	strace $0x9FFFFFFF  }
0xc3: {  	(tm) =	ssettm $0x7FFFFFFF  }
tec
execute0_lowered:
.L_overlay_start_1:
0x0: {  	(tag) =	ssettag $0x1  }
0x1: {  	s1 =	rddreg [dreg:$0x0]  }
0x2: {  	s0 =	rddreg [dreg:$0x1]  }
0x3: {  	s2 =	rddreg [dreg:$0x2];
	s3 =	simm.s32 $0x0;
	s4 =	srdreg.scid  }
0x4: {  	s5 =	stileid.u32;
	s28 =	simm.s32 $0x180;
	s29 =	simm.s32 $0x380  }
0x5: {  	s30 =	simm.s32 $0x6;
	s31 =	simm.s32 $0x3;
	[smem:$0x7FF] =	sst s3  }
0x6: {  	s4 =	sand.u32 $0x1, s4;
	s6 =	sadd.s32 $0x2000, s0;
	s8 =	smul.u32 $0x3E80, s5  }
0x7: {  	s12 =	sadd.s32 $0xBE00, s0;
	s10 =	sadd.s32 $0x16600, s0;
	s23 =	smul.u32 $0x7D000, s5  }
0x8: {  	s11 =	smul.u32 $0x2710, s5;
	_ =	strace $0x8000004A;
	[dreg:$0xc] =	wrdreg s10  }
0x9: {  	p0 =	sgt.u32 s5, $0x9;
	s7 =	smul.u32 $0x27100, s4;
	[dreg:$0xb] =	wrdreg s12  }
0xa: {  	s9 =	sshll.u32 s4, $0x4;
	s4 =	ssub.s32 $0x2, s4;
	[dreg:$0xa] =	wrdreg s6  }
0xb: {  	s9 =	sor.u32 s5, s9;
	s24 =	sshrl.u32 s4, $0x1;
	s25 =	sshrl.u32 s23, $0x2  }
0xc: {  	s8 =	sadd.s32 s8, s7;
	s9 =	smul.u32 $0x2710, s9;
	s4 =	ssub.s32 s4, s24  }
0xd: {  	s7 =	sadd.s32 s11, s7;
	s0 =	sadd.s32 s8, s0;
	s8 =	sadd.s32 s25, s2  }
0xe: {  	s13 =	sadd.s32 $0x190, s7;
	s17 =	sadd.s32 $0xF0, s7;
	s21 =	sadd.s32 $0xA0, s7  }
0xf: {  	s4 =	smax.u32 s4, $0x1;
	s25 =	sadd.s32 $0x140, s7;
	s7 =	simm.s32 $0x7  }
0x10: {  	s9 =	sshrl.u32 s9, $0x3;
	[dreg:$0xd] =	wrdreg s8;
	s15 =	sshrl.u32 s13, $0x3  }
0x11: {  	s0 =	sadd.s32 $0x1A600, s0;
	s19 =	sshrl.u32 s17, $0x3;
	[dreg:$0x13] =	wrdreg s4  }
0x12: {  	s23 =	sshrl.u32 s21, $0x3;
	[dreg:$0x14] =	wrdreg s25;
	s21 =	simm.s32 $0x400  }
0x13: {  	s25 =	simm.s32 $0x2;
	s26 =	sadd.s32 s6, s9;
	[dreg:$0x12] =	wrdreg s0  }
0x14: {  	s4 =	simm.s32 $0x9;
	s10 =	sadd.s32 s12, s9;
	[dreg:$0xe] =	wrdreg s26  }
0x15: {  	s11 =	sadd.s32 $0xA, s9;
	s16 =	sadd.s32 s15, s12;
	[dreg:$0xf] =	wrdreg s10  }
0x16: {  	s18 =	sadd.s32 s15, s6;
	s20 =	sadd.s32 s19, s12;
	[dreg:$0x4] =	wrdreg s16  }
0x17: {  	s22 =	sadd.s32 s19, s6;
	s24 =	sadd.s32 s23, s12;
	[dreg:$0x5] =	wrdreg s18  }
0x18: {  	s19 =	simm.s32 $0x1;
	s0 =	simm.s32 $0x5400;
	[dreg:$0x6] =	wrdreg s20  }
0x19: {  	s9 =	simm.s32 $0x7C00;
	s14 =	sadd.s32 s6, s11;
	[dreg:$0x7] =	wrdreg s22  }
0x1a: {  	s8 =	sadd.s32 s12, s11;
	[dreg:$0x8] =	wrdreg s24;
	s26 =	sadd.s32 s23, s6  }
0x1b: {  	s20 =	simm.s32 $0x50;
	s22 =	simm.s32 $0x100;
	s23 =	simm.s32 $0x300  }
0x1c: {  	s24 =	simm.s32 $0x5;
	s10 =	simm.s32 $0xA;
	[dreg:$0x10] =	wrdreg s14  }
0x1d: {  	s11 =	simm.s32 $0x8;
	s12 =	simm.s32 $0x0;
	[dreg:$0x11] =	wrdreg s8  }
0x1e: {  	[dreg:$0x9] =	wrdreg s26;
	s26 =	simm.s32 $0x2C00;
	s8 =	simm.s32 $0x4  }
.LBB2_1:
0x1f: {  	[dreg:$0x15] =	wrdreg s12;
	s5 =	stileid.u32  }
0x20: {  	s12 =	sshll.u32 @!p0 s5, $0x6;
	s5 =	rddreg [dreg:$0xd]  }
0x21: {  	s6 =	sor.u32 @!p0 $0x1C0D, s12;
	s12 =	sshrl.u32 @!p0 s5, $0x3;
	s5 =	rddreg [dreg:$0xc]  }
0x22: {  	[dreg:$0x16] =	wrdreg s6  }
0x23: {  	[dreg:$0x17] =	wrdreg s12  }
0x24: {  	[spmem:s12], [sflag:s6] =	dma.local @!p0 [hbm:s5], $0x3E80  }
0x25: {  	s12 =	simm.s32 @!p0 $0xD  }
0x26: {  	_ =	swait.ge @!p0 [sflag:s12], $0x3E80  }
0x27: {  	[sflag:s12] =	ssyncset.done @!p0 $0x0  }
0x28: {  	[sflag:s12] =	ssyncadd.s32 @!p0 $0xFFFFC180  }
0x29: {  	[bflag:$0x0] =	sbarrier.arrive $0xFFFF  }
0x2a: {  	s15 =	rddreg [dreg:$0xe]  }
0x2b: {  	[tilespmem:s3], [sflag:$0x1] =	stream.linear.gather [hbm4b:s15+s3], $0x50, $0x38;
	[tilespmem:$0x1DC80] =	vst v63  }
0x2c: {  	s16 =	rddreg [dreg:$0xf];
	s15 =	simm.s32 $0x200  }
0x2d: {  	[tilespmem:s15], [sflag:$0x1] =	stream.linear.gather [hbm4b:s16+s3], $0x50, $0x38;
	[tilespmem:$0x1DC80] =	vst v63  }
0x2e: {  	s18 =	simm.s32 $0x80;
	s17 =	rddreg [dreg:$0x10]  }
0x2f: {  	[tilespmem:s18], [sflag:$0x2] =	stream.linear.gather [hbm4b:s17+s3], $0x50, $0x38;
	[tilespmem:$0x1DC80] =	vst v63  }
0x30: {  	s12 =	rddreg [dreg:$0x11];
	s16 =	simm.s32 $0x280  }
0x31: {  	[tilespmem:s16], [sflag:$0x2] =	stream.linear.gather [hbm4b:s12+s3], $0x50, $0x38;
	[tilespmem:$0x1DC80] =	vst v63  }
0x32: {  	_ =	swait.ge [sflag:s19], $0x50  }
0x33: {  	[sflag:s19] =	ssyncset.done $0x0  }
0x34: {  	[sflag:s19] =	ssyncadd.s32 $0xFFFFFFB0  }
0x35: {  	p1 =	por $0x1, $0x1;
	_ =	swait.ge [sflag:s19], $0x50  }
0x36: {  	p1 =	por p1, p1;
	[sflag:s19] =	ssyncset.done $0x0  }
0x37: {  	s12 =	simm.s32 @!p1 $0xB;
	[sflag:s19] =	ssyncadd.s32 $0xFFFFFFB0  }
0x38: {  	[tilespmem:s21], [sflag:$0x5] =	stream.indirect.gather [hbm4b:s1+s20], $0x80, s3, s20, $0xb8;
	[tilespmem:$0x1DC80] =	vst v63  }
0x39: {  	_ =	swait.ge @!p1 [sflag:s12], $0x2800  }
0x3a: {  	s13 =	rddreg [dreg:$0x9];
	[sflag:s12] =	ssyncset.done @!p1 $0x0  }
0x3b: {  	s14 =	rddreg [dreg:$0x8];
	[sflag:s12] =	ssyncadd.s32 @!p1 $0xFFFFD800;
	s13 =	sadd.s32 $0x0, s13  }
0x3c: {  	[tilespmem:s22], [sflag:$0x3] =	stream.linear.gather [hbm4b:s13+s3], $0x50, $0x38;
	[tilespmem:$0x1DC80] =	vst v63  }
0x3d: {  	s17 =	sadd.s32 $0x0, s14  }
0x3e: {  	[tilespmem:s23], [sflag:$0x3] =	stream.linear.gather [hbm4b:s17+s3], $0x50, $0x38;
	[tilespmem:$0x1DC80] =	vst v63  }
0x3f: {  	_ =	swait.ge [sflag:s24], $0x2800  }
0x40: {  	[sflag:s24] =	ssyncset.done $0x0  }
0x41: {  	[sflag:s24] =	ssyncadd.s32 $0xFFFFD800  }
0x42: {  	[spmem:s2] =	stream.indirect.scatter.add.f32 [tilespmem:s21], [sflag:$0x9], $0x80, s15, s20, $0xb8;
	[tilespmem:$0x1DC80] =	vst v63  }
0x43: {  	_ =	swait.ge [sflag:s25], $0x50  }
0x44: {  	[sflag:s25] =	ssyncset.done $0x0  }
0x45: {  	[sflag:s25] =	ssyncadd.s32 $0xFFFFFFB0  }
0x46: {  	_ =	swait.ge [sflag:s25], $0x50  }
0x47: {  	[sflag:s25] =	ssyncset.done $0x0  }
0x48: {  	s12 =	simm.s32 @!p1 $0xC;
	[sflag:s25] =	ssyncadd.s32 $0xFFFFFFB0  }
0x49: {  	[tilespmem:s26], [sflag:$0x6] =	stream.indirect.gather [hbm4b:s1+s20], $0x80, s18, s20, $0xb8;
	[tilespmem:$0x1DC80] =	vst v63  }
0x4a: {  	_ =	swait.ge @!p1 [sflag:s12], $0x2800  }
0x4b: {  	s18 =	rddreg [dreg:$0x7];
	[sflag:s12] =	ssyncset.done @!p1 $0x0  }
0x4c: {  	s5 =	rddreg [dreg:$0x6];
	[sflag:s12] =	ssyncadd.s32 @!p1 $0xFFFFD800;
	s6 =	sadd.s32 $0x0, s18  }
0x4d: {  	[tilespmem:s28], [sflag:$0x4] =	stream.linear.gather [hbm4b:s6+s3], $0x50, $0x38;
	[tilespmem:$0x1DC80] =	vst v63  }
0x4e: {  	s13 =	sadd.s32 $0x0, s5  }
0x4f: {  	[tilespmem:s29], [sflag:$0x4] =	stream.linear.gather [hbm4b:s13+s3], $0x50, $0x38;
	[tilespmem:$0x1DC80] =	vst v63  }
0x50: {  	_ =	swait.ge [sflag:s30], $0x2800  }
0x51: {  	[sflag:s30] =	ssyncset.done $0x0  }
0x52: {  	[sflag:s30] =	ssyncadd.s32 $0xFFFFD800  }
0x53: {  	[spmem:s2] =	stream.indirect.scatter.add.f32 [tilespmem:s26], [sflag:$0xA], $0x80, s16, s20, $0xb8;
	[tilespmem:$0x1DC80] =	vst v63  }
0x54: {  	_ =	swait.ge [sflag:s31], $0x50  }
0x55: {  	[sflag:s31] =	ssyncset.done $0x0  }
0x56: {  	[sflag:s31] =	ssyncadd.s32 $0xFFFFFFB0  }
0x57: {  	_ =	swait.ge [sflag:s31], $0x50  }
0x58: {  	[sflag:s31] =	ssyncset.done $0x0  }
0x59: {  	[sflag:s31] =	ssyncadd.s32 $0xFFFFFFB0  }
0x5a: {  	[tilespmem:s0], [sflag:$0x7] =	stream.indirect.gather [hbm4b:s1+s20], $0x80, s22, s20, $0xb8;
	[tilespmem:$0x1DC80] =	vst v63  }
0x5b: {  	_ =	swait.ge [sflag:s4], $0x2800  }
0x5c: {  	s6 =	rddreg [dreg:$0x14]  }
0x5d: {  	[sflag:s4] =	ssyncset.done $0x0;
	s16 =	rddreg [dreg:$0xa];
	s14 =	sshrl.u32 s6, $0x3  }
0x5e: {  	s18 =	rddreg [dreg:$0xb];
	[sflag:s4] =	ssyncadd.s32 $0xFFFFD800;
	s17 =	sadd.s32 s16, s14  }
0x5f: {  	[tilespmem:s3], [sflag:$0x1] =	stream.linear.gather [hbm4b:s17+s3], $0x50, $0x38;
	[tilespmem:$0x1DC80] =	vst v63  }
0x60: {  	s12 =	sadd.s32 s18, s14  }
0x61: {  	[tilespmem:s15], [sflag:$0x1] =	stream.linear.gather [hbm4b:s12+s3], $0x50, $0x38;
	[tilespmem:$0x1DC80] =	vst v63  }
0x62: {  	_ =	swait.ge [sflag:s7], $0x2800  }
0x63: {  	[sflag:s7] =	ssyncset.done $0x0  }
0x64: {  	[sflag:s7] =	ssyncadd.s32 $0xFFFFD800  }
0x65: {  	[spmem:s2] =	stream.indirect.scatter.add.f32 [tilespmem:s0], [sflag:$0xB], $0x80, s23, s20, $0xb8;
	[tilespmem:$0x1DC80] =	vst v63  }
0x66: {  	_ =	swait.ge [sflag:s8], $0x50  }
0x67: {  	[sflag:s8] =	ssyncset.done $0x0  }
0x68: {  	[sflag:s8] =	ssyncadd.s32 $0xFFFFFFB0  }
0x69: {  	_ =	swait.ge [sflag:s8], $0x50  }
0x6a: {  	[sflag:s8] =	ssyncset.done $0x0  }
0x6b: {  	p1 =	por $0x0, $0x0;
	[sflag:s8] =	ssyncadd.s32 $0xFFFFFFB0  }
0x6c: {  	[tilespmem:s9], [sflag:$0x8] =	stream.indirect.gather [hbm4b:s1+s20], $0x80, s28, s20, $0xb8;
	[tilespmem:$0x1DC80] =	vst v63  }
0x6d: {  	s14 =	simm.s32 @!p1 $0x0;
	_ =	swait.ge [sflag:s10], $0x2800  }
0x6e: {  	s15 =	simm.s32 @!p1 $0x80;
	s12 =	rddreg [dreg:$0x5];
	[sflag:s10] =	ssyncset.done $0x0  }
0x6f: {  	s13 =	rddreg [dreg:$0x4];
	[sflag:s10] =	ssyncadd.s32 $0xFFFFD800;
	s12 =	sadd.s32 @!p1 $0x0, s12  }
0x70: {  	[tilespmem:s15], [sflag:$0x2] =	stream.linear.gather @!p1 [hbm4b:s12+s14], $0x50, $0x38;
	[tilespmem:$0x1DC80] =	vst v63  }
0x71: {  	s13 =	sadd.s32 @!p1 $0x0, s13;
	s12 =	simm.s32 @!p1 $0x280  }
0x72: {  	[tilespmem:s12], [sflag:$0x2] =	stream.linear.gather @!p1 [hbm4b:s13+s14], $0x50, $0x38;
	[tilespmem:$0x1DC80] =	vst v63  }
0x73: {  	_ =	swait.ge [sflag:s11], $0x2800  }
0x74: {  	[sflag:s11] =	ssyncset.done $0x0  }
0x75: {  	[sflag:s11] =	ssyncadd.s32 $0xFFFFD800  }
0x76: {  	[spmem:s2] =	stream.indirect.scatter.add.f32 [tilespmem:s9], [sflag:$0xC], $0x80, s29, s20, $0xb8;
	[tilespmem:$0x1DC80] =	vst v63  }
0x77: {  	_ =	swait.ge [sflag:s19], $0x50  }
0x78: {  	[sflag:s19] =	ssyncset.done $0x0  }
0x79: {  	p6 =	por $0x0, $0x0;
	[sflag:s19] =	ssyncadd.s32 $0xFFFFFFB0  }
0x7a: {  	s15 =	simm.s32 $0x28;
	s13 =	simm.s32 $0x50;
	_ =	swait.ge [sflag:s19], $0x50  }
0x7b: {  	p1 =	por p6, p6;
	s12 =	sadd.s32 $0x140, s6;
	[sflag:s19] =	ssyncset.done $0x0  }
.LBB2_2:
0x7c: {  	s17 =	simm.s32 @!p1 $0xB;
	[sflag:s19] =	ssyncadd.s32 $0xFFFFFFB0  }
0x7d: {  	[tilespmem:s21], [sflag:$0x5] =	stream.indirect.gather [hbm4b:s1+s20], $0x80, s3, s20, $0xb8;
	[tilespmem:$0x1DC80] =	vst v63  }
0x7e: {  	_ =	swait.ge @!p1 [sflag:s17], $0x2800  }
0x7f: {  	s18 =	rddreg [dreg:$0x9];
	[sflag:s17] =	ssyncset.done @!p1 $0x0  }
0x80: {  	s5 =	rddreg [dreg:$0x8];
	[sflag:s17] =	ssyncadd.s32 @!p1 $0xFFFFD800;
	s16 =	sadd.s32 s15, s18  }
0x81: {  	[tilespmem:s22], [sflag:$0x3] =	stream.linear.gather [hbm4b:s16+s3], $0x50, $0x38;
	[tilespmem:$0x1DC80] =	vst v63  }
0x82: {  	s5 =	sadd.s32 s15, s5  }
0x83: {  	[tilespmem:s23], [sflag:$0x3] =	stream.linear.gather [hbm4b:s5+s3], $0x50, $0x38;
	[tilespmem:$0x1DC80] =	vst v63  }
0x84: {  	_ =	swait.ge [sflag:s24], $0x2800  }
0x85: {  	[sflag:s24] =	ssyncset.done $0x0  }
0x86: {  	s16 =	simm.s32 $0x200;
	[sflag:s24] =	ssyncadd.s32 $0xFFFFD800  }
0x87: {  	[spmem:s2] =	stream.indirect.scatter.add.f32 [tilespmem:s21], [sflag:$0x9], $0x80, s16, s20, $0xb8;
	[tilespmem:$0x1DC80] =	vst v63  }
0x88: {  	_ =	swait.ge [sflag:s25], $0x50  }
0x89: {  	[sflag:s25] =	ssyncset.done $0x0  }
0x8a: {  	[sflag:s25] =	ssyncadd.s32 $0xFFFFFFB0  }
0x8b: {  	_ =	swait.ge [sflag:s25], $0x50  }
0x8c: {  	[sflag:s25] =	ssyncset.done $0x0  }
0x8d: {  	s6 =	simm.s32 $0x80;
	s5 =	simm.s32 @!p1 $0xC;
	[sflag:s25] =	ssyncadd.s32 $0xFFFFFFB0  }
0x8e: {  	[tilespmem:s26], [sflag:$0x6] =	stream.indirect.gather [hbm4b:s1+s20], $0x80, s6, s20, $0xb8;
	[tilespmem:$0x1DC80] =	vst v63  }
0x8f: {  	_ =	swait.ge @!p1 [sflag:s5], $0x2800  }
0x90: {  	s18 =	rddreg [dreg:$0x7];
	[sflag:s5] =	ssyncset.done @!p1 $0x0  }
0x91: {  	s6 =	rddreg [dreg:$0x6];
	[sflag:s5] =	ssyncadd.s32 @!p1 $0xFFFFD800;
	s17 =	sadd.s32 s15, s18  }
0x92: {  	[tilespmem:s28], [sflag:$0x4] =	stream.linear.gather [hbm4b:s17+s3], $0x50, $0x38;
	[tilespmem:$0x1DC80] =	vst v63  }
0x93: {  	s6 =	sadd.s32 s15, s6  }
0x94: {  	[tilespmem:s29], [sflag:$0x4] =	stream.linear.gather [hbm4b:s6+s3], $0x50, $0x38;
	[tilespmem:$0x1DC80] =	vst v63  }
0x95: {  	_ =	swait.ge [sflag:s30], $0x2800  }
0x96: {  	[sflag:s30] =	ssyncset.done $0x0  }
0x97: {  	s17 =	simm.s32 $0x280;
	[sflag:s30] =	ssyncadd.s32 $0xFFFFD800  }
0x98: {  	[spmem:s2] =	stream.indirect.scatter.add.f32 [tilespmem:s26], [sflag:$0xA], $0x80, s17, s20, $0xb8;
	[tilespmem:$0x1DC80] =	vst v63  }
0x99: {  	_ =	swait.ge [sflag:s31], $0x50  }
0x9a: {  	[sflag:s31] =	ssyncset.done $0x0  }
0x9b: {  	[sflag:s31] =	ssyncadd.s32 $0xFFFFFFB0  }
0x9c: {  	_ =	swait.ge [sflag:s31], $0x50  }
0x9d: {  	[sflag:s31] =	ssyncset.done $0x0  }
0x9e: {  	[sflag:s31] =	ssyncadd.s32 $0xFFFFFFB0  }
0x9f: {  	[tilespmem:s0], [sflag:$0x7] =	stream.indirect.gather [hbm4b:s1+s20], $0x80, s22, s20, $0xb8;
	[tilespmem:$0x1DC80] =	vst v63  }
0xa0: {  	_ =	swait.ge [sflag:s4], $0x2800  }
0xa1: {  	s5 =	sshrl.u32 s12, $0x3;
	[sflag:s4] =	ssyncset.done $0x0;
	s18 =	rddreg [dreg:$0xa]  }
0xa2: {  	[sflag:s4] =	ssyncadd.s32 $0xFFFFD800;
	s6 =	sadd.s32 s18, s5;
	s18 =	rddreg [dreg:$0xb]  }
0xa3: {  	[tilespmem:s3], [sflag:$0x1] =	stream.linear.gather [hbm4b:s6+s3], $0x50, $0x38;
	[tilespmem:$0x1DC80] =	vst v63  }
0xa4: {  	s5 =	sadd.s32 s18, s5  }
0xa5: {  	[tilespmem:s16], [sflag:$0x1] =	stream.linear.gather [hbm4b:s5+s3], $0x50, $0x38;
	[tilespmem:$0x1DC80] =	vst v63  }
0xa6: {  	_ =	swait.ge [sflag:s7], $0x2800  }
0xa7: {  	[sflag:s7] =	ssyncset.done $0x0  }
0xa8: {  	[sflag:s7] =	ssyncadd.s32 $0xFFFFD800  }
0xa9: {  	[spmem:s2] =	stream.indirect.scatter.add.f32 [tilespmem:s0], [sflag:$0xB], $0x80, s23, s20, $0xb8;
	[tilespmem:$0x1DC80] =	vst v63  }
0xaa: {  	_ =	swait.ge [sflag:s8], $0x50  }
0xab: {  	[sflag:s8] =	ssyncset.done $0x0  }
0xac: {  	[sflag:s8] =	ssyncadd.s32 $0xFFFFFFB0  }
0xad: {  	_ =	swait.ge [sflag:s8], $0x50  }
0xae: {  	p3 =	seq.s32 s13, $0x0;
	[sflag:s8] =	ssyncset.done $0x0  }
0xaf: {  	p1 =	por p3, p3;
	p3 =	seq.s32 s15, $0x4B0;
	[sflag:s8] =	ssyncadd.s32 $0xFFFFFFB0  }
0xb0: {  	[tilespmem:s9], [sflag:$0x8] =	stream.indirect.gather [hbm4b:s1+s20], $0x80, s28, s20, $0xb8;
	[tilespmem:$0x1DC80] =	vst v63  }
0xb1: {  	s18 =	simm.s32 @!p3 $0x0;
	_ =	swait.ge [sflag:s10], $0x2800  }
0xb2: {  	s6 =	simm.s32 @!p3 $0x80;
	s5 =	rddreg [dreg:$0x5];
	[sflag:s10] =	ssyncset.done $0x0  }
0xb3: {  	s17 =	rddreg [dreg:$0x4];
	[sflag:s10] =	ssyncadd.s32 $0xFFFFD800;
	s5 =	sadd.s32 @!p3 s15, s5  }
0xb4: {  	[tilespmem:s6], [sflag:$0x2] =	stream.linear.gather @!p3 [hbm4b:s5+s18], $0x50, $0x38;
	[tilespmem:$0x1DC80] =	vst v63  }
0xb5: {  	s16 =	simm.s32 @!p3 $0x280;
	s5 =	sadd.s32 @!p3 s15, s17  }
0xb6: {  	[tilespmem:s16], [sflag:$0x2] =	stream.linear.gather @!p3 [hbm4b:s5+s18], $0x50, $0x38;
	[tilespmem:$0x1DC80] =	vst v63  }
0xb7: {  	_ =	swait.ge [sflag:s11], $0x2800  }
0xb8: {  	s14 =	smov.u32 s13;
	s13 =	sadd.s32 $0x28, s13;
	[sflag:s11] =	ssyncset.done $0x0  }
0xb9: {  	p2 =	sne.s32 s13, $0x4D8;
	[sflag:s11] =	ssyncadd.s32 $0xFFFFD800  }
0xba: {  	[spmem:s2] =	stream.indirect.scatter.add.f32 [tilespmem:s9], [sflag:$0xC], $0x80, s29, s20, $0xb8;
	[tilespmem:$0x1DC80] =	vst v63  }
.Ltmp0:
0xbb: {  	_ =	swait.ge [sflag:s19], $0x50;
	(pc) =	sbr.rel @p2 .LBB2_2-.Ltmp0, $4  }
0xbc: {  	[sflag:s19] =	ssyncset.done $0x0  }
0xbd: {  	[sflag:s19] =	ssyncadd.s32 $0xFFFFFFB0  }
0xbe: {  	_ =	swait.ge [sflag:s19], $0x50  }
0xbf: {  	s12 =	sadd.s32 $0x140, s12;
	s15 =	smov.u32 s14;
	[sflag:s19] =	ssyncset.done $0x0  }
0xc0: {  	s5 =	simm.s32 @!p1 $0xB;
	[sflag:s19] =	ssyncadd.s32 $0xFFFFFFB0  }
0xc1: {  	[tilespmem:s21], [sflag:$0x5] =	stream.indirect.gather [hbm4b:s1+s20], $0x80, s3, s20, $0xb8;
	[tilespmem:$0x1DC80] =	vst v63  }
0xc2: {  	_ =	swait.ge @!p1 [sflag:s5], $0x2800  }
0xc3: {  	s6 =	rddreg [dreg:$0x9];
	[sflag:s5] =	ssyncset.done @!p1 $0x0  }
0xc4: {  	s13 =	rddreg [dreg:$0x8];
	[sflag:s5] =	ssyncadd.s32 @!p1 $0xFFFFD800;
	s6 =	sadd.s32 s15, s6  }
0xc5: {  	[tilespmem:s22], [sflag:$0x3] =	stream.linear.gather [hbm4b:s6+s3], $0x50, $0x38;
	[tilespmem:$0x1DC80] =	vst v63  }
0xc6: {  	s14 =	sadd.s32 s15, s13  }
0xc7: {  	[tilespmem:s23], [sflag:$0x3] =	stream.linear.gather [hbm4b:s14+s3], $0x50, $0x38;
	[tilespmem:$0x1DC80] =	vst v63  }
0xc8: {  	_ =	swait.ge [sflag:s24], $0x2800  }
0xc9: {  	[sflag:s24] =	ssyncset.done $0x0  }
0xca: {  	s14 =	simm.s32 $0x200;
	[sflag:s24] =	ssyncadd.s32 $0xFFFFD800  }
0xcb: {  	[spmem:s2] =	stream.indirect.scatter.add.f32 [tilespmem:s21], [sflag:$0x9], $0x80, s14, s20, $0xb8;
	[tilespmem:$0x1DC80] =	vst v63  }
0xcc: {  	_ =	swait.ge [sflag:s25], $0x50  }
0xcd: {  	[sflag:s25] =	ssyncset.done $0x0  }
0xce: {  	[sflag:s25] =	ssyncadd.s32 $0xFFFFFFB0  }
0xcf: {  	_ =	swait.ge [sflag:s25], $0x50  }
0xd0: {  	[sflag:s25] =	ssyncset.done $0x0  }
0xd1: {  	s16 =	simm.s32 $0x80;
	s5 =	simm.s32 @!p1 $0xC;
	[sflag:s25] =	ssyncadd.s32 $0xFFFFFFB0  }
0xd2: {  	[tilespmem:s26], [sflag:$0x6] =	stream.indirect.gather [hbm4b:s1+s20], $0x80, s16, s20, $0xb8;
	[tilespmem:$0x1DC80] =	vst v63  }
0xd3: {  	_ =	swait.ge @!p1 [sflag:s5], $0x2800  }
0xd4: {  	s17 =	rddreg [dreg:$0x7];
	[sflag:s5] =	ssyncset.done @!p1 $0x0  }
0xd5: {  	s18 =	rddreg [dreg:$0x6];
	[sflag:s5] =	ssyncadd.s32 @!p1 $0xFFFFD800;
	s6 =	sadd.s32 s15, s17  }
0xd6: {  	[tilespmem:s28], [sflag:$0x4] =	stream.linear.gather [hbm4b:s6+s3], $0x50, $0x38;
	[tilespmem:$0x1DC80] =	vst v63  }
0xd7: {  	s16 =	sadd.s32 s15, s18  }
0xd8: {  	[tilespmem:s29], [sflag:$0x4] =	stream.linear.gather [hbm4b:s16+s3], $0x50, $0x38;
	[tilespmem:$0x1DC80] =	vst v63  }
0xd9: {  	_ =	swait.ge [sflag:s30], $0x2800  }
0xda: {  	[sflag:s30] =	ssyncset.done $0x0  }
0xdb: {  	s17 =	simm.s32 $0x280;
	[sflag:s30] =	ssyncadd.s32 $0xFFFFD800  }
0xdc: {  	[spmem:s2] =	stream.indirect.scatter.add.f32 [tilespmem:s26], [sflag:$0xA], $0x80, s17, s20, $0xb8;
	[tilespmem:$0x1DC80] =	vst v63  }
0xdd: {  	_ =	swait.ge [sflag:s31], $0x50  }
0xde: {  	[sflag:s31] =	ssyncset.done $0x0  }
0xdf: {  	[sflag:s31] =	ssyncadd.s32 $0xFFFFFFB0  }
0xe0: {  	_ =	swait.ge [sflag:s31], $0x50  }
0xe1: {  	[sflag:s31] =	ssyncset.done $0x0  }
0xe2: {  	[sflag:s31] =	ssyncadd.s32 $0xFFFFFFB0  }
0xe3: {  	[tilespmem:s0], [sflag:$0x7] =	stream.indirect.gather [hbm4b:s1+s20], $0x80, s22, s20, $0xb8;
	[tilespmem:$0x1DC80] =	vst v63  }
0xe4: {  	_ =	swait.ge [sflag:s4], $0x2800  }
0xe5: {  	s18 =	sshrl.u32 s12, $0x3;
	[sflag:s4] =	ssyncset.done $0x0;
	s12 =	rddreg [dreg:$0xa]  }
0xe6: {  	s13 =	rddreg [dreg:$0xb];
	[sflag:s4] =	ssyncadd.s32 $0xFFFFD800;
	s6 =	sadd.s32 s12, s18  }
0xe7: {  	[tilespmem:s3], [sflag:$0x1] =	stream.linear.gather [hbm4b:s6+s3], $0x50, $0x38;
	[tilespmem:$0x1DC80] =	vst v63  }
0xe8: {  	s5 =	sadd.s32 s13, s18  }
0xe9: {  	[tilespmem:s14], [sflag:$0x1] =	stream.linear.gather [hbm4b:s5+s3], $0x50, $0x38;
	[tilespmem:$0x1DC80] =	vst v63  }
0xea: {  	_ =	swait.ge [sflag:s7], $0x2800  }
0xeb: {  	[sflag:s7] =	ssyncset.done $0x0  }
0xec: {  	[sflag:s7] =	ssyncadd.s32 $0xFFFFD800  }
0xed: {  	[spmem:s2] =	stream.indirect.scatter.add.f32 [tilespmem:s0], [sflag:$0xB], $0x80, s23, s20, $0xb8;
	[tilespmem:$0x1DC80] =	vst v63  }
0xee: {  	_ =	swait.ge [sflag:s8], $0x50  }
0xef: {  	[sflag:s8] =	ssyncset.done $0x0  }
0xf0: {  	[sflag:s8] =	ssyncadd.s32 $0xFFFFFFB0  }
0xf1: {  	_ =	swait.ge [sflag:s8], $0x50  }
0xf2: {  	[sflag:s8] =	ssyncset.done $0x0  }
0xf3: {  	p1 =	seq.s32 s15, $0x4B0;
	[sflag:s8] =	ssyncadd.s32 $0xFFFFFFB0  }
0xf4: {  	[tilespmem:s9], [sflag:$0x8] =	stream.indirect.gather [hbm4b:s1+s20], $0x80, s28, s20, $0xb8;
	[tilespmem:$0x1DC80] =	vst v63  }
0xf5: {  	s12 =	simm.s32 @!p1 $0x0;
	_ =	swait.ge [sflag:s10], $0x2800  }
0xf6: {  	s13 =	simm.s32 @!p1 $0x80;
	s5 =	rddreg [dreg:$0x5];
	[sflag:s10] =	ssyncset.done $0x0  }
0xf7: {  	s6 =	rddreg [dreg:$0x4];
	[sflag:s10] =	ssyncadd.s32 $0xFFFFD800;
	s5 =	sadd.s32 @!p1 s15, s5  }
0xf8: {  	[tilespmem:s13], [sflag:$0x2] =	stream.linear.gather @!p1 [hbm4b:s5+s12], $0x50, $0x38;
	[tilespmem:$0x1DC80] =	vst v63  }
0xf9: {  	s5 =	sadd.s32 @!p1 s15, s6;
	s6 =	simm.s32 @!p1 $0x280  }
0xfa: {  	[tilespmem:s6], [sflag:$0x2] =	stream.linear.gather @!p1 [hbm4b:s5+s12], $0x50, $0x38;
	[tilespmem:$0x1DC80] =	vst v63  }
0xfb: {  	_ =	swait.ge [sflag:s11], $0x2800  }
0xfc: {  	[sflag:s11] =	ssyncset.done $0x0  }
0xfd: {  	[sflag:s11] =	ssyncadd.s32 $0xFFFFD800  }
0xfe: {  	[spmem:s2] =	stream.indirect.scatter.add.f32 [tilespmem:s9], [sflag:$0xC], $0x80, s29, s20, $0xb8;
	[tilespmem:$0x1DC80] =	vst v63  }
0xff: {  	_ =	swait.ge [sflag:s19], $0x50  }
0x100: {  	[sflag:s19] =	ssyncset.done $0x0  }
0x101: {  	[sflag:s19] =	ssyncadd.s32 $0xFFFFFFB0  }
0x102: {  	_ =	swait.ge [sflag:s19], $0x50  }
0x103: {  	[sflag:s19] =	ssyncset.done $0x0  }
0x104: {  	s15 =	simm.s32 $0xB;
	[sflag:s19] =	ssyncadd.s32 $0xFFFFFFB0  }
0x105: {  	[tilespmem:s21], [sflag:$0x5] =	stream.indirect.gather [hbm4b:s1+s20], $0x80, s3, s20, $0xb8;
	[tilespmem:$0x1DC80] =	vst v63  }
0x106: {  	_ =	swait.ge [sflag:s15], $0x2800  }
0x107: {  	[sflag:s15] =	ssyncset.done $0x0  }
0x108: {  	[sflag:s15] =	ssyncadd.s32 $0xFFFFD800  }
0x109: {  	_ =	swait.ge [sflag:s24], $0x2800  }
0x10a: {  	[sflag:s24] =	ssyncset.done $0x0  }
0x10b: {  	s16 =	simm.s32 $0xC;
	[sflag:s24] =	ssyncadd.s32 $0xFFFFD800  }
0x10c: {  	[spmem:s2] =	stream.indirect.scatter.add.f32 [tilespmem:s21], [sflag:$0x9], $0x80, s14, s20, $0xb8;
	[tilespmem:$0x1DC80] =	vst v63  }
0x10d: {  	_ =	swait.ge [sflag:s16], $0x2800  }
0x10e: {  	[sflag:s16] =	ssyncset.done $0x0  }
0x10f: {  	[sflag:s16] =	ssyncadd.s32 $0xFFFFD800  }
0x110: {  	_ =	swait.ge [sflag:s4], $0x2800  }
0x111: {  	[sflag:s4] =	ssyncset.done $0x0  }
0x112: {  	[sflag:s4] =	ssyncadd.s32 $0xFFFFD800  }
0x113: {  	[bflag:$0x0] =	sbarrier.arrive $0xFFFF  }
0x114: {  	s5 =	rddreg [dreg:$0x12]  }
0x115: {  	s6 =	rddreg [dreg:$0x16]  }
0x116: {  	s12 =	rddreg [dreg:$0x17]  }
0x117: {  	[hbm:s5], [sflag:s6] =	dma.local @!p0 [spmem:s12], $0x3E80  }
0x118: {  	s5 =	simm.s32 @!p0 $0xD  }
0x119: {  	_ =	swait.ge @!p0 [sflag:s5], $0x3E80  }
0x11a: {  	s17 =	rddreg [dreg:$0x15]  }
0x11b: {  	s18 =	rddreg [dreg:$0x13];
	s12 =	sadd.s32 $0x1, s17  }
0x11c: {  	p1 =	sne.s32 s12, s18  }
.Ltmp1:
0x11d: {  	_ = 	snop;
	(pc) =	sbr.rel @p1 .LBB2_1-.Ltmp1, $3  }
0x11e: {  	_ =	sdelay $0x1  }
0x11f: {  	[sflag:s5] =	ssyncset.done @!p0 $0x0  }
0x120: {  	[sflag:s5] =	ssyncadd.s32 @!p0 $0xFFFFC180  }
0x121: {  	_ =	sfence.sel $0x180000  }
0x122: {  	[bflag:$0x0] =	sbarrier.arrive $0xFFFF  }
0x123: {  	_ =	strace $0x9000004A  }
0x124: {  	s0 =	stileid.u32;
	[bflag:$0x2] =	sbarrier.arrive $0xFFFF  }
0x125: {  	p0 =	sne.s32 s0, $0x0;
	s0 =	rddreg [dreg:$0x3]  }
0x126: {  	s0 =	sadd.s32 @!p0 $0x100000, s0  }
0x127: {  	[sflag:s0] =	ssyncadd.tile.s32 @!p0 $0x1;
	_ =	shalt  }
.Lfunc_end2:
_tile_overlayer_lowered:
.L_overlay_start_2:
0x128: {  	(tag) =	ssettag $0x2  }
0x129: {  	s0 =	rddreg [dreg:$0x0];
	s2 =	stileid.u32  }
0x12a: {  	s1 =	rddreg [dreg:$0x1];
	p0 =	sne.s32 s2, $0x0  }
0x12b: {  	s3 =	rddreg [dreg:$0x2];
	[bflag:$0x3] =	sbarrier.arrive $0xFFFF;
	s2 =	simm.s32 @!p0 $0x1C0D  }
0x12c: {  	[timem:s3], [sflag:s2] =	dma.local @!p0 [hbm:s0], s1  }
0x12d: {  	s0 =	simm.s32 @!p0 $0xD  }
0x12e: {  	_ =	swait.ge @!p0 [sflag:s0], s1  }
0x12f: {  	s1 =	ssub.s32 @!p0 $0x0, s1;
	[sflag:s0] =	ssyncset.done @!p0 $0x0  }
0x130: {  	[sflag:s0] =	ssyncadd.s32 @!p0 s1  }
0x131: {  	[bflag:$0x3] =	sbarrier.arrive $0xFFFF  }
0x132: {  	_ =	shalt  }

// kernel: kernel.15.cloned.1.call-start
scs
__scs_entry_jumppad:
0x0: {  	(pc) =	sbr.rel $0x88, $3  }
0x1: {  	(tag) =	ssettag $0x0;
	lr =	simm.s32 $0x1  }
0x2: {  	[smem:$0x3F9B] =	sst lr;
	_ =	strace $0xD0000000  }
0x3: {  	_ = 	snop  }
0x4: {  	_ = 	snop  }
0x5: {  	_ = 	snop  }
0x6: {  	_ = 	snop  }
0x7: {  	_ = 	snop  }
__scs_overlays_trampoline_lowered:
0x8: {  	[smem:$0x3FAA] =	sst s0  }
0x9: {  	[smem:$0x3FAB] =	sst s1  }
0xa: {  	[smem:$0x3FAC] =	sst s2  }
0xb: {  	[smem:$0x3FAD] =	sst s3  }
0xc: {  	[smem:$0x3FAE] =	sst s4  }
0xd: {  	[smem:$0x3FAF] =	sst s5  }
0xe: {  	[smem:$0x3FB0] =	sst s6  }
0xf: {  	[smem:$0x3FB1] =	sst s7  }
0x10: {  	[smem:$0x3FB2] =	sst s8  }
0x11: {  	[smem:$0x3FB3] =	sst s9;
	s0 =	simm.s32 @!p0 $0x0  }
0x12: {  	s1 =	sld [smem:$0x3F99];
	s0 =	simm.s32 @p0 $0x1  }
0x13: {  	[smem:$0x3FB4] =	sst s0;
	s0 =	simm.s32 @!p1 $0x0  }
0x14: {  	s2 =	sld [smem:$0x3F98];
	s0 =	simm.s32 @p1 $0x1  }
0x15: {  	[smem:$0x3FB5] =	sst s0;
	s0 =	simm.s32 @!p2 $0x0  }
0x16: {  	s3 =	sld [smem:$0x3FDB];
	s0 =	simm.s32 @p2 $0x1  }
0x17: {  	s4 =	simm.s32 $0x1BF5;
	[smem:$0x3FB7] =	sst s0  }
0x18: {  	s0 =	sld [smem:$0x3F9A];
	_ =	swait.ge [sflag:s4], $0x0  }
0x19: {  	s7 =	sld [smem:$0x3F9B]  }
0x1a: {  	s8 =	sadd.s32 $0xFFFFE003, lr  }
0x1b: {  	s9 =	sadd.s32 $0xFFFFFEF7, lr;
	s5 =	simm.s32 $0xFFFFFFFF;
	p2 =	slt.u32 s8, $0xFFFFF086  }
0x1c: {  	p1 =	slt.u32 s9, $0xF7A;
	s5 =	simm.s32 @!p2 $0x0  }
0x1d: {  	s5 =	simm.s32 @p1 $0x1;
	p0 =	seq.s32 s7, s2  }
0x1e: {  	s7 =	smul.u32 @!p0 $0xF7A, s2;
	p2 =	seq.s32 @!p0 s5, $0x0  }
0x1f: {  	s9 =	smul.u32 $0xF7A, s1;
	s8 =	simm.s32 @!p0 $0x1BF5;
	p2 =	por !p2, p0  }
0x20: {  	[sflag:s8] =	ssyncset.s32 @!p0 $0xFFFFF086;
	s6 =	sadd.s32 @!p0 s3, s7;
	s7 =	simm.s32 @!p0 $0x108  }
0x21: {  	s3 =	sadd.s32 s3, s9;
	s6 =	sadd.s32 @!p0 $0x88, s6;
	s7 =	simm.s32 @p2 $0x1082  }
0x22: {  	[simem:s7], [sflag:s8] =	dma.local @!p0 [hbm:s6], $0xF7A  }
0x23: {  	s9 =	sor.u32 $0xD0000000, s2;
	s6 =	simm.s32 $0x108;
	_ =	swait.ge @!p0 [sflag:s8], $0x0  }
0x24: {  	s3 =	sadd.s32 $0x88, s3;
	s6 =	simm.s32 @!p1 $0x1082;
	[sflag:s4] =	ssyncset.s32 $0xFFFFF086  }
0x25: {  	[simem:s6], [sflag:s4] =	dma.local [hbm:s3], $0xF7A  }
0x26: {  	[smem:$0x3F9B] =	sst s1;
	(tag) =	ssettag s2;
	_ =	strace s9  }
0x27: {  	s1 =	sld [smem:$0x3FAB]  }
0x28: {  	s2 =	sld [smem:$0x3FAC]  }
0x29: {  	s4 =	sld [smem:$0x3FAE]  }
0x2a: {  	p0 =	seq.s32 s5, $0x0;
	s5 =	sld [smem:$0x3FAF]  }
0x2b: {  	s6 =	sld [smem:$0x3FB0]  }
0x2c: {  	s7 =	sld [smem:$0x3FB1]  }
0x2d: {  	s3 =	simm.s32 $0x108;
	s8 =	sld [smem:$0x3FB2]  }
0x2e: {  	s3 =	simm.s32 @!p0 $0x1082;
	s9 =	sld [smem:$0x3FB3]  }
0x2f: {  	lr =	sadd.s32 s0, s3;
	s0 =	sld [smem:$0x3FAA]  }
0x30: {  	s3 =	sld [smem:$0x3FAD]  }
0x31: {  	[smem:$0x3FB6] =	sst s10  }
0x32: {  	s10 =	sld [smem:$0x3FB4];
	_ =	sdelay $0x3  }
0x33: {  	p0 =	seq.s32 s10, $0x1;
	s10 =	sld [smem:$0x3FB6];
	_ =	sdelay $0x3  }
0x34: {  	[smem:$0x3FB6] =	sst s10  }
0x35: {  	s10 =	sld [smem:$0x3FB5];
	_ =	sdelay $0x3  }
0x36: {  	p1 =	seq.s32 s10, $0x1;
	s10 =	sld [smem:$0x3FB6];
	_ =	sdelay $0x3  }
0x37: {  	[smem:$0x3FB6] =	sst s10  }
0x38: {  	s10 =	sld [smem:$0x3FB7]  }
0x39: {  	_ = 	snop;
	(pc) =	sbr.ind lr, $3  }
0x3a: {  	_ = 	snop  }
0x3b: {  	_ = 	snop  }
0x3c: {  	p2 =	seq.s32 s10, $0x1;
	s10 =	sld [smem:$0x3FB6]  }
0x3d: {  	_ =	shalt  }
0x3e: {  	_ =	shalt  }
0x3f: {  	_ =	shalt  }
0x40: {  	_ =	shalt  }
0x41: {  	_ =	shalt  }
0x42: {  	_ =	shalt  }
0x43: {  	_ =	shalt  }
0x44: {  	_ =	shalt  }
0x45: {  	_ =	shalt  }
0x46: {  	_ =	shalt  }
0x47: {  	_ =	shalt  }
0x48: {  	_ =	shalt  }
0x49: {  	_ =	shalt  }
0x4a: {  	_ =	shalt  }
0x4b: {  	_ =	shalt  }
0x4c: {  	_ =	shalt  }
0x4d: {  	_ =	shalt  }
0x4e: {  	_ =	shalt  }
0x4f: {  	_ =	shalt  }
0x50: {  	_ =	shalt  }
0x51: {  	_ =	shalt  }
0x52: {  	_ =	shalt  }
0x53: {  	_ =	shalt  }
0x54: {  	_ =	shalt  }
0x55: {  	_ =	shalt  }
0x56: {  	_ =	shalt  }
0x57: {  	_ =	shalt  }
0x58: {  	_ =	shalt  }
0x59: {  	_ =	shalt  }
0x5a: {  	_ =	shalt  }
0x5b: {  	_ =	shalt  }
0x5c: {  	_ =	shalt  }
0x5d: {  	_ =	shalt  }
0x5e: {  	_ =	shalt  }
0x5f: {  	_ =	shalt  }
0x60: {  	_ =	shalt  }
0x61: {  	_ =	shalt  }
0x62: {  	_ =	shalt  }
0x63: {  	_ =	shalt  }
0x64: {  	_ =	shalt  }
0x65: {  	_ =	shalt  }
0x66: {  	_ =	shalt  }
0x67: {  	_ =	shalt  }
0x68: {  	_ =	shalt  }
0x69: {  	_ =	shalt  }
0x6a: {  	_ =	shalt  }
0x6b: {  	_ =	shalt  }
0x6c: {  	_ =	shalt  }
0x6d: {  	_ =	shalt  }
0x6e: {  	_ =	shalt  }
0x6f: {  	_ =	shalt  }
0x70: {  	_ =	shalt  }
0x71: {  	_ =	shalt  }
0x72: {  	_ =	shalt  }
0x73: {  	_ =	shalt  }
0x74: {  	_ =	shalt  }
0x75: {  	_ =	shalt  }
0x76: {  	_ =	shalt  }
0x77: {  	_ =	shalt  }
0x78: {  	_ =	shalt  }
0x79: {  	_ =	shalt  }
0x7a: {  	_ =	shalt  }
0x7b: {  	_ =	shalt  }
0x7c: {  	_ =	shalt  }
0x7d: {  	_ =	shalt  }
0x7e: {  	_ =	shalt  }
0x7f: {  	_ =	shalt  }
0x80: {  	_ =	shalt  }
0x81: {  	_ =	shalt  }
0x82: {  	_ =	shalt  }
0x83: {  	_ =	shalt  }
0x84: {  	_ =	shalt  }
0x85: {  	_ =	shalt  }
0x86: {  	_ =	shalt  }
0x87: {  	_ =	shalt  }
.Lfunc_end0:
.L_simem_size_0:
called_computation.2_lowered:
.L_overlay_start_0:
0x88: {  	s2 =	sld [smem:$0x3FD9]  }
0x89: {  	s3 =	sld [smem:$0x3FFE];
	_ =	sdelay $0x1  }
0x8a: {  	s1 =	srdreg.scid  }
0x8b: {  	s0 =	sand.u32 $0x1, s1  }
0x8c: {  	s17 =	sshll.u32 s0, $0xA;
	s2 =	sadd.s32 s3, s2  }
0x8d: {  	s2 =	sadd.s32 s2, s17  }
0x8e: {  	[smem:$0x3FC2] =	sst s2  }
0x8f: {  	_ = 	snop  }
0x90: {  	s2 =	sld [smem:$0x3FD0];
	(tm) =	ssettm $0x1  }
0x91: {  	s18 =	sld [smem:$0x3FFB];
	_ =	sdelay $0x3  }
0x92: {  	_ =	strace s18  }
0x93: {  	s3 =	sld [smem:$0x3FFC];
	_ =	sdelay $0x3  }
0x94: {  	_ =	strace s3  }
0x95: {  	s3 =	sld [smem:$0x3FFD];
	_ =	sdelay $0x3  }
0x96: {  	_ =	strace s3  }
0x97: {  	_ =	strace $0x8FFFFFFF  }
0x98: {  	s19 =	sld [smem:$0x3FDB];
	_ =	sdelay $0x1  }
0x99: {  	s4 =	simm.s32 $_scs_section_size  }
0x9a: {  	s5 =	simm.s32 $_size__tile_overlayer_lowered;
	s6 =	simm.s32 $_tile_overlayer_lowered  }
0x9b: {  	s22 =	simm.s32 $0x1BFF;
	s21 =	sshll.u32 s6, $0x1;
	s3 =	sadd.s32 s4, s19  }
0x9c: {  	s7 =	simm.s32 $0x0;
	s20 =	sshll.u32 s5, $0x1;
	s5 =	sadd.s32 s21, s3  }
0x9d: {  	[timem:s7], [sflag:s22] =	dma.local [hbm:s5], s20  }
0x9e: {  	_ =	swait.ge [sflag:s22], s20  }
0x9f: {  	s4 =	ssub.s32 $0x0, s20;
	[sflag:s22] =	ssyncset.done $0x0  }
0xa0: {  	[sflag:s22] =	ssyncadd.s32 s4;
	_ =	sdelay $0x1  }
0xa1: {  	s23 =	simm.s32 $0x1B8B  }
0xa2: {  	_ =	swait.ge [sflag:s23], $0x1  }
0xa3: {  	[sflag:s23] =	ssyncset.done $0x0  }
0xa4: {  	s25 =	simm.s32 $0x1B8E;
	s24 =	sld [smem:$0x3FFE];
	[sflag:s23] =	ssyncadd.s32 $0xFFFFFFFF  }
0xa5: {  	s26 =	simm.s32 $execute0_lowered;
	[smem:$0x3FD2] =	sst s25  }
0xa6: {  	s5 =	sshll.u32 s26, $0x1;
	_ =	strace $0x8000004C;
	[dreg:$0x1] =	wrdreg $0xFFFFFFFF  }
0xa7: {  	s28 =	simm.s32 $_size_execute0_lowered;
	s3 =	sadd.s32 s3, s5;
	[dreg:$0x0] =	wrdreg $0x0  }
0xa8: {  	s5 =	sshll.u32 s28, $0x1;
	[dreg:$0x2] =	wrdreg s3  }
0xa9: {  	[dreg:$0x3] =	wrdreg s5  }
0xaa: {  	[dreg:$0x4] =	wrdreg $0xC0  }
0xab: {  	_ =	task [dreg:s7], $0x5FFFF  }
0xac: {  	[dreg:$0x1] =	wrdreg $0xFFFFFFFF  }
0xad: {  	[dreg:$0x0] =	wrdreg $0x60  }
0xae: {  	[dreg:$0x2] =	wrdreg s2  }
0xaf: {  	[dreg:$0x3] =	wrdreg s24  }
0xb0: {  	[dreg:$0x4] =	wrdreg $0xA4000  }
0xb1: {  	[dreg:$0x5] =	wrdreg $0x9  }
0xb2: {  	_ =	task.clear_ibuf [dreg:s7], $0x6FFFF;
	_ =	strace $0x9000004C  }
0xb3: {  	s29 =	simm.s32 $0x9;
	_ =	strace $0x8000004E  }
0xb4: {  	_ =	swait.ge [sflag:s29], $0x1  }
0xb5: {  	[sflag:s29] =	ssyncadd.s32 $0xFFFFFFFF  }
0xb6: {  	_ =	strace $0x9000004E  }
0xb7: {  	_ =	sfence  }
0xb8: {  	s30 =	sld [smem:$0x0];
	_ =	sdelay $0x2  }
0xb9: {  	s31 =	sshll.u32 s1, $0xD;
	s1 =	sshrl.u32 s1, $0x2  }
0xba: {  	s3 =	sand.u32 $0x4000, s31;
	s1 =	sadd.s32 s1, s30  }
0xbb: {  	s0 =	sor.u32 s3, s0;
	s1 =	sshll.u32 s1, $0x11  }
0xbc: {  	s0 =	sor.u32 s1, s0  }
0xbd: {  	s0 =	sadd.s32 $0x8F2B, s0  }
0xbe: {  	[sflag:s0] =	ssyncadd.remote.s32 $0x1  }
0xbf: {  	_ =	sfence.sel $0xFFFF  }
0xc0: {  	[dreg:$0x0] =	wrdreg $0xFFFFFFFF;
	(pc) =	sbr.abs _section_cstart, $3  }
0xc1: {  	[dreg:$0x1] =	wrdreg $0xFFFFFFFF  }
0xc2: {  	_ =	task.clear_ibuf [dreg:s7], $0x2FFFF;
	_ =	strace $0x9FFFFFFF  }
0xc3: {  	(tm) =	ssettm $0x7FFFFFFF  }
tec
execute0_lowered:
.L_overlay_start_1:
0x0: {  	(tag) =	ssettag $0x1  }
0x1: {  	s1 =	rddreg [dreg:$0x0]  }
0x2: {  	s0 =	rddreg [dreg:$0x1]  }
0x3: {  	s2 =	rddreg [dreg:$0x2];
	s3 =	simm.s32 $0x0;
	s4 =	srdreg.scid  }
0x4: {  	s5 =	stileid.u32;
	s28 =	simm.s32 $0x180;
	s29 =	simm.s32 $0x380  }
0x5: {  	s30 =	simm.s32 $0x6;
	s31 =	simm.s32 $0x3;
	[smem:$0x7FF] =	sst s3  }
0x6: {  	s4 =	sand.u32 $0x1, s4;
	s6 =	sadd.s32 $0x2000, s0;
	s8 =	smul.u32 $0x3E80, s5  }
0x7: {  	s12 =	sadd.s32 $0xBE00, s0;
	s10 =	sadd.s32 $0x16600, s0;
	s23 =	smul.u32 $0x7D000, s5  }
0x8: {  	s11 =	smul.u32 $0x2710, s5;
	_ =	strace $0x8000004D;
	[dreg:$0xc] =	wrdreg s10  }
0x9: {  	p0 =	sgt.u32 s5, $0x9;
	s7 =	smul.u32 $0x27100, s4;
	[dreg:$0xb] =	wrdreg s12  }
0xa: {  	s9 =	sshll.u32 s4, $0x4;
	s4 =	ssub.s32 $0x2, s4;
	[dreg:$0xa] =	wrdreg s6  }
0xb: {  	s9 =	sor.u32 s5, s9;
	s24 =	sshrl.u32 s4, $0x1;
	s25 =	sshrl.u32 s23, $0x2  }
0xc: {  	s8 =	sadd.s32 s8, s7;
	s9 =	smul.u32 $0x2710, s9;
	s4 =	ssub.s32 s4, s24  }
0xd: {  	s7 =	sadd.s32 s11, s7;
	s0 =	sadd.s32 s8, s0;
	s8 =	sadd.s32 s25, s2  }
0xe: {  	s13 =	sadd.s32 $0x190, s7;
	s17 =	sadd.s32 $0xF0, s7;
	s21 =	sadd.s32 $0xA0, s7  }
0xf: {  	s4 =	smax.u32 s4, $0x1;
	s25 =	sadd.s32 $0x140, s7;
	s7 =	simm.s32 $0x7  }
0x10: {  	s9 =	sshrl.u32 s9, $0x3;
	[dreg:$0xd] =	wrdreg s8;
	s15 =	sshrl.u32 s13, $0x3  }
0x11: {  	s0 =	sadd.s32 $0x1A600, s0;
	s19 =	sshrl.u32 s17, $0x3;
	[dreg:$0x13] =	wrdreg s4  }
0x12: {  	s23 =	sshrl.u32 s21, $0x3;
	[dreg:$0x14] =	wrdreg s25;
	s21 =	simm.s32 $0x400  }
0x13: {  	s25 =	simm.s32 $0x2;
	s26 =	sadd.s32 s6, s9;
	[dreg:$0x12] =	wrdreg s0  }
0x14: {  	s4 =	simm.s32 $0x9;
	s10 =	sadd.s32 s12, s9;
	[dreg:$0xe] =	wrdreg s26  }
0x15: {  	s11 =	sadd.s32 $0xA, s9;
	s16 =	sadd.s32 s15, s12;
	[dreg:$0xf] =	wrdreg s10  }
0x16: {  	s18 =	sadd.s32 s15, s6;
	s20 =	sadd.s32 s19, s12;
	[dreg:$0x4] =	wrdreg s16  }
0x17: {  	s22 =	sadd.s32 s19, s6;
	s24 =	sadd.s32 s23, s12;
	[dreg:$0x5] =	wrdreg s18  }
0x18: {  	s19 =	simm.s32 $0x1;
	s0 =	simm.s32 $0x5400;
	[dreg:$0x6] =	wrdreg s20  }
0x19: {  	s9 =	simm.s32 $0x7C00;
	s14 =	sadd.s32 s6, s11;
	[dreg:$0x7] =	wrdreg s22  }
0x1a: {  	s8 =	sadd.s32 s12, s11;
	[dreg:$0x8] =	wrdreg s24;
	s26 =	sadd.s32 s23, s6  }
0x1b: {  	s20 =	simm.s32 $0x50;
	s22 =	simm.s32 $0x100;
	s23 =	simm.s32 $0x300  }
0x1c: {  	s24 =	simm.s32 $0x5;
	s10 =	simm.s32 $0xA;
	[dreg:$0x10] =	wrdreg s14  }
0x1d: {  	s11 =	simm.s32 $0x8;
	s12 =	simm.s32 $0x0;
	[dreg:$0x11] =	wrdreg s8  }
0x1e: {  	[dreg:$0x9] =	wrdreg s26;
	s26 =	simm.s32 $0x2C00;
	s8 =	simm.s32 $0x4  }
.LBB2_1:
0x1f: {  	[dreg:$0x15] =	wrdreg s12;
	s5 =	stileid.u32  }
0x20: {  	s12 =	sshll.u32 @!p0 s5, $0x6;
	s5 =	rddreg [dreg:$0xd]  }
0x21: {  	s6 =	sor.u32 @!p0 $0x1C0D, s12;
	s12 =	sshrl.u32 @!p0 s5, $0x3;
	s5 =	rddreg [dreg:$0xc]  }
0x22: {  	[dreg:$0x16] =	wrdreg s6  }
0x23: {  	[dreg:$0x17] =	wrdreg s12  }
0x24: {  	[spmem:s12], [sflag:s6] =	dma.local @!p0 [hbm:s5], $0x3E80  }
0x25: {  	s12 =	simm.s32 @!p0 $0xD  }
0x26: {  	_ =	swait.ge @!p0 [sflag:s12], $0x3E80  }
0x27: {  	[sflag:s12] =	ssyncset.done @!p0 $0x0  }
0x28: {  	[sflag:s12] =	ssyncadd.s32 @!p0 $0xFFFFC180  }
0x29: {  	[bflag:$0x0] =	sbarrier.arrive $0xFFFF  }
0x2a: {  	s15 =	rddreg [dreg:$0xe]  }
0x2b: {  	[tilespmem:s3], [sflag:$0x1] =	stream.linear.gather [hbm4b:s15+s3], $0x50, $0x38;
	[tilespmem:$0x1DC80] =	vst v63  }
0x2c: {  	s16 =	rddreg [dreg:$0xf];
	s15 =	simm.s32 $0x200  }
0x2d: {  	[tilespmem:s15], [sflag:$0x1] =	stream.linear.gather [hbm4b:s16+s3], $0x50, $0x38;
	[tilespmem:$0x1DC80] =	vst v63  }
0x2e: {  	s18 =	simm.s32 $0x80;
	s17 =	rddreg [dreg:$0x10]  }
0x2f: {  	[tilespmem:s18], [sflag:$0x2] =	stream.linear.gather [hbm4b:s17+s3], $0x50, $0x38;
	[tilespmem:$0x1DC80] =	vst v63  }
0x30: {  	s12 =	rddreg [dreg:$0x11];
	s16 =	simm.s32 $0x280  }
0x31: {  	[tilespmem:s16], [sflag:$0x2] =	stream.linear.gather [hbm4b:s12+s3], $0x50, $0x38;
	[tilespmem:$0x1DC80] =	vst v63  }
0x32: {  	_ =	swait.ge [sflag:s19], $0x50  }
0x33: {  	[sflag:s19] =	ssyncset.done $0x0  }
0x34: {  	[sflag:s19] =	ssyncadd.s32 $0xFFFFFFB0  }
0x35: {  	p1 =	por $0x1, $0x1;
	_ =	swait.ge [sflag:s19], $0x50  }
0x36: {  	p1 =	por p1, p1;
	[sflag:s19] =	ssyncset.done $0x0  }
0x37: {  	s12 =	simm.s32 @!p1 $0xB;
	[sflag:s19] =	ssyncadd.s32 $0xFFFFFFB0  }
0x38: {  	[tilespmem:s21], [sflag:$0x5] =	stream.indirect.gather [hbm4b:s1+s20], $0x80, s3, s20, $0xb8;
	[tilespmem:$0x1DC80] =	vst v63  }
0x39: {  	_ =	swait.ge @!p1 [sflag:s12], $0x2800  }
0x3a: {  	s13 =	rddreg [dreg:$0x9];
	[sflag:s12] =	ssyncset.done @!p1 $0x0  }
0x3b: {  	s14 =	rddreg [dreg:$0x8];
	[sflag:s12] =	ssyncadd.s32 @!p1 $0xFFFFD800;
	s13 =	sadd.s32 $0x0, s13  }
0x3c: {  	[tilespmem:s22], [sflag:$0x3] =	stream.linear.gather [hbm4b:s13+s3], $0x50, $0x38;
	[tilespmem:$0x1DC80] =	vst v63  }
0x3d: {  	s17 =	sadd.s32 $0x0, s14  }
0x3e: {  	[tilespmem:s23], [sflag:$0x3] =	stream.linear.gather [hbm4b:s17+s3], $0x50, $0x38;
	[tilespmem:$0x1DC80] =	vst v63  }
0x3f: {  	_ =	swait.ge [sflag:s24], $0x2800  }
0x40: {  	[sflag:s24] =	ssyncset.done $0x0  }
0x41: {  	[sflag:s24] =	ssyncadd.s32 $0xFFFFD800  }
0x42: {  	[spmem:s2] =	stream.indirect.scatter.add.f32 [tilespmem:s21], [sflag:$0x9], $0x80, s15, s20, $0xb8;
	[tilespmem:$0x1DC80] =	vst v63  }
0x43: {  	_ =	swait.ge [sflag:s25], $0x50  }
0x44: {  	[sflag:s25] =	ssyncset.done $0x0  }
0x45: {  	[sflag:s25] =	ssyncadd.s32 $0xFFFFFFB0  }
0x46: {  	_ =	swait.ge [sflag:s25], $0x50  }
0x47: {  	[sflag:s25] =	ssyncset.done $0x0  }
0x48: {  	s12 =	simm.s32 @!p1 $0xC;
	[sflag:s25] =	ssyncadd.s32 $0xFFFFFFB0  }
0x49: {  	[tilespmem:s26], [sflag:$0x6] =	stream.indirect.gather [hbm4b:s1+s20], $0x80, s18, s20, $0xb8;
	[tilespmem:$0x1DC80] =	vst v63  }
0x4a: {  	_ =	swait.ge @!p1 [sflag:s12], $0x2800  }
0x4b: {  	s18 =	rddreg [dreg:$0x7];
	[sflag:s12] =	ssyncset.done @!p1 $0x0  }
0x4c: {  	s5 =	rddreg [dreg:$0x6];
	[sflag:s12] =	ssyncadd.s32 @!p1 $0xFFFFD800;
	s6 =	sadd.s32 $0x0, s18  }
0x4d: {  	[tilespmem:s28], [sflag:$0x4] =	stream.linear.gather [hbm4b:s6+s3], $0x50, $0x38;
	[tilespmem:$0x1DC80] =	vst v63  }
0x4e: {  	s13 =	sadd.s32 $0x0, s5  }
0x4f: {  	[tilespmem:s29], [sflag:$0x4] =	stream.linear.gather [hbm4b:s13+s3], $0x50, $0x38;
	[tilespmem:$0x1DC80] =	vst v63  }
0x50: {  	_ =	swait.ge [sflag:s30], $0x2800  }
0x51: {  	[sflag:s30] =	ssyncset.done $0x0  }
0x52: {  	[sflag:s30] =	ssyncadd.s32 $0xFFFFD800  }
0x53: {  	[spmem:s2] =	stream.indirect.scatter.add.f32 [tilespmem:s26], [sflag:$0xA], $0x80, s16, s20, $0xb8;
	[tilespmem:$0x1DC80] =	vst v63  }
0x54: {  	_ =	swait.ge [sflag:s31], $0x50  }
0x55: {  	[sflag:s31] =	ssyncset.done $0x0  }
0x56: {  	[sflag:s31] =	ssyncadd.s32 $0xFFFFFFB0  }
0x57: {  	_ =	swait.ge [sflag:s31], $0x50  }
0x58: {  	[sflag:s31] =	ssyncset.done $0x0  }
0x59: {  	[sflag:s31] =	ssyncadd.s32 $0xFFFFFFB0  }
0x5a: {  	[tilespmem:s0], [sflag:$0x7] =	stream.indirect.gather [hbm4b:s1+s20], $0x80, s22, s20, $0xb8;
	[tilespmem:$0x1DC80] =	vst v63  }
0x5b: {  	_ =	swait.ge [sflag:s4], $0x2800  }
0x5c: {  	s6 =	rddreg [dreg:$0x14]  }
0x5d: {  	[sflag:s4] =	ssyncset.done $0x0;
	s16 =	rddreg [dreg:$0xa];
	s14 =	sshrl.u32 s6, $0x3  }
0x5e: {  	s18 =	rddreg [dreg:$0xb];
	[sflag:s4] =	ssyncadd.s32 $0xFFFFD800;
	s17 =	sadd.s32 s16, s14  }
0x5f: {  	[tilespmem:s3], [sflag:$0x1] =	stream.linear.gather [hbm4b:s17+s3], $0x50, $0x38;
	[tilespmem:$0x1DC80] =	vst v63  }
0x60: {  	s12 =	sadd.s32 s18, s14  }
0x61: {  	[tilespmem:s15], [sflag:$0x1] =	stream.linear.gather [hbm4b:s12+s3], $0x50, $0x38;
	[tilespmem:$0x1DC80] =	vst v63  }
0x62: {  	_ =	swait.ge [sflag:s7], $0x2800  }
0x63: {  	[sflag:s7] =	ssyncset.done $0x0  }
0x64: {  	[sflag:s7] =	ssyncadd.s32 $0xFFFFD800  }
0x65: {  	[spmem:s2] =	stream.indirect.scatter.add.f32 [tilespmem:s0], [sflag:$0xB], $0x80, s23, s20, $0xb8;
	[tilespmem:$0x1DC80] =	vst v63  }
0x66: {  	_ =	swait.ge [sflag:s8], $0x50  }
0x67: {  	[sflag:s8] =	ssyncset.done $0x0  }
0x68: {  	[sflag:s8] =	ssyncadd.s32 $0xFFFFFFB0  }
0x69: {  	_ =	swait.ge [sflag:s8], $0x50  }
0x6a: {  	[sflag:s8] =	ssyncset.done $0x0  }
0x6b: {  	p1 =	por $0x0, $0x0;
	[sflag:s8] =	ssyncadd.s32 $0xFFFFFFB0  }
0x6c: {  	[tilespmem:s9], [sflag:$0x8] =	stream.indirect.gather [hbm4b:s1+s20], $0x80, s28, s20, $0xb8;
	[tilespmem:$0x1DC80] =	vst v63  }
0x6d: {  	s14 =	simm.s32 @!p1 $0x0;
	_ =	swait.ge [sflag:s10], $0x2800  }
0x6e: {  	s15 =	simm.s32 @!p1 $0x80;
	s12 =	rddreg [dreg:$0x5];
	[sflag:s10] =	ssyncset.done $0x0  }
0x6f: {  	s13 =	rddreg [dreg:$0x4];
	[sflag:s10] =	ssyncadd.s32 $0xFFFFD800;
	s12 =	sadd.s32 @!p1 $0x0, s12  }
0x70: {  	[tilespmem:s15], [sflag:$0x2] =	stream.linear.gather @!p1 [hbm4b:s12+s14], $0x50, $0x38;
	[tilespmem:$0x1DC80] =	vst v63  }
0x71: {  	s13 =	sadd.s32 @!p1 $0x0, s13;
	s12 =	simm.s32 @!p1 $0x280  }
0x72: {  	[tilespmem:s12], [sflag:$0x2] =	stream.linear.gather @!p1 [hbm4b:s13+s14], $0x50, $0x38;
	[tilespmem:$0x1DC80] =	vst v63  }
0x73: {  	_ =	swait.ge [sflag:s11], $0x2800  }
0x74: {  	[sflag:s11] =	ssyncset.done $0x0  }
0x75: {  	[sflag:s11] =	ssyncadd.s32 $0xFFFFD800  }
0x76: {  	[spmem:s2] =	stream.indirect.scatter.add.f32 [tilespmem:s9], [sflag:$0xC], $0x80, s29, s20, $0xb8;
	[tilespmem:$0x1DC80] =	vst v63  }
0x77: {  	_ =	swait.ge [sflag:s19], $0x50  }
0x78: {  	[sflag:s19] =	ssyncset.done $0x0  }
0x79: {  	p6 =	por $0x0, $0x0;
	[sflag:s19] =	ssyncadd.s32 $0xFFFFFFB0  }
0x7a: {  	s15 =	simm.s32 $0x28;
	s13 =	simm.s32 $0x50;
	_ =	swait.ge [sflag:s19], $0x50  }
0x7b: {  	p1 =	por p6, p6;
	s12 =	sadd.s32 $0x140, s6;
	[sflag:s19] =	ssyncset.done $0x0  }
.LBB2_2:
0x7c: {  	s17 =	simm.s32 @!p1 $0xB;
	[sflag:s19] =	ssyncadd.s32 $0xFFFFFFB0  }
0x7d: {  	[tilespmem:s21], [sflag:$0x5] =	stream.indirect.gather [hbm4b:s1+s20], $0x80, s3, s20, $0xb8;
	[tilespmem:$0x1DC80] =	vst v63  }
0x7e: {  	_ =	swait.ge @!p1 [sflag:s17], $0x2800  }
0x7f: {  	s18 =	rddreg [dreg:$0x9];
	[sflag:s17] =	ssyncset.done @!p1 $0x0  }
0x80: {  	s5 =	rddreg [dreg:$0x8];
	[sflag:s17] =	ssyncadd.s32 @!p1 $0xFFFFD800;
	s16 =	sadd.s32 s15, s18  }
0x81: {  	[tilespmem:s22], [sflag:$0x3] =	stream.linear.gather [hbm4b:s16+s3], $0x50, $0x38;
	[tilespmem:$0x1DC80] =	vst v63  }
0x82: {  	s5 =	sadd.s32 s15, s5  }
0x83: {  	[tilespmem:s23], [sflag:$0x3] =	stream.linear.gather [hbm4b:s5+s3], $0x50, $0x38;
	[tilespmem:$0x1DC80] =	vst v63  }
0x84: {  	_ =	swait.ge [sflag:s24], $0x2800  }
0x85: {  	[sflag:s24] =	ssyncset.done $0x0  }
0x86: {  	s16 =	simm.s32 $0x200;
	[sflag:s24] =	ssyncadd.s32 $0xFFFFD800  }
0x87: {  	[spmem:s2] =	stream.indirect.scatter.add.f32 [tilespmem:s21], [sflag:$0x9], $0x80, s16, s20, $0xb8;
	[tilespmem:$0x1DC80] =	vst v63  }
0x88: {  	_ =	swait.ge [sflag:s25], $0x50  }
0x89: {  	[sflag:s25] =	ssyncset.done $0x0  }
0x8a: {  	[sflag:s25] =	ssyncadd.s32 $0xFFFFFFB0  }
0x8b: {  	_ =	swait.ge [sflag:s25], $0x50  }
0x8c: {  	[sflag:s25] =	ssyncset.done $0x0  }
0x8d: {  	s6 =	simm.s32 $0x80;
	s5 =	simm.s32 @!p1 $0xC;
	[sflag:s25] =	ssyncadd.s32 $0xFFFFFFB0  }
0x8e: {  	[tilespmem:s26], [sflag:$0x6] =	stream.indirect.gather [hbm4b:s1+s20], $0x80, s6, s20, $0xb8;
	[tilespmem:$0x1DC80] =	vst v63  }
0x8f: {  	_ =	swait.ge @!p1 [sflag:s5], $0x2800  }
0x90: {  	s18 =	rddreg [dreg:$0x7];
	[sflag:s5] =	ssyncset.done @!p1 $0x0  }
0x91: {  	s6 =	rddreg [dreg:$0x6];
	[sflag:s5] =	ssyncadd.s32 @!p1 $0xFFFFD800;
	s17 =	sadd.s32 s15, s18  }
0x92: {  	[tilespmem:s28], [sflag:$0x4] =	stream.linear.gather [hbm4b:s17+s3], $0x50, $0x38;
	[tilespmem:$0x1DC80] =	vst v63  }
0x93: {  	s6 =	sadd.s32 s15, s6  }
0x94: {  	[tilespmem:s29], [sflag:$0x4] =	stream.linear.gather [hbm4b:s6+s3], $0x50, $0x38;
	[tilespmem:$0x1DC80] =	vst v63  }
0x95: {  	_ =	swait.ge [sflag:s30], $0x2800  }
0x96: {  	[sflag:s30] =	ssyncset.done $0x0  }
0x97: {  	s17 =	simm.s32 $0x280;
	[sflag:s30] =	ssyncadd.s32 $0xFFFFD800  }
0x98: {  	[spmem:s2] =	stream.indirect.scatter.add.f32 [tilespmem:s26], [sflag:$0xA], $0x80, s17, s20, $0xb8;
	[tilespmem:$0x1DC80] =	vst v63  }
0x99: {  	_ =	swait.ge [sflag:s31], $0x50  }
0x9a: {  	[sflag:s31] =	ssyncset.done $0x0  }
0x9b: {  	[sflag:s31] =	ssyncadd.s32 $0xFFFFFFB0  }
0x9c: {  	_ =	swait.ge [sflag:s31], $0x50  }
0x9d: {  	[sflag:s31] =	ssyncset.done $0x0  }
0x9e: {  	[sflag:s31] =	ssyncadd.s32 $0xFFFFFFB0  }
0x9f: {  	[tilespmem:s0], [sflag:$0x7] =	stream.indirect.gather [hbm4b:s1+s20], $0x80, s22, s20, $0xb8;
	[tilespmem:$0x1DC80] =	vst v63  }
0xa0: {  	_ =	swait.ge [sflag:s4], $0x2800  }
0xa1: {  	s5 =	sshrl.u32 s12, $0x3;
	[sflag:s4] =	ssyncset.done $0x0;
	s18 =	rddreg [dreg:$0xa]  }
0xa2: {  	[sflag:s4] =	ssyncadd.s32 $0xFFFFD800;
	s6 =	sadd.s32 s18, s5;
	s18 =	rddreg [dreg:$0xb]  }
0xa3: {  	[tilespmem:s3], [sflag:$0x1] =	stream.linear.gather [hbm4b:s6+s3], $0x50, $0x38;
	[tilespmem:$0x1DC80] =	vst v63  }
0xa4: {  	s5 =	sadd.s32 s18, s5  }
0xa5: {  	[tilespmem:s16], [sflag:$0x1] =	stream.linear.gather [hbm4b:s5+s3], $0x50, $0x38;
	[tilespmem:$0x1DC80] =	vst v63  }
0xa6: {  	_ =	swait.ge [sflag:s7], $0x2800  }
0xa7: {  	[sflag:s7] =	ssyncset.done $0x0  }
0xa8: {  	[sflag:s7] =	ssyncadd.s32 $0xFFFFD800  }
0xa9: {  	[spmem:s2] =	stream.indirect.scatter.add.f32 [tilespmem:s0], [sflag:$0xB], $0x80, s23, s20, $0xb8;
	[tilespmem:$0x1DC80] =	vst v63  }
0xaa: {  	_ =	swait.ge [sflag:s8], $0x50  }
0xab: {  	[sflag:s8] =	ssyncset.done $0x0  }
0xac: {  	[sflag:s8] =	ssyncadd.s32 $0xFFFFFFB0  }
0xad: {  	_ =	swait.ge [sflag:s8], $0x50  }
0xae: {  	p3 =	seq.s32 s13, $0x0;
	[sflag:s8] =	ssyncset.done $0x0  }
0xaf: {  	p1 =	por p3, p3;
	p3 =	seq.s32 s15, $0x4B0;
	[sflag:s8] =	ssyncadd.s32 $0xFFFFFFB0  }
0xb0: {  	[tilespmem:s9], [sflag:$0x8] =	stream.indirect.gather [hbm4b:s1+s20], $0x80, s28, s20, $0xb8;
	[tilespmem:$0x1DC80] =	vst v63  }
0xb1: {  	s18 =	simm.s32 @!p3 $0x0;
	_ =	swait.ge [sflag:s10], $0x2800  }
0xb2: {  	s6 =	simm.s32 @!p3 $0x80;
	s5 =	rddreg [dreg:$0x5];
	[sflag:s10] =	ssyncset.done $0x0  }
0xb3: {  	s17 =	rddreg [dreg:$0x4];
	[sflag:s10] =	ssyncadd.s32 $0xFFFFD800;
	s5 =	sadd.s32 @!p3 s15, s5  }
0xb4: {  	[tilespmem:s6], [sflag:$0x2] =	stream.linear.gather @!p3 [hbm4b:s5+s18], $0x50, $0x38;
	[tilespmem:$0x1DC80] =	vst v63  }
0xb5: {  	s16 =	simm.s32 @!p3 $0x280;
	s5 =	sadd.s32 @!p3 s15, s17  }
0xb6: {  	[tilespmem:s16], [sflag:$0x2] =	stream.linear.gather @!p3 [hbm4b:s5+s18], $0x50, $0x38;
	[tilespmem:$0x1DC80] =	vst v63  }
0xb7: {  	_ =	swait.ge [sflag:s11], $0x2800  }
0xb8: {  	s14 =	smov.u32 s13;
	s13 =	sadd.s32 $0x28, s13;
	[sflag:s11] =	ssyncset.done $0x0  }
0xb9: {  	p2 =	sne.s32 s13, $0x4D8;
	[sflag:s11] =	ssyncadd.s32 $0xFFFFD800  }
0xba: {  	[spmem:s2] =	stream.indirect.scatter.add.f32 [tilespmem:s9], [sflag:$0xC], $0x80, s29, s20, $0xb8;
	[tilespmem:$0x1DC80] =	vst v63  }
.Ltmp0:
0xbb: {  	_ =	swait.ge [sflag:s19], $0x50;
	(pc) =	sbr.rel @p2 .LBB2_2-.Ltmp0, $4  }
0xbc: {  	[sflag:s19] =	ssyncset.done $0x0  }
0xbd: {  	[sflag:s19] =	ssyncadd.s32 $0xFFFFFFB0  }
0xbe: {  	_ =	swait.ge [sflag:s19], $0x50  }
0xbf: {  	s12 =	sadd.s32 $0x140, s12;
	s15 =	smov.u32 s14;
	[sflag:s19] =	ssyncset.done $0x0  }
0xc0: {  	s5 =	simm.s32 @!p1 $0xB;
	[sflag:s19] =	ssyncadd.s32 $0xFFFFFFB0  }
0xc1: {  	[tilespmem:s21], [sflag:$0x5] =	stream.indirect.gather [hbm4b:s1+s20], $0x80, s3, s20, $0xb8;
	[tilespmem:$0x1DC80] =	vst v63  }
0xc2: {  	_ =	swait.ge @!p1 [sflag:s5], $0x2800  }
0xc3: {  	s6 =	rddreg [dreg:$0x9];
	[sflag:s5] =	ssyncset.done @!p1 $0x0  }
0xc4: {  	s13 =	rddreg [dreg:$0x8];
	[sflag:s5] =	ssyncadd.s32 @!p1 $0xFFFFD800;
	s6 =	sadd.s32 s15, s6  }
0xc5: {  	[tilespmem:s22], [sflag:$0x3] =	stream.linear.gather [hbm4b:s6+s3], $0x50, $0x38;
	[tilespmem:$0x1DC80] =	vst v63  }
0xc6: {  	s14 =	sadd.s32 s15, s13  }
0xc7: {  	[tilespmem:s23], [sflag:$0x3] =	stream.linear.gather [hbm4b:s14+s3], $0x50, $0x38;
	[tilespmem:$0x1DC80] =	vst v63  }
0xc8: {  	_ =	swait.ge [sflag:s24], $0x2800  }
0xc9: {  	[sflag:s24] =	ssyncset.done $0x0  }
0xca: {  	s14 =	simm.s32 $0x200;
	[sflag:s24] =	ssyncadd.s32 $0xFFFFD800  }
0xcb: {  	[spmem:s2] =	stream.indirect.scatter.add.f32 [tilespmem:s21], [sflag:$0x9], $0x80, s14, s20, $0xb8;
	[tilespmem:$0x1DC80] =	vst v63  }
0xcc: {  	_ =	swait.ge [sflag:s25], $0x50  }
0xcd: {  	[sflag:s25] =	ssyncset.done $0x0  }
0xce: {  	[sflag:s25] =	ssyncadd.s32 $0xFFFFFFB0  }
0xcf: {  	_ =	swait.ge [sflag:s25], $0x50  }
0xd0: {  	[sflag:s25] =	ssyncset.done $0x0  }
0xd1: {  	s16 =	simm.s32 $0x80;
	s5 =	simm.s32 @!p1 $0xC;
	[sflag:s25] =	ssyncadd.s32 $0xFFFFFFB0  }
0xd2: {  	[tilespmem:s26], [sflag:$0x6] =	stream.indirect.gather [hbm4b:s1+s20], $0x80, s16, s20, $0xb8;
	[tilespmem:$0x1DC80] =	vst v63  }
0xd3: {  	_ =	swait.ge @!p1 [sflag:s5], $0x2800  }
0xd4: {  	s17 =	rddreg [dreg:$0x7];
	[sflag:s5] =	ssyncset.done @!p1 $0x0  }
0xd5: {  	s18 =	rddreg [dreg:$0x6];
	[sflag:s5] =	ssyncadd.s32 @!p1 $0xFFFFD800;
	s6 =	sadd.s32 s15, s17  }
0xd6: {  	[tilespmem:s28], [sflag:$0x4] =	stream.linear.gather [hbm4b:s6+s3], $0x50, $0x38;
	[tilespmem:$0x1DC80] =	vst v63  }
0xd7: {  	s16 =	sadd.s32 s15, s18  }
0xd8: {  	[tilespmem:s29], [sflag:$0x4] =	stream.linear.gather [hbm4b:s16+s3], $0x50, $0x38;
	[tilespmem:$0x1DC80] =	vst v63  }
0xd9: {  	_ =	swait.ge [sflag:s30], $0x2800  }
0xda: {  	[sflag:s30] =	ssyncset.done $0x0  }
0xdb: {  	s17 =	simm.s32 $0x280;
	[sflag:s30] =	ssyncadd.s32 $0xFFFFD800  }
0xdc: {  	[spmem:s2] =	stream.indirect.scatter.add.f32 [tilespmem:s26], [sflag:$0xA], $0x80, s17, s20, $0xb8;
	[tilespmem:$0x1DC80] =	vst v63  }
0xdd: {  	_ =	swait.ge [sflag:s31], $0x50  }
0xde: {  	[sflag:s31] =	ssyncset.done $0x0  }
0xdf: {  	[sflag:s31] =	ssyncadd.s32 $0xFFFFFFB0  }
0xe0: {  	_ =	swait.ge [sflag:s31], $0x50  }
0xe1: {  	[sflag:s31] =	ssyncset.done $0x0  }
0xe2: {  	[sflag:s31] =	ssyncadd.s32 $0xFFFFFFB0  }
0xe3: {  	[tilespmem:s0], [sflag:$0x7] =	stream.indirect.gather [hbm4b:s1+s20], $0x80, s22, s20, $0xb8;
	[tilespmem:$0x1DC80] =	vst v63  }
0xe4: {  	_ =	swait.ge [sflag:s4], $0x2800  }
0xe5: {  	s18 =	sshrl.u32 s12, $0x3;
	[sflag:s4] =	ssyncset.done $0x0;
	s12 =	rddreg [dreg:$0xa]  }
0xe6: {  	s13 =	rddreg [dreg:$0xb];
	[sflag:s4] =	ssyncadd.s32 $0xFFFFD800;
	s6 =	sadd.s32 s12, s18  }
0xe7: {  	[tilespmem:s3], [sflag:$0x1] =	stream.linear.gather [hbm4b:s6+s3], $0x50, $0x38;
	[tilespmem:$0x1DC80] =	vst v63  }
0xe8: {  	s5 =	sadd.s32 s13, s18  }
0xe9: {  	[tilespmem:s14], [sflag:$0x1] =	stream.linear.gather [hbm4b:s5+s3], $0x50, $0x38;
	[tilespmem:$0x1DC80] =	vst v63  }
0xea: {  	_ =	swait.ge [sflag:s7], $0x2800  }
0xeb: {  	[sflag:s7] =	ssyncset.done $0x0  }
0xec: {  	[sflag:s7] =	ssyncadd.s32 $0xFFFFD800  }
0xed: {  	[spmem:s2] =	stream.indirect.scatter.add.f32 [tilespmem:s0], [sflag:$0xB], $0x80, s23, s20, $0xb8;
	[tilespmem:$0x1DC80] =	vst v63  }
0xee: {  	_ =	swait.ge [sflag:s8], $0x50  }
0xef: {  	[sflag:s8] =	ssyncset.done $0x0  }
0xf0: {  	[sflag:s8] =	ssyncadd.s32 $0xFFFFFFB0  }
0xf1: {  	_ =	swait.ge [sflag:s8], $0x50  }
0xf2: {  	[sflag:s8] =	ssyncset.done $0x0  }
0xf3: {  	p1 =	seq.s32 s15, $0x4B0;
	[sflag:s8] =	ssyncadd.s32 $0xFFFFFFB0  }
0xf4: {  	[tilespmem:s9], [sflag:$0x8] =	stream.indirect.gather [hbm4b:s1+s20], $0x80, s28, s20, $0xb8;
	[tilespmem:$0x1DC80] =	vst v63  }
0xf5: {  	s12 =	simm.s32 @!p1 $0x0;
	_ =	swait.ge [sflag:s10], $0x2800  }
0xf6: {  	s13 =	simm.s32 @!p1 $0x80;
	s5 =	rddreg [dreg:$0x5];
	[sflag:s10] =	ssyncset.done $0x0  }
0xf7: {  	s6 =	rddreg [dreg:$0x4];
	[sflag:s10] =	ssyncadd.s32 $0xFFFFD800;
	s5 =	sadd.s32 @!p1 s15, s5  }
0xf8: {  	[tilespmem:s13], [sflag:$0x2] =	stream.linear.gather @!p1 [hbm4b:s5+s12], $0x50, $0x38;
	[tilespmem:$0x1DC80] =	vst v63  }
0xf9: {  	s5 =	sadd.s32 @!p1 s15, s6;
	s6 =	simm.s32 @!p1 $0x280  }
0xfa: {  	[tilespmem:s6], [sflag:$0x2] =	stream.linear.gather @!p1 [hbm4b:s5+s12], $0x50, $0x38;
	[tilespmem:$0x1DC80] =	vst v63  }
0xfb: {  	_ =	swait.ge [sflag:s11], $0x2800  }
0xfc: {  	[sflag:s11] =	ssyncset.done $0x0  }
0xfd: {  	[sflag:s11] =	ssyncadd.s32 $0xFFFFD800  }
0xfe: {  	[spmem:s2] =	stream.indirect.scatter.add.f32 [tilespmem:s9], [sflag:$0xC], $0x80, s29, s20, $0xb8;
	[tilespmem:$0x1DC80] =	vst v63  }
0xff: {  	_ =	swait.ge [sflag:s19], $0x50  }
0x100: {  	[sflag:s19] =	ssyncset.done $0x0  }
0x101: {  	[sflag:s19] =	ssyncadd.s32 $0xFFFFFFB0  }
0x102: {  	_ =	swait.ge [sflag:s19], $0x50  }
0x103: {  	[sflag:s19] =	ssyncset.done $0x0  }
0x104: {  	s15 =	simm.s32 $0xB;
	[sflag:s19] =	ssyncadd.s32 $0xFFFFFFB0  }
0x105: {  	[tilespmem:s21], [sflag:$0x5] =	stream.indirect.gather [hbm4b:s1+s20], $0x80, s3, s20, $0xb8;
	[tilespmem:$0x1DC80] =	vst v63  }
0x106: {  	_ =	swait.ge [sflag:s15], $0x2800  }
0x107: {  	[sflag:s15] =	ssyncset.done $0x0  }
0x108: {  	[sflag:s15] =	ssyncadd.s32 $0xFFFFD800  }
0x109: {  	_ =	swait.ge [sflag:s24], $0x2800  }
0x10a: {  	[sflag:s24] =	ssyncset.done $0x0  }
0x10b: {  	s16 =	simm.s32 $0xC;
	[sflag:s24] =	ssyncadd.s32 $0xFFFFD800  }
0x10c: {  	[spmem:s2] =	stream.indirect.scatter.add.f32 [tilespmem:s21], [sflag:$0x9], $0x80, s14, s20, $0xb8;
	[tilespmem:$0x1DC80] =	vst v63  }
0x10d: {  	_ =	swait.ge [sflag:s16], $0x2800  }
0x10e: {  	[sflag:s16] =	ssyncset.done $0x0  }
0x10f: {  	[sflag:s16] =	ssyncadd.s32 $0xFFFFD800  }
0x110: {  	_ =	swait.ge [sflag:s4], $0x2800  }
0x111: {  	[sflag:s4] =	ssyncset.done $0x0  }
0x112: {  	[sflag:s4] =	ssyncadd.s32 $0xFFFFD800  }
0x113: {  	[bflag:$0x0] =	sbarrier.arrive $0xFFFF  }
0x114: {  	s5 =	rddreg [dreg:$0x12]  }
0x115: {  	s6 =	rddreg [dreg:$0x16]  }
0x116: {  	s12 =	rddreg [dreg:$0x17]  }
0x117: {  	[hbm:s5], [sflag:s6] =	dma.local @!p0 [spmem:s12], $0x3E80  }
0x118: {  	s5 =	simm.s32 @!p0 $0xD  }
0x119: {  	_ =	swait.ge @!p0 [sflag:s5], $0x3E80  }
0x11a: {  	s17 =	rddreg [dreg:$0x15]  }
0x11b: {  	s18 =	rddreg [dreg:$0x13];
	s12 =	sadd.s32 $0x1, s17  }
0x11c: {  	p1 =	sne.s32 s12, s18  }
.Ltmp1:
0x11d: {  	_ = 	snop;
	(pc) =	sbr.rel @p1 .LBB2_1-.Ltmp1, $3  }
0x11e: {  	_ =	sdelay $0x1  }
0x11f: {  	[sflag:s5] =	ssyncset.done @!p0 $0x0  }
0x120: {  	[sflag:s5] =	ssyncadd.s32 @!p0 $0xFFFFC180  }
0x121: {  	_ =	sfence.sel $0x180000  }
0x122: {  	[bflag:$0x0] =	sbarrier.arrive $0xFFFF  }
0x123: {  	_ =	strace $0x9000004D  }
0x124: {  	s0 =	stileid.u32;
	[bflag:$0x2] =	sbarrier.arrive $0xFFFF  }
0x125: {  	p0 =	sne.s32 s0, $0x0;
	s0 =	rddreg [dreg:$0x3]  }
0x126: {  	s0 =	sadd.s32 @!p0 $0x100000, s0  }
0x127: {  	[sflag:s0] =	ssyncadd.tile.s32 @!p0 $0x1;
	_ =	shalt  }
.Lfunc_end2:
_tile_overlayer_lowered:
.L_overlay_start_2:
0x128: {  	(tag) =	ssettag $0x2  }
0x129: {  	s0 =	rddreg [dreg:$0x0];
	s2 =	stileid.u32  }
0x12a: {  	s1 =	rddreg [dreg:$0x1];
	p0 =	sne.s32 s2, $0x0  }
0x12b: {  	s3 =	rddreg [dreg:$0x2];
	[bflag:$0x3] =	sbarrier.arrive $0xFFFF;
	s2 =	simm.s32 @!p0 $0x1C0D  }
0x12c: {  	[timem:s3], [sflag:s2] =	dma.local @!p0 [hbm:s0], s1  }
0x12d: {  	s0 =	simm.s32 @!p0 $0xD  }
0x12e: {  	_ =	swait.ge @!p0 [sflag:s0], s1  }
0x12f: {  	s1 =	ssub.s32 @!p0 $0x0, s1;
	[sflag:s0] =	ssyncset.done @!p0 $0x0  }
0x130: {  	[sflag:s0] =	ssyncadd.s32 @!p0 s1  }
0x131: {  	[bflag:$0x3] =	sbarrier.arrive $0xFFFF  }
0x132: {  	_ =	shalt  }

// kernel: kernel.9.cloned.1.call-start
scs
__scs_entry_jumppad:
0x0: {  	(pc) =	sbr.rel $0x88, $3  }
0x1: {  	(tag) =	ssettag $0x0;
	lr =	simm.s32 $0x1  }
0x2: {  	[smem:$0x3F9B] =	sst lr;
	_ =	strace $0xD0000000  }
0x3: {  	_ = 	snop  }
0x4: {  	_ = 	snop  }
0x5: {  	_ = 	snop  }
0x6: {  	_ = 	snop  }
0x7: {  	_ = 	snop  }
__scs_overlays_trampoline_lowered:
0x8: {  	[smem:$0x3FAA] =	sst s0  }
0x9: {  	[smem:$0x3FAB] =	sst s1  }
0xa: {  	[smem:$0x3FAC] =	sst s2  }
0xb: {  	[smem:$0x3FAD] =	sst s3  }
0xc: {  	[smem:$0x3FAE] =	sst s4  }
0xd: {  	[smem:$0x3FAF] =	sst s5  }
0xe: {  	[smem:$0x3FB0] =	sst s6  }
0xf: {  	[smem:$0x3FB1] =	sst s7  }
0x10: {  	[smem:$0x3FB2] =	sst s8  }
0x11: {  	[smem:$0x3FB3] =	sst s9;
	s0 =	simm.s32 @!p0 $0x0  }
0x12: {  	s1 =	sld [smem:$0x3F99];
	s0 =	simm.s32 @p0 $0x1  }
0x13: {  	[smem:$0x3FB4] =	sst s0;
	s0 =	simm.s32 @!p1 $0x0  }
0x14: {  	s2 =	sld [smem:$0x3F98];
	s0 =	simm.s32 @p1 $0x1  }
0x15: {  	[smem:$0x3FB5] =	sst s0;
	s0 =	simm.s32 @!p2 $0x0  }
0x16: {  	s3 =	sld [smem:$0x3FDB];
	s0 =	simm.s32 @p2 $0x1  }
0x17: {  	s4 =	simm.s32 $0x1BF5;
	[smem:$0x3FB7] =	sst s0  }
0x18: {  	s0 =	sld [smem:$0x3F9A];
	_ =	swait.ge [sflag:s4], $0x0  }
0x19: {  	s7 =	sld [smem:$0x3F9B]  }
0x1a: {  	s8 =	sadd.s32 $0xFFFFE003, lr  }
0x1b: {  	s9 =	sadd.s32 $0xFFFFFEF7, lr;
	s5 =	simm.s32 $0xFFFFFFFF;
	p2 =	slt.u32 s8, $0xFFFFF086  }
0x1c: {  	p1 =	slt.u32 s9, $0xF7A;
	s5 =	simm.s32 @!p2 $0x0  }
0x1d: {  	s5 =	simm.s32 @p1 $0x1;
	p0 =	seq.s32 s7, s2  }
0x1e: {  	s7 =	smul.u32 @!p0 $0xF7A, s2;
	p2 =	seq.s32 @!p0 s5, $0x0  }
0x1f: {  	s9 =	smul.u32 $0xF7A, s1;
	s8 =	simm.s32 @!p0 $0x1BF5;
	p2 =	por !p2, p0  }
0x20: {  	[sflag:s8] =	ssyncset.s32 @!p0 $0xFFFFF086;
	s6 =	sadd.s32 @!p0 s3, s7;
	s7 =	simm.s32 @!p0 $0x108  }
0x21: {  	s3 =	sadd.s32 s3, s9;
	s6 =	sadd.s32 @!p0 $0x88, s6;
	s7 =	simm.s32 @p2 $0x1082  }
0x22: {  	[simem:s7], [sflag:s8] =	dma.local @!p0 [hbm:s6], $0xF7A  }
0x23: {  	s9 =	sor.u32 $0xD0000000, s2;
	s6 =	simm.s32 $0x108;
	_ =	swait.ge @!p0 [sflag:s8], $0x0  }
0x24: {  	s3 =	sadd.s32 $0x88, s3;
	s6 =	simm.s32 @!p1 $0x1082;
	[sflag:s4] =	ssyncset.s32 $0xFFFFF086  }
0x25: {  	[simem:s6], [sflag:s4] =	dma.local [hbm:s3], $0xF7A  }
0x26: {  	[smem:$0x3F9B] =	sst s1;
	(tag) =	ssettag s2;
	_ =	strace s9  }
0x27: {  	s1 =	sld [smem:$0x3FAB]  }
0x28: {  	s2 =	sld [smem:$0x3FAC]  }
0x29: {  	s4 =	sld [smem:$0x3FAE]  }
0x2a: {  	p0 =	seq.s32 s5, $0x0;
	s5 =	sld [smem:$0x3FAF]  }
0x2b: {  	s6 =	sld [smem:$0x3FB0]  }
0x2c: {  	s7 =	sld [smem:$0x3FB1]  }
0x2d: {  	s3 =	simm.s32 $0x108;
	s8 =	sld [smem:$0x3FB2]  }
0x2e: {  	s3 =	simm.s32 @!p0 $0x1082;
	s9 =	sld [smem:$0x3FB3]  }
0x2f: {  	lr =	sadd.s32 s0, s3;
	s0 =	sld [smem:$0x3FAA]  }
0x30: {  	s3 =	sld [smem:$0x3FAD]  }
0x31: {  	[smem:$0x3FB6] =	sst s10  }
0x32: {  	s10 =	sld [smem:$0x3FB4];
	_ =	sdelay $0x3  }
0x33: {  	p0 =	seq.s32 s10, $0x1;
	s10 =	sld [smem:$0x3FB6];
	_ =	sdelay $0x3  }
0x34: {  	[smem:$0x3FB6] =	sst s10  }
0x35: {  	s10 =	sld [smem:$0x3FB5];
	_ =	sdelay $0x3  }
0x36: {  	p1 =	seq.s32 s10, $0x1;
	s10 =	sld [smem:$0x3FB6];
	_ =	sdelay $0x3  }
0x37: {  	[smem:$0x3FB6] =	sst s10  }
0x38: {  	s10 =	sld [smem:$0x3FB7]  }
0x39: {  	_ = 	snop;
	(pc) =	sbr.ind lr, $3  }
0x3a: {  	_ = 	snop  }
0x3b: {  	_ = 	snop  }
0x3c: {  	p2 =	seq.s32 s10, $0x1;
	s10 =	sld [smem:$0x3FB6]  }
0x3d: {  	_ =	shalt  }
0x3e: {  	_ =	shalt  }
0x3f: {  	_ =	shalt  }
0x40: {  	_ =	shalt  }
0x41: {  	_ =	shalt  }
0x42: {  	_ =	shalt  }
0x43: {  	_ =	shalt  }
0x44: {  	_ =	shalt  }
0x45: {  	_ =	shalt  }
0x46: {  	_ =	shalt  }
0x47: {  	_ =	shalt  }
0x48: {  	_ =	shalt  }
0x49: {  	_ =	shalt  }
0x4a: {  	_ =	shalt  }
0x4b: {  	_ =	shalt  }
0x4c: {  	_ =	shalt  }
0x4d: {  	_ =	shalt  }
0x4e: {  	_ =	shalt  }
0x4f: {  	_ =	shalt  }
0x50: {  	_ =	shalt  }
0x51: {  	_ =	shalt  }
0x52: {  	_ =	shalt  }
0x53: {  	_ =	shalt  }
0x54: {  	_ =	shalt  }
0x55: {  	_ =	shalt  }
0x56: {  	_ =	shalt  }
0x57: {  	_ =	shalt  }
0x58: {  	_ =	shalt  }
0x59: {  	_ =	shalt  }
0x5a: {  	_ =	shalt  }
0x5b: {  	_ =	shalt  }
0x5c: {  	_ =	shalt  }
0x5d: {  	_ =	shalt  }
0x5e: {  	_ =	shalt  }
0x5f: {  	_ =	shalt  }
0x60: {  	_ =	shalt  }
0x61: {  	_ =	shalt  }
0x62: {  	_ =	shalt  }
0x63: {  	_ =	shalt  }
0x64: {  	_ =	shalt  }
0x65: {  	_ =	shalt  }
0x66: {  	_ =	shalt  }
0x67: {  	_ =	shalt  }
0x68: {  	_ =	shalt  }
0x69: {  	_ =	shalt  }
0x6a: {  	_ =	shalt  }
0x6b: {  	_ =	shalt  }
0x6c: {  	_ =	shalt  }
0x6d: {  	_ =	shalt  }
0x6e: {  	_ =	shalt  }
0x6f: {  	_ =	shalt  }
0x70: {  	_ =	shalt  }
0x71: {  	_ =	shalt  }
0x72: {  	_ =	shalt  }
0x73: {  	_ =	shalt  }
0x74: {  	_ =	shalt  }
0x75: {  	_ =	shalt  }
0x76: {  	_ =	shalt  }
0x77: {  	_ =	shalt  }
0x78: {  	_ =	shalt  }
0x79: {  	_ =	shalt  }
0x7a: {  	_ =	shalt  }
0x7b: {  	_ =	shalt  }
0x7c: {  	_ =	shalt  }
0x7d: {  	_ =	shalt  }
0x7e: {  	_ =	shalt  }
0x7f: {  	_ =	shalt  }
0x80: {  	_ =	shalt  }
0x81: {  	_ =	shalt  }
0x82: {  	_ =	shalt  }
0x83: {  	_ =	shalt  }
0x84: {  	_ =	shalt  }
0x85: {  	_ =	shalt  }
0x86: {  	_ =	shalt  }
0x87: {  	_ =	shalt  }
.Lfunc_end0:
.L_simem_size_0:
called_computation_lowered:
.L_overlay_start_0:
0x88: {  	s2 =	sld [smem:$0x3FD9]  }
0x89: {  	s3 =	sld [smem:$0x3FFE];
	_ =	sdelay $0x1  }
0x8a: {  	s1 =	srdreg.scid  }
0x8b: {  	s0 =	sand.u32 $0x1, s1  }
0x8c: {  	s17 =	sshll.u32 s0, $0xA;
	s2 =	sadd.s32 s3, s2  }
0x8d: {  	s2 =	sadd.s32 s2, s17  }
0x8e: {  	[smem:$0x3FC2] =	sst s2  }
0x8f: {  	_ = 	snop  }
0x90: {  	s2 =	sld [smem:$0x3FD0];
	(tm) =	ssettm $0x1  }
0x91: {  	s18 =	sld [smem:$0x3FFB];
	_ =	sdelay $0x3  }
0x92: {  	_ =	strace s18  }
0x93: {  	s3 =	sld [smem:$0x3FFC];
	_ =	sdelay $0x3  }
0x94: {  	_ =	strace s3  }
0x95: {  	s3 =	sld [smem:$0x3FFD];
	_ =	sdelay $0x3  }
0x96: {  	_ =	strace s3  }
0x97: {  	_ =	strace $0x8FFFFFFF  }
0x98: {  	s19 =	sld [smem:$0x3FDB];
	_ =	sdelay $0x1  }
0x99: {  	s4 =	simm.s32 $_scs_section_size  }
0x9a: {  	s5 =	simm.s32 $_size__tile_overlayer_lowered;
	s6 =	simm.s32 $_tile_overlayer_lowered  }
0x9b: {  	s22 =	simm.s32 $0x1BFF;
	s21 =	sshll.u32 s6, $0x1;
	s3 =	sadd.s32 s4, s19  }
0x9c: {  	s7 =	simm.s32 $0x0;
	s20 =	sshll.u32 s5, $0x1;
	s5 =	sadd.s32 s21, s3  }
0x9d: {  	[timem:s7], [sflag:s22] =	dma.local [hbm:s5], s20  }
0x9e: {  	_ =	swait.ge [sflag:s22], s20  }
0x9f: {  	s4 =	ssub.s32 $0x0, s20;
	[sflag:s22] =	ssyncset.done $0x0  }
0xa0: {  	[sflag:s22] =	ssyncadd.s32 s4;
	_ =	sdelay $0x1  }
0xa1: {  	s23 =	simm.s32 $0x1B8B  }
0xa2: {  	_ =	swait.ge [sflag:s23], $0x1  }
0xa3: {  	[sflag:s23] =	ssyncset.done $0x0  }
0xa4: {  	s25 =	simm.s32 $0x1B8E;
	s24 =	sld [smem:$0x3FFE];
	[sflag:s23] =	ssyncadd.s32 $0xFFFFFFFF  }
0xa5: {  	s26 =	simm.s32 $execute0_lowered;
	[smem:$0x3FD2] =	sst s25  }
0xa6: {  	s5 =	sshll.u32 s26, $0x1;
	_ =	strace $0x80000046;
	[dreg:$0x1] =	wrdreg $0xFFFFFFFF  }
0xa7: {  	s28 =	simm.s32 $_size_execute0_lowered;
	s3 =	sadd.s32 s3, s5;
	[dreg:$0x0] =	wrdreg $0x0  }
0xa8: {  	s5 =	sshll.u32 s28, $0x1;
	[dreg:$0x2] =	wrdreg s3  }
0xa9: {  	[dreg:$0x3] =	wrdreg s5  }
0xaa: {  	[dreg:$0x4] =	wrdreg $0xC0  }
0xab: {  	_ =	task [dreg:s7], $0x5FFFF  }
0xac: {  	[dreg:$0x1] =	wrdreg $0xFFFFFFFF  }
0xad: {  	[dreg:$0x0] =	wrdreg $0x60  }
0xae: {  	[dreg:$0x2] =	wrdreg s2  }
0xaf: {  	[dreg:$0x3] =	wrdreg s24  }
0xb0: {  	[dreg:$0x4] =	wrdreg $0x5800  }
0xb1: {  	[dreg:$0x5] =	wrdreg $0x9  }
0xb2: {  	_ =	task.clear_ibuf [dreg:s7], $0x6FFFF;
	_ =	strace $0x90000046  }
0xb3: {  	s29 =	simm.s32 $0x9;
	_ =	strace $0x80000048  }
0xb4: {  	_ =	swait.ge [sflag:s29], $0x1  }
0xb5: {  	[sflag:s29] =	ssyncadd.s32 $0xFFFFFFFF  }
0xb6: {  	_ =	strace $0x90000048  }
0xb7: {  	_ =	sfence  }
0xb8: {  	s30 =	sld [smem:$0x0];
	_ =	sdelay $0x2  }
0xb9: {  	s31 =	sshll.u32 s1, $0xD;
	s1 =	sshrl.u32 s1, $0x2  }
0xba: {  	s3 =	sand.u32 $0x4000, s31;
	s1 =	sadd.s32 s1, s30  }
0xbb: {  	s0 =	sor.u32 s3, s0;
	s1 =	sshll.u32 s1, $0x11  }
0xbc: {  	s0 =	sor.u32 s1, s0  }
0xbd: {  	s0 =	sadd.s32 $0x8F2B, s0  }
0xbe: {  	[sflag:s0] =	ssyncadd.remote.s32 $0x1  }
0xbf: {  	_ =	sfence.sel $0xFFFF  }
0xc0: {  	[dreg:$0x0] =	wrdreg $0xFFFFFFFF;
	(pc) =	sbr.abs _section_cstart, $3  }
0xc1: {  	[dreg:$0x1] =	wrdreg $0xFFFFFFFF  }
0xc2: {  	_ =	task.clear_ibuf [dreg:s7], $0x2FFFF;
	_ =	strace $0x9FFFFFFF  }
0xc3: {  	(tm) =	ssettm $0x7FFFFFFF  }
tec
execute0_lowered:
.L_overlay_start_1:
0x0: {  	(tag) =	ssettag $0x1  }
0x1: {  	s13 =	rddreg [dreg:$0x0]  }
0x2: {  	s1 =	srdreg.scid;
	s4 =	rddreg [dreg:$0x1]  }
0x3: {  	s0 =	stileid.u32;
	s2 =	rddreg [dreg:$0x2]  }
0x4: {  	s3 =	simm.s32 $0x0;
	s15 =	simm.s32 $0x3;
	s16 =	simm.s32 $0x80  }
0x5: {  	s17 =	simm.s32 $0x50;
	s18 =	simm.s32 $0x100;
	s6 =	smul.u32 $0x3E8, s0  }
0x6: {  	s19 =	simm.s32 $0x2;
	s20 =	simm.s32 $0x1;
	s9 =	smul.u32 $0x4E20, s0  }
0x7: {  	s5 =	sand.u32 $0x1, s1;
	s1 =	rddreg [dreg:$0x3];
	s10 =	smul.u32 $0xFA0, s0  }
0x8: {  	s21 =	simm.s32 $0x0;
	[smem:$0x7FF] =	sst s3;
	s7 =	smul.u32 $0x2710, s5  }
0x9: {  	p0 =	sgt.u32 s0, $0x9;
	s8 =	smul.u32 $0x4E200, s5;
	s29 =	ssub.s32 $0x2, s5  }
0xa: {  	_ =	strace $0x80000047;
	s5 =	sshrl.u32 s29, $0x1;
	s30 =	sshrl.u32 s10, $0x2  }
0xb: {  	s7 =	sadd.s32 s6, s7;
	s11 =	sadd.s32 s9, s8;
	s31 =	ssub.s32 s29, s5  }
0xc: {  	s6 =	sadd.s32 s6, s2;
	s7 =	sshrl.u32 s7, $0x3;
	s9 =	sshrl.u32 s11, $0x3  }
0xd: {  	s8 =	smax.u32 s31, $0x1;
	s12 =	sadd.s32 $0x140, s11;
	s11 =	sadd.s32 $0xF0, s11  }
0xe: {  	s7 =	sadd.s32 s7, s4;
	s4 =	sadd.s32 s30, s2;
	s5 =	sadd.s32 s13, s9  }
0xf: {  	s12 =	sshrl.u32 s12, $0x3;
	s14 =	sshrl.u32 s11, $0x3;
	s7 =	sadd.s32 $0x15C00, s7  }
0x10: {  	s9 =	sadd.s32 $0xA, s5;
	s10 =	sadd.s32 $0x14, s5;
	s11 =	sadd.s32 $0x9BA, s5  }
0x11: {  	v0 =	vimm.f32 $1.000000000e+00;
	v1 =	vimm.f32 $0.0e+00;
	s12 =	sadd.s32 s12, s13;
	s13 =	sadd.s32 s14, s13;
	s14 =	simm.s32 $0x180  }
.LBB2_1:
.Ltmp0:
0x12: {  	[tilespmem:$0x100] =	vst v0;
	(pc) =	sbr.rel @p0 .LBB2_5-.Ltmp0, $4  }
0x13: {  	[tilespmem:$0x110] =	vst v0  }
0x14: {  	[tilespmem:$0x120] =	vst v0  }
0x15: {  	[tilespmem:$0x130] =	vst v0  }
0x16: {  	[tilespmem:$0x140] =	vst v0  }
0x17: {  	s22 =	simm.s32 $0x40;
	s23 =	simm.s32 $0x0  }
.LBB2_3:
0x18: {  	p1 =	sne.s32 s22, $0xF80;
	[tilespmem:s23+$0x180] =	vst v1;
	s23 =	smov.u32 s22;
	s22 =	sadd.s32 $0x40, s22  }
.Ltmp1:
0x19: {  	(pc) =	sbr.rel @p1 .LBB2_3-.Ltmp1, $2  }
0x1a: {  	_ =	sdelay $0x2  }
0x1b: {  	s23 =	sshra.s32 s23, $0x2  }
0x1c: {  	[tilespmem:s23+$0x180] =	vst v1  }
0x1d: {  	[spmem:s4] =	stream.linear.scatter [tilespmem:s14], [sflag:$0x3], $0x3E8, $0x38;
	[tilespmem:$0x7F8] =	vst v63  }
0x1e: {  	_ =	swait.ge [sflag:s15], $0x3E8  }
0x1f: {  	[sflag:s15] =	ssyncset.done $0x0  }
0x20: {  	[sflag:s15] =	ssyncadd.s32 $0xFFFFFC18  }
.LBB2_5:
0x21: {  	[bflag:$0x0] =	sbarrier.arrive $0xFFFF;
	s22 =	simm.s32 $0x0  }
0x22: {  	[tilespmem:s22], [sflag:$0x3] =	stream.linear.gather [hbm4b:s5+s22], $0x50, $0x38;
	[tilespmem:$0x7F8] =	vst v63  }
0x23: {  	_ =	swait.ge [sflag:s15], $0x50  }
0x24: {  	[sflag:s15] =	ssyncset.done $0x0  }
0x25: {  	[sflag:s15] =	ssyncadd.s32 $0xFFFFFFB0  }
0x26: {  	[tilespmem:s16], [sflag:$0x2] =	stream.linear.gather [hbm4b:s9+s22], $0x50, $0x38;
	[tilespmem:$0x7F8] =	vst v63  }
0x27: {  	_ = 	snop  }
0x28: {  	[spmem:s2] =	stream.indirect.scatter.add.f32 [tilespmem:s18], [sflag:$0x3], $0x1, s22, s17, $0xb8;
	[tilespmem:$0x7F8] =	vst v63  }
0x29: {  	_ =	swait.ge [sflag:s15], $0x50  }
0x2a: {  	[sflag:s15] =	ssyncset.done $0x0  }
0x2b: {  	[sflag:s15] =	ssyncadd.s32 $0xFFFFFFB0  }
0x2c: {  	[tilespmem:s22], [sflag:$0x1] =	stream.linear.gather [hbm4b:s10+s22], $0x50, $0x38;
	[tilespmem:$0x7F8] =	vst v63  }
0x2d: {  	_ =	swait.ge [sflag:s19], $0x50  }
0x2e: {  	[sflag:s19] =	ssyncset.done $0x0  }
0x2f: {  	[sflag:s19] =	ssyncadd.s32 $0xFFFFFFB0  }
0x30: {  	[spmem:s2] =	stream.indirect.scatter.add.f32 [tilespmem:s18], [sflag:$0x3], $0x1, s16, s17, $0xb8;
	[tilespmem:$0x7F8] =	vst v63  }
0x31: {  	_ =	swait.ge [sflag:s15], $0x50  }
0x32: {  	[sflag:s15] =	ssyncset.done $0x0  }
0x33: {  	s30 =	sadd.s32 $0x0, s13;
	[sflag:s15] =	ssyncadd.s32 $0xFFFFFFB0  }
0x34: {  	[tilespmem:s16], [sflag:$0x2] =	stream.linear.gather [hbm4b:s30+s3], $0x50, $0x38;
	[tilespmem:$0x7F8] =	vst v63  }
0x35: {  	_ =	swait.ge [sflag:s20], $0x50  }
0x36: {  	[sflag:s20] =	ssyncset.done $0x0  }
0x37: {  	[sflag:s20] =	ssyncadd.s32 $0xFFFFFFB0  }
0x38: {  	[spmem:s2] =	stream.indirect.scatter.add.f32 [tilespmem:s18], [sflag:$0x3], $0x1, s3, s17, $0xb8;
	[tilespmem:$0x7F8] =	vst v63  }
0x39: {  	_ =	swait.ge [sflag:s15], $0x50  }
0x3a: {  	[sflag:s15] =	ssyncset.done $0x0  }
0x3b: {  	s31 =	sadd.s32 $0x0, s12;
	[sflag:s15] =	ssyncadd.s32 $0xFFFFFFB0  }
0x3c: {  	[tilespmem:s3], [sflag:$0x1] =	stream.linear.gather [hbm4b:s31+s3], $0x50, $0x38;
	[tilespmem:$0x7F8] =	vst v63  }
0x3d: {  	_ =	swait.ge [sflag:s19], $0x50  }
0x3e: {  	[sflag:s19] =	ssyncset.done $0x0  }
0x3f: {  	[sflag:s19] =	ssyncadd.s32 $0xFFFFFFB0  }
0x40: {  	[spmem:s2] =	stream.indirect.scatter.add.f32 [tilespmem:s18], [sflag:$0x3], $0x1, s16, s17, $0xb8;
	[tilespmem:$0x7F8] =	vst v63  }
0x41: {  	_ =	swait.ge [sflag:s15], $0x50  }
0x42: {  	s23 =	simm.s32 $0x28;
	s22 =	simm.s32 $0x14;
	[sflag:s15] =	ssyncset.done $0x0  }
.LBB2_6:
0x43: {  	s24 =	sadd.s32 s22, s13  }
0x44: {  	[sflag:s15] =	ssyncadd.s32 $0xFFFFFFB0;
	s25 =	smov.u32 s23;
	s26 =	sadd.s32 $0x14, s23  }
0x45: {  	[tilespmem:s16], [sflag:$0x2] =	stream.linear.gather [hbm4b:s24+s3], $0x50, $0x38;
	[tilespmem:$0x7F8] =	vst v63  }
0x46: {  	p1 =	sne.s32 s23, $0x988;
	_ =	swait.ge [sflag:s20], $0x50  }
0x47: {  	[sflag:s20] =	ssyncset.done $0x0  }
0x48: {  	[sflag:s20] =	ssyncadd.s32 $0xFFFFFFB0  }
0x49: {  	[spmem:s2] =	stream.indirect.scatter.add.f32 [tilespmem:s18], [sflag:$0x3], $0x1, s3, s17, $0xb8;
	[tilespmem:$0x7F8] =	vst v63  }
0x4a: {  	_ =	swait.ge [sflag:s15], $0x50  }
0x4b: {  	[sflag:s15] =	ssyncset.done $0x0  }
0x4c: {  	s23 =	sadd.s32 s22, s12;
	s22 =	smov.u32 s25;
	[sflag:s15] =	ssyncadd.s32 $0xFFFFFFB0  }
0x4d: {  	[tilespmem:s3], [sflag:$0x1] =	stream.linear.gather [hbm4b:s23+s3], $0x50, $0x38;
	[tilespmem:$0x7F8] =	vst v63  }
0x4e: {  	_ =	swait.ge [sflag:s19], $0x50  }
.Ltmp2:
0x4f: {  	[sflag:s19] =	ssyncset.done $0x0;
	(pc) =	sbr.rel @p1 .LBB2_6-.Ltmp2, $4  }
0x50: {  	[sflag:s19] =	ssyncadd.s32 $0xFFFFFFB0  }
0x51: {  	[spmem:s2] =	stream.indirect.scatter.add.f32 [tilespmem:s18], [sflag:$0x3], $0x1, s16, s17, $0xb8;
	[tilespmem:$0x7F8] =	vst v63  }
0x52: {  	_ =	swait.ge [sflag:s15], $0x50  }
0x53: {  	s23 =	smov.u32 s26;
	[sflag:s15] =	ssyncset.done $0x0  }
0x54: {  	s23 =	sadd.s32 s22, s13;
	[sflag:s15] =	ssyncadd.s32 $0xFFFFFFB0  }
0x55: {  	[tilespmem:s16], [sflag:$0x2] =	stream.linear.gather [hbm4b:s23+s3], $0x50, $0x38;
	[tilespmem:$0x7F8] =	vst v63  }
0x56: {  	_ =	swait.ge [sflag:s20], $0x50  }
0x57: {  	[sflag:s20] =	ssyncset.done $0x0  }
0x58: {  	[sflag:s20] =	ssyncadd.s32 $0xFFFFFFB0  }
0x59: {  	[spmem:s2] =	stream.indirect.scatter.add.f32 [tilespmem:s18], [sflag:$0x3], $0x1, s3, s17, $0xb8;
	[tilespmem:$0x7F8] =	vst v63  }
0x5a: {  	_ =	swait.ge [sflag:s15], $0x50  }
0x5b: {  	[sflag:s15] =	ssyncset.done $0x0  }
0x5c: {  	s31 =	sadd.s32 s22, s12;
	[sflag:s15] =	ssyncadd.s32 $0xFFFFFFB0  }
0x5d: {  	[tilespmem:s3], [sflag:$0x1] =	stream.linear.gather [hbm4b:s31+s3], $0x50, $0x38;
	[tilespmem:$0x7F8] =	vst v63  }
0x5e: {  	_ =	swait.ge [sflag:s19], $0x50  }
0x5f: {  	[sflag:s19] =	ssyncset.done $0x0  }
0x60: {  	[sflag:s19] =	ssyncadd.s32 $0xFFFFFFB0  }
0x61: {  	[spmem:s2] =	stream.indirect.scatter.add.f32 [tilespmem:s18], [sflag:$0x3], $0x1, s16, s17, $0xb8;
	[tilespmem:$0x7F8] =	vst v63  }
0x62: {  	_ =	swait.ge [sflag:s15], $0x50  }
0x63: {  	[sflag:s15] =	ssyncset.done $0x0  }
0x64: {  	[sflag:s15] =	ssyncadd.s32 $0xFFFFFFB0  }
0x65: {  	[tilespmem:s16], [sflag:$0x2] =	stream.linear.gather [hbm4b:s11+s3], $0x50, $0x38;
	[tilespmem:$0x7F8] =	vst v63  }
0x66: {  	_ =	swait.ge [sflag:s20], $0x50  }
0x67: {  	[sflag:s20] =	ssyncset.done $0x0  }
0x68: {  	[sflag:s20] =	ssyncadd.s32 $0xFFFFFFB0  }
0x69: {  	[spmem:s2] =	stream.indirect.scatter.add.f32 [tilespmem:s18], [sflag:$0x3], $0x1, s3, s17, $0xb8;
	[tilespmem:$0x7F8] =	vst v63  }
0x6a: {  	_ =	swait.ge [sflag:s15], $0x50  }
0x6b: {  	[sflag:s15] =	ssyncset.done $0x0  }
0x6c: {  	[sflag:s15] =	ssyncadd.s32 $0xFFFFFFB0  }
0x6d: {  	_ =	swait.ge [sflag:s19], $0x50  }
0x6e: {  	[sflag:s19] =	ssyncset.done $0x0  }
0x6f: {  	[sflag:s19] =	ssyncadd.s32 $0xFFFFFFB0  }
0x70: {  	[spmem:s2] =	stream.indirect.scatter.add.f32 [tilespmem:s18], [sflag:$0x3], $0x1, s16, s17, $0xb8;
	[tilespmem:$0x7F8] =	vst v63  }
0x71: {  	_ =	swait.ge [sflag:s15], $0x50  }
0x72: {  	[sflag:s15] =	ssyncset.done $0x0  }
0x73: {  	[sflag:s15] =	ssyncadd.s32 $0xFFFFFFB0  }
0x74: {  	s22 =	simm.s32 @!p0 $0x180;
	s23 =	simm.s32 @!p0 $0x3;
	[bflag:$0x0] =	sbarrier.arrive $0xFFFF  }
0x75: {  	[tilespmem:s22], [sflag:$0x3] =	stream.linear.gather @!p0 [spmem:s6], $0x3E8, $0x38;
	[tilespmem:$0x7F8] =	vst v63  }
0x76: {  	s21 =	sadd.s32 $0x1, s21;
	_ =	swait.ge @!p0 [sflag:s23], $0x3E8  }
0x77: {  	p1 =	sne.s32 s21, s8;
	[sflag:s23] =	ssyncset.done @!p0 $0x0  }
.Ltmp3:
0x78: {  	s24 =	simm.s32 @!p0 $0x0;
	[sflag:s23] =	ssyncadd.s32 @!p0 $0xFFFFFC18;
	(pc) =	sbr.rel @p1 .LBB2_1-.Ltmp3, $4  }
0x79: {  	[hbm4b:s7+s24] =	stream.linear.scatter @!p0 [tilespmem:s22], [sflag:$0x3], $0x3E8, $0x38;
	[tilespmem:$0x7F8] =	vst v63  }
0x7a: {  	_ =	swait.ge @!p0 [sflag:s23], $0x3E8  }
0x7b: {  	[sflag:s23] =	ssyncset.done @!p0 $0x0  }
0x7c: {  	[sflag:s23] =	ssyncadd.s32 @!p0 $0xFFFFFC18  }
0x7d: {  	_ =	sfence.sel $0x180000  }
0x7e: {  	[bflag:$0x0] =	sbarrier.arrive $0xFFFF  }
0x7f: {  	p0 =	sne.s32 s0, $0x0;
	_ =	strace $0x90000047  }
0x80: {  	s0 =	sadd.s32 @!p0 $0x100000, s1;
	[bflag:$0x2] =	sbarrier.arrive $0xFFFF  }
0x81: {  	[sflag:s0] =	ssyncadd.tile.s32 @!p0 $0x1;
	_ =	shalt  }
.Lfunc_end2:
_tile_overlayer_lowered:
.L_overlay_start_2:
0x82: {  	(tag) =	ssettag $0x2  }
0x83: {  	s0 =	rddreg [dreg:$0x0];
	s2 =	stileid.u32  }
0x84: {  	s1 =	rddreg [dreg:$0x1];
	p0 =	sne.s32 s2, $0x0  }
0x85: {  	s3 =	rddreg [dreg:$0x2];
	[bflag:$0x3] =	sbarrier.arrive $0xFFFF;
	s2 =	simm.s32 @!p0 $0x1C03  }
0x86: {  	[timem:s3], [sflag:s2] =	dma.local @!p0 [hbm:s0], s1  }
0x87: {  	s0 =	simm.s32 @!p0 $0x3  }
0x88: {  	_ =	swait.ge @!p0 [sflag:s0], s1  }
0x89: {  	s1 =	ssub.s32 @!p0 $0x0, s1;
	[sflag:s0] =	ssyncset.done @!p0 $0x0  }
0x8a: {  	[sflag:s0] =	ssyncadd.s32 @!p0 s1  }
0x8b: {  	[bflag:$0x3] =	sbarrier.arrive $0xFFFF  }
0x8c: {  	_ =	shalt  }

</sc_bundles>
